<compile_context>
chip_gen: v7x
topology: tpu7x:2x2x1
jax: 0.10.2.dev20260603
libtpu: 0.0.44.dev20260713+nightly
codegen_flags: <defaults>
</compile_context>

<pallas_src>
import functools

import jax
import jax.numpy as jnp
from jax import lax
from jax.experimental import pallas as pl
from jax.experimental.pallas import tpu as pltpu
from jax.experimental.pallas import tpu_sc as plsc

_L = 16
_EPS = 1e-5
_IDX_A = 104
_IDX_B = 96


def kernel(actions, action_table, temporal_table, gamma, beta):
    B, T = actions.shape
    D = action_table.shape[1]

    info = plsc.get_sparse_core_info()
    nw = info.num_cores * info.num_subcores
    rows_per_w = B // nw

    t0s = list(range(0, (T // _L) * _L - _L + 1, _L)) + [T - _L]
    nb = len(t0s)
    inv_d = 1.0 / D

    mesh = plsc.VectorSubcoreMesh(core_axis_name="c", subcore_axis_name="s")

    @functools.partial(
        pl.kernel,
        mesh=mesh,
        compiler_params=pltpu.CompilerParams(
            needs_layout_passes=False, use_tc_tiling_on_sc=False),
        out_type=jax.ShapeDtypeStruct((B * T, D), jnp.float32),
        scratch_types=[
            pltpu.VMEM((rows_per_w * T,), jnp.int32),
            pltpu.VMEM((T, D), jnp.float32),
            pltpu.VMEM((T, D), jnp.float32),
            pltpu.VMEM((D, T), jnp.float32),
            pltpu.VMEM((D, nb * _L), jnp.float32),
            pltpu.VMEM((D,), jnp.float32),
            pltpu.VMEM((D,), jnp.float32),
            pltpu.SemaphoreType.DMA,
            pltpu.SemaphoreType.DMA,
        ],
    )
    def k(actions_hbm, table_hbm, temporal_t_hbm, gamma_hbm, beta_hbm,
          out_hbm, idx_all, rows0, rows1, temp_t, y_t, g_v, b_v,
          sem_g, sem_o):
        wid = lax.axis_index("s") * info.num_cores + lax.axis_index("c")
        wbase = wid * rows_per_w * T
        pltpu.sync_copy(temporal_t_hbm, temp_t)
        pltpu.sync_copy(gamma_hbm, g_v)
        pltpu.sync_copy(beta_hbm, b_v)
        pltpu.sync_copy(actions_hbm.at[pl.ds(wbase, rows_per_w * T)],
                        idx_all)
        lane = lax.iota(jnp.int32, _L)
        tvecs = [t0 + lane for t0 in t0s]
        rows = (rows0, rows1)

        def issue_gather(r, buf):
            off = r * T
            c1 = pltpu.async_copy(
                table_hbm.at[idx_all.at[pl.ds(off, _IDX_A)]],
                buf.at[pl.ds(0, _IDX_A)], sem_g)
            c2 = pltpu.async_copy(
                table_hbm.at[idx_all.at[pl.ds(off + _IDX_A, _IDX_B)]],
                buf.at[pl.ds(_IDX_A, _IDX_B)], sem_g)
            return c1, c2

        def wait_gather():
            pltpu.make_async_copy(
                table_hbm.at[idx_all.at[pl.ds(0, _IDX_A)]],
                rows0.at[pl.ds(0, _IDX_A)], sem_g).wait()
            pltpu.make_async_copy(
                table_hbm.at[idx_all.at[pl.ds(0, _IDX_B)]],
                rows0.at[pl.ds(0, _IDX_B)], sem_g).wait()

        def compute(buf):
            def pass1(d, acc):
                sums, sqs = acc
                dvec = jnp.broadcast_to(d, (_L,))
                new_sums = []
                new_sqs = []
                for bi in range(nb):
                    x = plsc.load_gather(buf, [tvecs[bi], dvec])
                    y = x + temp_t[d, pl.ds(t0s[bi], _L)]
                    y_t[d, pl.ds(bi * _L, _L)] = y
                    new_sums.append(sums[bi] + y)
                    new_sqs.append(sqs[bi] + y * y)
                return tuple(new_sums), tuple(new_sqs)

            zeros = tuple(jnp.zeros((_L,), jnp.float32) for _ in range(nb))
            sums, sqs = lax.fori_loop(0, D, pass1, (zeros, zeros))

            means = []
            rstds = []
            for bi in range(nb):
                mean = sums[bi] * inv_d
                var = sqs[bi] * inv_d - mean * mean
                x = var + _EPS
                xi = lax.bitcast_convert_type(x, jnp.int32)
                yi = jnp.int32(0x5F3759DF) - (xi >> 1)
                rr = lax.bitcast_convert_type(yi, jnp.float32)
                rr = rr * (1.5 - 0.5 * x * rr * rr)
                rr = rr * (1.5 - 0.5 * x * rr * rr)
                means.append(mean)
                rstds.append(rr)

            def pass2(d, carry2):
                dvec = jnp.broadcast_to(d, (_L,))
                gs = plsc.load_gather(g_v, [dvec])
                bs = plsc.load_gather(b_v, [dvec])
                for bi in range(nb):
                    y = y_t[d, pl.ds(bi * _L, _L)]
                    o = (y - means[bi]) * rstds[bi] * gs + bs
                    plsc.store_scatter(buf, [tvecs[bi], dvec], o)
                return carry2

            lax.fori_loop(0, D, pass2, 0)

        def wait_out(buf):
            pltpu.make_async_copy(buf, out_hbm.at[pl.ds(0, T)], sem_o).wait()

        issue_gather(0, rows0)

        def outer(g2, _):
            for b in range(2):
                r = 2 * g2 + b
                wait_gather()
                if b == 0:
                    @pl.when(g2 >= 1)
                    def _():
                        wait_out(rows1)
                    issue_gather(r + 1, rows1)
                else:
                    wait_out(rows0)

                    @pl.when(g2 < (rows_per_w // 2) - 1)
                    def _():
                        issue_gather(r + 1, rows0)
                compute(rows[b])
                pltpu.async_copy(
                    rows[b], out_hbm.at[pl.ds(wbase + r * T, T)], sem_o)
            return 0

        lax.fori_loop(0, rows_per_w // 2, outer, 0)
        wait_out(rows1)

    out = k(actions.reshape(-1), action_table, temporal_table.T,
            gamma, beta)
    return out.reshape(B, T, D)

# --- scband reference (transcript-rebuilt; emitter-appended) ---
"""Pipeline reference for scband-action-tokenizer-24524263260799 (READ-ONLY COPY).

The authoritative reference and input builder live on the scoring server;
editing this copy changes nothing except your own understanding.
"""

import jax, jax.numpy as jnp
import numpy as np

NUM_ACTIONS = 100000
EMBED_DIM = 64
MAX_HISTORY = 200
BATCH = 4096
T = 200


def setup_inputs(seed: int = 0) -> dict:
    key = jax.random.key(seed)
    k1, k2, k3 = jax.random.split(key, 3)
    actions = jax.random.randint(k1, (BATCH, T), 0, NUM_ACTIONS, dtype=jnp.int32)
    action_table = jax.random.normal(k2, (NUM_ACTIONS + 1, EMBED_DIM), dtype=jnp.float32)
    # padding_idx=NUM_ACTIONS -> that row is zero-initialized in torch
    action_table = action_table.at[NUM_ACTIONS].set(0.0)
    temporal_table = jax.random.normal(k3, (MAX_HISTORY, EMBED_DIM), dtype=jnp.float32)
    gamma = jnp.ones((EMBED_DIM,), dtype=jnp.float32)
    beta = jnp.zeros((EMBED_DIM,), dtype=jnp.float32)
    return {"actions": actions, "action_table": action_table, "temporal_table": temporal_table, "gamma": gamma, "beta": beta}


def reference(actions, action_table, temporal_table, gamma, beta):
    B, Tl = actions.shape
    action_embeds = jnp.take(action_table, actions, axis=0)  # (B, T, D) gather
    positions = jnp.arange(Tl, dtype=jnp.int32)
    temporal_embeds = jnp.take(temporal_table, positions, axis=0)[None, :, :]  # (1, T, D)
    embeds = action_embeds + temporal_embeds
    # LayerNorm over last dim, eps=1e-5
    mean = jnp.mean(embeds, axis=-1, keepdims=True)
    var = jnp.mean((embeds - mean) ** 2, axis=-1, keepdims=True)
    normed = (embeds - mean) / jnp.sqrt(var + 1e-5)
    out = normed * gamma + beta
    return out

if __name__ == "__main__":
    import jax
    _d = setup_inputs()
    print(jax.jit(kernel)(*tuple(_d.values())))

</pallas_src>

<mosaic_0001>
#map = affine_map<(d0, d1) -> (0)>
#map1 = affine_map<(d0, d1) -> (0, 0)>
module attributes {stable_mosaic.version = 14 : i64} {
  func.func @k(%arg0: i32, %arg1: i32, %arg2: memref<819200xi32, #tpu.memory_space<hbm>>, %arg3: memref<100001x64xf32, #tpu.memory_space<hbm>>, %arg4: memref<64x200xf32, #tpu.memory_space<hbm>>, %arg5: memref<64xf32, #tpu.memory_space<hbm>>, %arg6: memref<64xf32, #tpu.memory_space<hbm>>, %arg7: memref<819200x64xf32, #tpu.memory_space<hbm>>, %arg8: memref<25600xi32, #tpu.memory_space<vmem>>, %arg9: memref<200x64xf32, #tpu.memory_space<vmem>>, %arg10: memref<200x64xf32, #tpu.memory_space<vmem>>, %arg11: memref<64x200xf32, #tpu.memory_space<vmem>>, %arg12: memref<64x208xf32, #tpu.memory_space<vmem>>, %arg13: memref<64xf32, #tpu.memory_space<vmem>>, %arg14: memref<64xf32, #tpu.memory_space<vmem>>, %arg15: memref<!tpu.dma_semaphore, #tpu.memory_space<semaphore_mem>>, %arg16: memref<!tpu.dma_semaphore, #tpu.memory_space<semaphore_mem>>) attributes {dimension_semantics = [#tpu.dimension_semantics<core_parallel>, #tpu.dimension_semantics<subcore_parallel>], iteration_bounds = array<i64: 2, 16>, scalar_prefetch = 0 : i64, scratch_operands = 9 : i64, tpu.core_type = #tpu.core_type<sc_vector_subcore>, window_params = [{transform_indices = #map}, {transform_indices = #map1}, {transform_indices = #map1}, {transform_indices = #map}, {transform_indices = #map}, {transform_indices = #map1}]} {
    %mul3A = arith.constant 2 : i32
    %mul3A_0 = arith.muli %arg1, %mul3A : i32
    %add3A = arith.addi %mul3A_0, %arg0 : i32
    %mul3A_1 = arith.constant 128 : i32
    %mul3A_2 = arith.muli %add3A, %mul3A_1 : i32
    %mul3A_3 = arith.constant 200 : i32
    %mul3A_4 = arith.muli %mul3A_2, %mul3A_3 : i32
    "tpu.region"() ({
      %run_scoped3A = tpu.sem_alloc : memref<!tpu.dma_semaphore, #tpu.memory_space<semaphore_mem>>
      tpu.enqueue_dma source(%arg4 : memref<64x200xf32, #tpu.memory_space<hbm>>) target(%arg11 : memref<64x200xf32, #tpu.memory_space<vmem>>) target_semaphore(%run_scoped3A : memref<!tpu.dma_semaphore, #tpu.memory_space<semaphore_mem>>)
      tpu.wait_dma2 semaphore(%run_scoped3A : memref<!tpu.dma_semaphore, #tpu.memory_space<semaphore_mem>>) src(%arg4 : memref<64x200xf32, #tpu.memory_space<hbm>>) dst(%arg11 : memref<64x200xf32, #tpu.memory_space<vmem>>)
      tpu.yield
    }) : () -> ()
    "tpu.region"() ({
      %run_scoped3A = tpu.sem_alloc : memref<!tpu.dma_semaphore, #tpu.memory_space<semaphore_mem>>
      tpu.enqueue_dma source(%arg5 : memref<64xf32, #tpu.memory_space<hbm>>) target(%arg13 : memref<64xf32, #tpu.memory_space<vmem>>) target_semaphore(%run_scoped3A : memref<!tpu.dma_semaphore, #tpu.memory_space<semaphore_mem>>)
      tpu.wait_dma2 semaphore(%run_scoped3A : memref<!tpu.dma_semaphore, #tpu.memory_space<semaphore_mem>>) src(%arg5 : memref<64xf32, #tpu.memory_space<hbm>>) dst(%arg13 : memref<64xf32, #tpu.memory_space<vmem>>)
      tpu.yield
    }) : () -> ()
    "tpu.region"() ({
      %run_scoped3A = tpu.sem_alloc : memref<!tpu.dma_semaphore, #tpu.memory_space<semaphore_mem>>
      tpu.enqueue_dma source(%arg6 : memref<64xf32, #tpu.memory_space<hbm>>) target(%arg14 : memref<64xf32, #tpu.memory_space<vmem>>) target_semaphore(%run_scoped3A : memref<!tpu.dma_semaphore, #tpu.memory_space<semaphore_mem>>)
      tpu.wait_dma2 semaphore(%run_scoped3A : memref<!tpu.dma_semaphore, #tpu.memory_space<semaphore_mem>>) src(%arg6 : memref<64xf32, #tpu.memory_space<hbm>>) dst(%arg14 : memref<64xf32, #tpu.memory_space<vmem>>)
      tpu.yield
    }) : () -> ()
    "tpu.region"() ({
      %run_scoped3A = tpu.sem_alloc : memref<!tpu.dma_semaphore, #tpu.memory_space<semaphore_mem>>
      %dma_start3A_70 = tpu.memref_slice %arg2[%mul3A_4] : memref<819200xi32, #tpu.memory_space<hbm>> -> memref<25600xi32, #tpu.memory_space<hbm>>
      %dma_start3A_71 = tpu.memref_slice %arg2[%mul3A_4] : memref<819200xi32, #tpu.memory_space<hbm>> -> memref<25600xi32, #tpu.memory_space<hbm>>
      tpu.enqueue_dma source(%dma_start3A_71 : memref<25600xi32, #tpu.memory_space<hbm>>) target(%arg8 : memref<25600xi32, #tpu.memory_space<vmem>>) target_semaphore(%run_scoped3A : memref<!tpu.dma_semaphore, #tpu.memory_space<semaphore_mem>>)
      %dma_wait3A_72 = tpu.memref_slice %arg2[%mul3A_4] : memref<819200xi32, #tpu.memory_space<hbm>> -> memref<25600xi32, #tpu.memory_space<hbm>>
      %dma_wait3A_73 = tpu.memref_slice %arg2[%mul3A_4] : memref<819200xi32, #tpu.memory_space<hbm>> -> memref<25600xi32, #tpu.memory_space<hbm>>
      tpu.wait_dma2 semaphore(%run_scoped3A : memref<!tpu.dma_semaphore, #tpu.memory_space<semaphore_mem>>) src(%dma_wait3A_73 : memref<25600xi32, #tpu.memory_space<hbm>>) dst(%arg8 : memref<25600xi32, #tpu.memory_space<vmem>>)
      tpu.yield
    }) : () -> ()
    %iota3A = tpu.iota {dimensions = array<i32: 0>} : vector<16xi32>
    %add3A_5 = arith.constant 0 : i32
    %add3A_6 = vector.broadcast %add3A_5 : i32 to vector<16xi32>
    %add3A_7 = arith.addi %add3A_6, %iota3A : vector<16xi32>
    %add3A_8 = arith.constant 16 : i32
    %add3A_9 = vector.broadcast %add3A_8 : i32 to vector<16xi32>
    %add3A_10 = arith.addi %add3A_9, %iota3A : vector<16xi32>
    %add3A_11 = arith.constant 32 : i32
    %add3A_12 = vector.broadcast %add3A_11 : i32 to vector<16xi32>
    %add3A_13 = arith.addi %add3A_12, %iota3A : vector<16xi32>
    %add3A_14 = arith.constant 48 : i32
    %add3A_15 = vector.broadcast %add3A_14 : i32 to vector<16xi32>
    %add3A_16 = arith.addi %add3A_15, %iota3A : vector<16xi32>
    %add3A_17 = arith.constant 64 : i32
    %add3A_18 = vector.broadcast %add3A_17 : i32 to vector<16xi32>
    %add3A_19 = arith.addi %add3A_18, %iota3A : vector<16xi32>
    %add3A_20 = arith.constant 80 : i32
    %add3A_21 = vector.broadcast %add3A_20 : i32 to vector<16xi32>
    %add3A_22 = arith.addi %add3A_21, %iota3A : vector<16xi32>
    %add3A_23 = arith.constant 96 : i32
    %add3A_24 = vector.broadcast %add3A_23 : i32 to vector<16xi32>
    %add3A_25 = arith.addi %add3A_24, %iota3A : vector<16xi32>
    %add3A_26 = arith.constant 112 : i32
    %add3A_27 = vector.broadcast %add3A_26 : i32 to vector<16xi32>
    %add3A_28 = arith.addi %add3A_27, %iota3A : vector<16xi32>
    %add3A_29 = arith.constant 128 : i32
    %add3A_30 = vector.broadcast %add3A_29 : i32 to vector<16xi32>
    %add3A_31 = arith.addi %add3A_30, %iota3A : vector<16xi32>
    %add3A_32 = arith.constant 144 : i32
    %add3A_33 = vector.broadcast %add3A_32 : i32 to vector<16xi32>
    %add3A_34 = arith.addi %add3A_33, %iota3A : vector<16xi32>
    %add3A_35 = arith.constant 160 : i32
    %add3A_36 = vector.broadcast %add3A_35 : i32 to vector<16xi32>
    %add3A_37 = arith.addi %add3A_36, %iota3A : vector<16xi32>
    %add3A_38 = arith.constant 176 : i32
    %add3A_39 = vector.broadcast %add3A_38 : i32 to vector<16xi32>
    %add3A_40 = arith.addi %add3A_39, %iota3A : vector<16xi32>
    %add3A_41 = arith.constant 184 : i32
    %add3A_42 = vector.broadcast %add3A_41 : i32 to vector<16xi32>
    %add3A_43 = arith.addi %add3A_42, %iota3A : vector<16xi32>
    %dma_start3A = arith.constant 0 : i32
    %dma_start3A_44 = arith.constant 0 : i32
    %dma_start3A_45 = tpu.memref_slice %arg9[%dma_start3A, %dma_start3A_44] : memref<200x64xf32, #tpu.memory_space<vmem>> -> memref<104x64xf32, #tpu.memory_space<vmem>>
    %dma_start3A_46 = arith.constant 0 : i32
    %dma_start3A_47 = tpu.memref_slice %arg8[%dma_start3A_46] : memref<25600xi32, #tpu.memory_space<vmem>> -> memref<104xi32, #tpu.memory_space<vmem>>
    %dma_start3A_48 = arith.constant 0 : i32
    %dma_start3A_49 = arith.constant 0 : i32
    %dma_start3A_50 = tpu.memref_slice %arg3[%dma_start3A_48, %dma_start3A_49] : memref<100001x64xf32, #tpu.memory_space<hbm>> -> memref<100001x64xf32, #tpu.memory_space<hbm>>
    tpu.enqueue_indirect_dma source(%dma_start3A_50 : memref<100001x64xf32, #tpu.memory_space<hbm>>) target(%dma_start3A_45 : memref<104x64xf32, #tpu.memory_space<vmem>>) offsets(%dma_start3A_47 : memref<104xi32, #tpu.memory_space<vmem>>) semaphore(%arg15 : memref<!tpu.dma_semaphore, #tpu.memory_space<semaphore_mem>>)
    %dma_start3A_51 = arith.constant 104 : i32
    %dma_start3A_52 = arith.constant 0 : i32
    %dma_start3A_53 = tpu.memref_slice %arg9[%dma_start3A_51, %dma_start3A_52] : memref<200x64xf32, #tpu.memory_space<vmem>> -> memref<96x64xf32, #tpu.memory_space<vmem>>
    %dma_start3A_54 = arith.constant 104 : i32
    %dma_start3A_55 = tpu.memref_slice %arg8[%dma_start3A_54] : memref<25600xi32, #tpu.memory_space<vmem>> -> memref<96xi32, #tpu.memory_space<vmem>>
    %dma_start3A_56 = arith.constant 0 : i32
    %dma_start3A_57 = arith.constant 0 : i32
    %dma_start3A_58 = tpu.memref_slice %arg3[%dma_start3A_56, %dma_start3A_57] : memref<100001x64xf32, #tpu.memory_space<hbm>> -> memref<100001x64xf32, #tpu.memory_space<hbm>>
    tpu.enqueue_indirect_dma source(%dma_start3A_58 : memref<100001x64xf32, #tpu.memory_space<hbm>>) target(%dma_start3A_53 : memref<96x64xf32, #tpu.memory_space<vmem>>) offsets(%dma_start3A_55 : memref<96xi32, #tpu.memory_space<vmem>>) semaphore(%arg15 : memref<!tpu.dma_semaphore, #tpu.memory_space<semaphore_mem>>)
    %scan3A = arith.constant 0 : i32
    %scan3A_59 = arith.constant 0 : i32
    %scan3A_60 = arith.constant 64 : i32
    %scan3A_61 = arith.addi %scan3A_59, %scan3A_60 : i32
    %scan3A_62 = arith.constant 1 : i32
    %scan3A_63 = scf.for %scan3A_70 = %scan3A_59 to %scan3A_61 step %scan3A_62 iter_args(%scan3A_71 = %scan3A) -> (i32)  : i32 {
      %mul3A_72 = arith.constant 2 : i32
      %mul3A_73 = arith.muli %mul3A_72, %scan3A_70 : i32
      %add3A_74 = arith.constant 0 : i32
      %add3A_75 = arith.addi %mul3A_73, %add3A_74 : i32
      %dma_wait3A_76 = arith.constant 0 : i32
      %dma_wait3A_77 = arith.constant 0 : i32
      %dma_wait3A_78 = tpu.memref_slice %arg9[%dma_wait3A_76, %dma_wait3A_77] : memref<200x64xf32, #tpu.memory_space<vmem>> -> memref<104x64xf32, #tpu.memory_space<vmem>>
      %dma_wait3A_79 = arith.constant 0 : i32
      %dma_wait3A_80 = tpu.memref_slice %arg8[%dma_wait3A_79] : memref<25600xi32, #tpu.memory_space<vmem>> -> memref<104xi32, #tpu.memory_space<vmem>>
      %dma_wait3A_81 = arith.constant 0 : i32
      %dma_wait3A_82 = arith.constant 0 : i32
      %dma_wait3A_83 = tpu.memref_slice %arg3[%dma_wait3A_81, %dma_wait3A_82] : memref<100001x64xf32, #tpu.memory_space<hbm>> -> memref<100001x64xf32, #tpu.memory_space<hbm>>
      tpu.wait_indirect_dma semaphore(%arg15 : memref<!tpu.dma_semaphore, #tpu.memory_space<semaphore_mem>>) src(%dma_wait3A_83 : memref<100001x64xf32, #tpu.memory_space<hbm>>) dst(%dma_wait3A_78 : memref<104x64xf32, #tpu.memory_space<vmem>>)
      %dma_wait3A_84 = arith.constant 0 : i32
      %dma_wait3A_85 = arith.constant 0 : i32
      %dma_wait3A_86 = tpu.memref_slice %arg9[%dma_wait3A_84, %dma_wait3A_85] : memref<200x64xf32, #tpu.memory_space<vmem>> -> memref<96x64xf32, #tpu.memory_space<vmem>>
      %dma_wait3A_87 = arith.constant 0 : i32
      %dma_wait3A_88 = tpu.memref_slice %arg8[%dma_wait3A_87] : memref<25600xi32, #tpu.memory_space<vmem>> -> memref<96xi32, #tpu.memory_space<vmem>>
      %dma_wait3A_89 = arith.constant 0 : i32
      %dma_wait3A_90 = arith.constant 0 : i32
      %dma_wait3A_91 = tpu.memref_slice %arg3[%dma_wait3A_89, %dma_wait3A_90] : memref<100001x64xf32, #tpu.memory_space<hbm>> -> memref<100001x64xf32, #tpu.memory_space<hbm>>
      tpu.wait_indirect_dma semaphore(%arg15 : memref<!tpu.dma_semaphore, #tpu.memory_space<semaphore_mem>>) src(%dma_wait3A_91 : memref<100001x64xf32, #tpu.memory_space<hbm>>) dst(%dma_wait3A_86 : memref<96x64xf32, #tpu.memory_space<vmem>>)
      %ge3A = arith.constant 1 : i32
      %ge3A_92 = arith.cmpi sge, %scan3A_70, %ge3A : i32
      %convert_element_type3A = arith.extui %ge3A_92 : i1 to i32
      %cond3A = arith.constant 0 : i32
      %cond3A_93 = arith.cmpi ne, %convert_element_type3A, %cond3A : i32
      scf.if %cond3A_93 {
        %dma_wait3A_1193 = arith.constant 0 : i32
        %dma_wait3A_1194 = arith.constant 0 : i32
        %dma_wait3A_1195 = tpu.memref_slice %arg7[%dma_wait3A_1193, %dma_wait3A_1194] : memref<819200x64xf32, #tpu.memory_space<hbm>> -> memref<200x64xf32, #tpu.memory_space<hbm>>
        %dma_wait3A_1196 = arith.constant 0 : i32
        %dma_wait3A_1197 = arith.constant 0 : i32
        %dma_wait3A_1198 = tpu.memref_slice %arg7[%dma_wait3A_1196, %dma_wait3A_1197] : memref<819200x64xf32, #tpu.memory_space<hbm>> -> memref<200x64xf32, #tpu.memory_space<hbm>>
        tpu.wait_dma2 semaphore(%arg16 : memref<!tpu.dma_semaphore, #tpu.memory_space<semaphore_mem>>) src(%arg10 : memref<200x64xf32, #tpu.memory_space<vmem>>) dst(%dma_wait3A_1198 : memref<200x64xf32, #tpu.memory_space<hbm>>)
      } else {
      }
      %add3A_94 = arith.constant 1 : i32
      %add3A_95 = arith.addi %add3A_75, %add3A_94 : i32
      %mul3A_96 = arith.constant 200 : i32
      %mul3A_97 = arith.muli %add3A_95, %mul3A_96 : i32
      %dma_start3A_98 = arith.constant 0 : i32
      %dma_start3A_99 = arith.constant 0 : i32
      %dma_start3A_100 = tpu.memref_slice %arg10[%dma_start3A_98, %dma_start3A_99] : memref<200x64xf32, #tpu.memory_space<vmem>> -> memref<104x64xf32, #tpu.memory_space<vmem>>
      %dma_start3A_101 = tpu.memref_slice %arg8[%mul3A_97] : memref<25600xi32, #tpu.memory_space<vmem>> -> memref<104xi32, #tpu.memory_space<vmem>>
      %dma_start3A_102 = arith.constant 0 : i32
      %dma_start3A_103 = arith.constant 0 : i32
      %dma_start3A_104 = tpu.memref_slice %arg3[%dma_start3A_102, %dma_start3A_103] : memref<100001x64xf32, #tpu.memory_space<hbm>> -> memref<100001x64xf32, #tpu.memory_space<hbm>>
      tpu.enqueue_indirect_dma source(%dma_start3A_104 : memref<100001x64xf32, #tpu.memory_space<hbm>>) target(%dma_start3A_100 : memref<104x64xf32, #tpu.memory_space<vmem>>) offsets(%dma_start3A_101 : memref<104xi32, #tpu.memory_space<vmem>>) semaphore(%arg15 : memref<!tpu.dma_semaphore, #tpu.memory_space<semaphore_mem>>)
      %add3A_105 = arith.constant 104 : i32
      %add3A_106 = arith.addi %mul3A_97, %add3A_105 : i32
      %dma_start3A_107 = arith.constant 104 : i32
      %dma_start3A_108 = arith.constant 0 : i32
      %dma_start3A_109 = tpu.memref_slice %arg10[%dma_start3A_107, %dma_start3A_108] : memref<200x64xf32, #tpu.memory_space<vmem>> -> memref<96x64xf32, #tpu.memory_space<vmem>>
      %dma_start3A_110 = tpu.memref_slice %arg8[%add3A_106] : memref<25600xi32, #tpu.memory_space<vmem>> -> memref<96xi32, #tpu.memory_space<vmem>>
      %dma_start3A_111 = arith.constant 0 : i32
      %dma_start3A_112 = arith.constant 0 : i32
      %dma_start3A_113 = tpu.memref_slice %arg3[%dma_start3A_111, %dma_start3A_112] : memref<100001x64xf32, #tpu.memory_space<hbm>> -> memref<100001x64xf32, #tpu.memory_space<hbm>>
      tpu.enqueue_indirect_dma source(%dma_start3A_113 : memref<100001x64xf32, #tpu.memory_space<hbm>>) target(%dma_start3A_109 : memref<96x64xf32, #tpu.memory_space<vmem>>) offsets(%dma_start3A_110 : memref<96xi32, #tpu.memory_space<vmem>>) semaphore(%arg15 : memref<!tpu.dma_semaphore, #tpu.memory_space<semaphore_mem>>)
      %broadcast_in_dim3A = arith.constant 0.000000e+00 : f32
      %broadcast_in_dim3A_114 = vector.broadcast %broadcast_in_dim3A : f32 to vector<16xf32>
      %broadcast_in_dim3A_115 = arith.constant 0.000000e+00 : f32
      %broadcast_in_dim3A_116 = vector.broadcast %broadcast_in_dim3A_115 : f32 to vector<16xf32>
      %broadcast_in_dim3A_117 = arith.constant 0.000000e+00 : f32
      %broadcast_in_dim3A_118 = vector.broadcast %broadcast_in_dim3A_117 : f32 to vector<16xf32>
      %broadcast_in_dim3A_119 = arith.constant 0.000000e+00 : f32
      %broadcast_in_dim3A_120 = vector.broadcast %broadcast_in_dim3A_119 : f32 to vector<16xf32>
      %broadcast_in_dim3A_121 = arith.constant 0.000000e+00 : f32
      %broadcast_in_dim3A_122 = vector.broadcast %broadcast_in_dim3A_121 : f32 to vector<16xf32>
      %broadcast_in_dim3A_123 = arith.constant 0.000000e+00 : f32
      %broadcast_in_dim3A_124 = vector.broadcast %broadcast_in_dim3A_123 : f32 to vector<16xf32>
      %broadcast_in_dim3A_125 = arith.constant 0.000000e+00 : f32
      %broadcast_in_dim3A_126 = vector.broadcast %broadcast_in_dim3A_125 : f32 to vector<16xf32>
      %broadcast_in_dim3A_127 = arith.constant 0.000000e+00 : f32
      %broadcast_in_dim3A_128 = vector.broadcast %broadcast_in_dim3A_127 : f32 to vector<16xf32>
      %broadcast_in_dim3A_129 = arith.constant 0.000000e+00 : f32
      %broadcast_in_dim3A_130 = vector.broadcast %broadcast_in_dim3A_129 : f32 to vector<16xf32>
      %broadcast_in_dim3A_131 = arith.constant 0.000000e+00 : f32
      %broadcast_in_dim3A_132 = vector.broadcast %broadcast_in_dim3A_131 : f32 to vector<16xf32>
      %broadcast_in_dim3A_133 = arith.constant 0.000000e+00 : f32
      %broadcast_in_dim3A_134 = vector.broadcast %broadcast_in_dim3A_133 : f32 to vector<16xf32>
      %broadcast_in_dim3A_135 = arith.constant 0.000000e+00 : f32
      %broadcast_in_dim3A_136 = vector.broadcast %broadcast_in_dim3A_135 : f32 to vector<16xf32>
      %broadcast_in_dim3A_137 = arith.constant 0.000000e+00 : f32
      %broadcast_in_dim3A_138 = vector.broadcast %broadcast_in_dim3A_137 : f32 to vector<16xf32>
      %scan3A_139 = arith.constant 0 : i32
      %scan3A_140 = arith.constant 64 : i32
      %scan3A_141 = arith.addi %scan3A_139, %scan3A_140 : i32
      %scan3A_142 = arith.constant 1 : i32
      %scan3A_143:26 = scf.for %scan3A_1193 = %scan3A_139 to %scan3A_141 step %scan3A_142 iter_args(%scan3A_1194 = %broadcast_in_dim3A_114, %scan3A_1195 = %broadcast_in_dim3A_116, %scan3A_1196 = %broadcast_in_dim3A_118, %scan3A_1197 = %broadcast_in_dim3A_120, %scan3A_1198 = %broadcast_in_dim3A_122, %scan3A_1199 = %broadcast_in_dim3A_124, %scan3A_1200 = %broadcast_in_dim3A_126, %scan3A_1201 = %broadcast_in_dim3A_128, %scan3A_1202 = %broadcast_in_dim3A_130, %scan3A_1203 = %broadcast_in_dim3A_132, %scan3A_1204 = %broadcast_in_dim3A_134, %scan3A_1205 = %broadcast_in_dim3A_136, %scan3A_1206 = %broadcast_in_dim3A_138, %scan3A_1207 = %broadcast_in_dim3A_114, %scan3A_1208 = %broadcast_in_dim3A_116, %scan3A_1209 = %broadcast_in_dim3A_118, %scan3A_1210 = %broadcast_in_dim3A_120, %scan3A_1211 = %broadcast_in_dim3A_122, %scan3A_1212 = %broadcast_in_dim3A_124, %scan3A_1213 = %broadcast_in_dim3A_126, %scan3A_1214 = %broadcast_in_dim3A_128, %scan3A_1215 = %broadcast_in_dim3A_130, %scan3A_1216 = %broadcast_in_dim3A_132, %scan3A_1217 = %broadcast_in_dim3A_134, %scan3A_1218 = %broadcast_in_dim3A_136, %scan3A_1219 = %broadcast_in_dim3A_138) -> (vector<16xf32>, vector<16xf32>, vector<16xf32>, vector<16xf32>, vector<16xf32>, vector<16xf32>, vector<16xf32>, vector<16xf32>, vector<16xf32>, vector<16xf32>, vector<16xf32>, vector<16xf32>, vector<16xf32>, vector<16xf32>, vector<16xf32>, vector<16xf32>, vector<16xf32>, vector<16xf32>, vector<16xf32>, vector<16xf32>, vector<16xf32>, vector<16xf32>, vector<16xf32>, vector<16xf32>, vector<16xf32>, vector<16xf32>)  : i32 {
        %broadcast_in_dim3A_1220 = vector.broadcast %scan3A_1193 : i32 to vector<16xi32>
        %gather3A = tpu.vector_load_idx %arg9[%add3A_7, %broadcast_in_dim3A_1220] : memref<200x64xf32, #tpu.memory_space<vmem>>[vector<16xi32>, vector<16xi32>], vector<16xf32>,
        %get3A = arith.index_cast %scan3A_1193 : i32 to index
        %get3A_1221 = arith.constant 0 : index
        %get3A_1222 = tpu.vector_load %arg11[%get3A, %get3A_1221] {strides = array<i32>} : memref<64x200xf32, #tpu.memory_space<vmem>>, vector<16xf32>,
        %add3A_1223 = arith.addf %gather3A, %get3A_1222 : vector<16xf32>
        %swap3A = arith.index_cast %scan3A_1193 : i32 to index
        %swap3A_1224 = arith.constant 0 : index
        %swap3A_1225 = tpu.vector_load %arg12[%swap3A, %swap3A_1224] {strides = array<i32>} : memref<64x208xf32, #tpu.memory_space<vmem>>, vector<16xf32>,
        tpu.vector_store %arg12[%swap3A, %swap3A_1224], %add3A_1223 {strides = array<i32>} : memref<64x208xf32, #tpu.memory_space<vmem>>, vector<16xf32>,
        %add3A_1226 = arith.addf %scan3A_1194, %add3A_1223 : vector<16xf32>
        %mul3A_1227 = arith.mulf %add3A_1223, %add3A_1223 : vector<16xf32>
        %add3A_1228 = arith.addf %scan3A_1207, %mul3A_1227 : vector<16xf32>
        %gather3A_1229 = tpu.vector_load_idx %arg9[%add3A_10, %broadcast_in_dim3A_1220] : memref<200x64xf32, #tpu.memory_space<vmem>>[vector<16xi32>, vector<16xi32>], vector<16xf32>,
        %get3A_1230 = arith.index_cast %scan3A_1193 : i32 to index
        %get3A_1231 = arith.constant 16 : index
        %get3A_1232 = tpu.vector_load %arg11[%get3A_1230, %get3A_1231] {strides = array<i32>} : memref<64x200xf32, #tpu.memory_space<vmem>>, vector<16xf32>,
        %add3A_1233 = arith.addf %gather3A_1229, %get3A_1232 : vector<16xf32>
        %swap3A_1234 = arith.index_cast %scan3A_1193 : i32 to index
        %swap3A_1235 = arith.constant 16 : index
        %swap3A_1236 = tpu.vector_load %arg12[%swap3A_1234, %swap3A_1235] {strides = array<i32>} : memref<64x208xf32, #tpu.memory_space<vmem>>, vector<16xf32>,
        tpu.vector_store %arg12[%swap3A_1234, %swap3A_1235], %add3A_1233 {strides = array<i32>} : memref<64x208xf32, #tpu.memory_space<vmem>>, vector<16xf32>,
        %add3A_1237 = arith.addf %scan3A_1195, %add3A_1233 : vector<16xf32>
        %mul3A_1238 = arith.mulf %add3A_1233, %add3A_1233 : vector<16xf32>
        %add3A_1239 = arith.addf %scan3A_1208, %mul3A_1238 : vector<16xf32>
        %gather3A_1240 = tpu.vector_load_idx %arg9[%add3A_13, %broadcast_in_dim3A_1220] : memref<200x64xf32, #tpu.memory_space<vmem>>[vector<16xi32>, vector<16xi32>], vector<16xf32>,
        %get3A_1241 = arith.index_cast %scan3A_1193 : i32 to index
        %get3A_1242 = arith.constant 32 : index
        %get3A_1243 = tpu.vector_load %arg11[%get3A_1241, %get3A_1242] {strides = array<i32>} : memref<64x200xf32, #tpu.memory_space<vmem>>, vector<16xf32>,
        %add3A_1244 = arith.addf %gather3A_1240, %get3A_1243 : vector<16xf32>
        %swap3A_1245 = arith.index_cast %scan3A_1193 : i32 to index
        %swap3A_1246 = arith.constant 32 : index
        %swap3A_1247 = tpu.vector_load %arg12[%swap3A_1245, %swap3A_1246] {strides = array<i32>} : memref<64x208xf32, #tpu.memory_space<vmem>>, vector<16xf32>,
        tpu.vector_store %arg12[%swap3A_1245, %swap3A_1246], %add3A_1244 {strides = array<i32>} : memref<64x208xf32, #tpu.memory_space<vmem>>, vector<16xf32>,
        %add3A_1248 = arith.addf %scan3A_1196, %add3A_1244 : vector<16xf32>
        %mul3A_1249 = arith.mulf %add3A_1244, %add3A_1244 : vector<16xf32>
        %add3A_1250 = arith.addf %scan3A_1209, %mul3A_1249 : vector<16xf32>
        %gather3A_1251 = tpu.vector_load_idx %arg9[%add3A_16, %broadcast_in_dim3A_1220] : memref<200x64xf32, #tpu.memory_space<vmem>>[vector<16xi32>, vector<16xi32>], vector<16xf32>,
        %get3A_1252 = arith.index_cast %scan3A_1193 : i32 to index
        %get3A_1253 = arith.constant 48 : index
        %get3A_1254 = tpu.vector_load %arg11[%get3A_1252, %get3A_1253] {strides = array<i32>} : memref<64x200xf32, #tpu.memory_space<vmem>>, vector<16xf32>,
        %add3A_1255 = arith.addf %gather3A_1251, %get3A_1254 : vector<16xf32>
        %swap3A_1256 = arith.index_cast %scan3A_1193 : i32 to index
        %swap3A_1257 = arith.constant 48 : index
        %swap3A_1258 = tpu.vector_load %arg12[%swap3A_1256, %swap3A_1257] {strides = array<i32>} : memref<64x208xf32, #tpu.memory_space<vmem>>, vector<16xf32>,
        tpu.vector_store %arg12[%swap3A_1256, %swap3A_1257], %add3A_1255 {strides = array<i32>} : memref<64x208xf32, #tpu.memory_space<vmem>>, vector<16xf32>,
        %add3A_1259 = arith.addf %scan3A_1197, %add3A_1255 : vector<16xf32>
        %mul3A_1260 = arith.mulf %add3A_1255, %add3A_1255 : vector<16xf32>
        %add3A_1261 = arith.addf %scan3A_1210, %mul3A_1260 : vector<16xf32>
        %gather3A_1262 = tpu.vector_load_idx %arg9[%add3A_19, %broadcast_in_dim3A_1220] : memref<200x64xf32, #tpu.memory_space<vmem>>[vector<16xi32>, vector<16xi32>], vector<16xf32>,
        %get3A_1263 = arith.index_cast %scan3A_1193 : i32 to index
        %get3A_1264 = arith.constant 64 : index
        %get3A_1265 = tpu.vector_load %arg11[%get3A_1263, %get3A_1264] {strides = array<i32>} : memref<64x200xf32, #tpu.memory_space<vmem>>, vector<16xf32>,
        %add3A_1266 = arith.addf %gather3A_1262, %get3A_1265 : vector<16xf32>
        %swap3A_1267 = arith.index_cast %scan3A_1193 : i32 to index
        %swap3A_1268 = arith.constant 64 : index
        %swap3A_1269 = tpu.vector_load %arg12[%swap3A_1267, %swap3A_1268] {strides = array<i32>} : memref<64x208xf32, #tpu.memory_space<vmem>>, vector<16xf32>,
        tpu.vector_store %arg12[%swap3A_1267, %swap3A_1268], %add3A_1266 {strides = array<i32>} : memref<64x208xf32, #tpu.memory_space<vmem>>, vector<16xf32>,
        %add3A_1270 = arith.addf %scan3A_1198, %add3A_1266 : vector<16xf32>
        %mul3A_1271 = arith.mulf %add3A_1266, %add3A_1266 : vector<16xf32>
        %add3A_1272 = arith.addf %scan3A_1211, %mul3A_1271 : vector<16xf32>
        %gather3A_1273 = tpu.vector_load_idx %arg9[%add3A_22, %broadcast_in_dim3A_1220] : memref<200x64xf32, #tpu.memory_space<vmem>>[vector<16xi32>, vector<16xi32>], vector<16xf32>,
        %get3A_1274 = arith.index_cast %scan3A_1193 : i32 to index
        %get3A_1275 = arith.constant 80 : index
        %get3A_1276 = tpu.vector_load %arg11[%get3A_1274, %get3A_1275] {strides = array<i32>} : memref<64x200xf32, #tpu.memory_space<vmem>>, vector<16xf32>,
        %add3A_1277 = arith.addf %gather3A_1273, %get3A_1276 : vector<16xf32>
        %swap3A_1278 = arith.index_cast %scan3A_1193 : i32 to index
        %swap3A_1279 = arith.constant 80 : index
        %swap3A_1280 = tpu.vector_load %arg12[%swap3A_1278, %swap3A_1279] {strides = array<i32>} : memref<64x208xf32, #tpu.memory_space<vmem>>, vector<16xf32>,
        tpu.vector_store %arg12[%swap3A_1278, %swap3A_1279], %add3A_1277 {strides = array<i32>} : memref<64x208xf32, #tpu.memory_space<vmem>>, vector<16xf32>,
        %add3A_1281 = arith.addf %scan3A_1199, %add3A_1277 : vector<16xf32>
        %mul3A_1282 = arith.mulf %add3A_1277, %add3A_1277 : vector<16xf32>
        %add3A_1283 = arith.addf %scan3A_1212, %mul3A_1282 : vector<16xf32>
        %gather3A_1284 = tpu.vector_load_idx %arg9[%add3A_25, %broadcast_in_dim3A_1220] : memref<200x64xf32, #tpu.memory_space<vmem>>[vector<16xi32>, vector<16xi32>], vector<16xf32>,
        %get3A_1285 = arith.index_cast %scan3A_1193 : i32 to index
        %get3A_1286 = arith.constant 96 : index
        %get3A_1287 = tpu.vector_load %arg11[%get3A_1285, %get3A_1286] {strides = array<i32>} : memref<64x200xf32, #tpu.memory_space<vmem>>, vector<16xf32>,
        %add3A_1288 = arith.addf %gather3A_1284, %get3A_1287 : vector<16xf32>
        %swap3A_1289 = arith.index_cast %scan3A_1193 : i32 to index
        %swap3A_1290 = arith.constant 96 : index
        %swap3A_1291 = tpu.vector_load %arg12[%swap3A_1289, %swap3A_1290] {strides = array<i32>} : memref<64x208xf32, #tpu.memory_space<vmem>>, vector<16xf32>,
        tpu.vector_store %arg12[%swap3A_1289, %swap3A_1290], %add3A_1288 {strides = array<i32>} : memref<64x208xf32, #tpu.memory_space<vmem>>, vector<16xf32>,
        %add3A_1292 = arith.addf %scan3A_1200, %add3A_1288 : vector<16xf32>
        %mul3A_1293 = arith.mulf %add3A_1288, %add3A_1288 : vector<16xf32>
        %add3A_1294 = arith.addf %scan3A_1213, %mul3A_1293 : vector<16xf32>
        %gather3A_1295 = tpu.vector_load_idx %arg9[%add3A_28, %broadcast_in_dim3A_1220] : memref<200x64xf32, #tpu.memory_space<vmem>>[vector<16xi32>, vector<16xi32>], vector<16xf32>,
        %get3A_1296 = arith.index_cast %scan3A_1193 : i32 to index
        %get3A_1297 = arith.constant 112 : index
        %get3A_1298 = tpu.vector_load %arg11[%get3A_1296, %get3A_1297] {strides = array<i32>} : memref<64x200xf32, #tpu.memory_space<vmem>>, vector<16xf32>,
        %add3A_1299 = arith.addf %gather3A_1295, %get3A_1298 : vector<16xf32>
        %swap3A_1300 = arith.index_cast %scan3A_1193 : i32 to index
        %swap3A_1301 = arith.constant 112 : index
        %swap3A_1302 = tpu.vector_load %arg12[%swap3A_1300, %swap3A_1301] {strides = array<i32>} : memref<64x208xf32, #tpu.memory_space<vmem>>, vector<16xf32>,
        tpu.vector_store %arg12[%swap3A_1300, %swap3A_1301], %add3A_1299 {strides = array<i32>} : memref<64x208xf32, #tpu.memory_space<vmem>>, vector<16xf32>,
        %add3A_1303 = arith.addf %scan3A_1201, %add3A_1299 : vector<16xf32>
        %mul3A_1304 = arith.mulf %add3A_1299, %add3A_1299 : vector<16xf32>
        %add3A_1305 = arith.addf %scan3A_1214, %mul3A_1304 : vector<16xf32>
        %gather3A_1306 = tpu.vector_load_idx %arg9[%add3A_31, %broadcast_in_dim3A_1220] : memref<200x64xf32, #tpu.memory_space<vmem>>[vector<16xi32>, vector<16xi32>], vector<16xf32>,
        %get3A_1307 = arith.index_cast %scan3A_1193 : i32 to index
        %get3A_1308 = arith.constant 128 : index
        %get3A_1309 = tpu.vector_load %arg11[%get3A_1307, %get3A_1308] {strides = array<i32>} : memref<64x200xf32, #tpu.memory_space<vmem>>, vector<16xf32>,
        %add3A_1310 = arith.addf %gather3A_1306, %get3A_1309 : vector<16xf32>
        %swap3A_1311 = arith.index_cast %scan3A_1193 : i32 to index
        %swap3A_1312 = arith.constant 128 : index
        %swap3A_1313 = tpu.vector_load %arg12[%swap3A_1311, %swap3A_1312] {strides = array<i32>} : memref<64x208xf32, #tpu.memory_space<vmem>>, vector<16xf32>,
        tpu.vector_store %arg12[%swap3A_1311, %swap3A_1312], %add3A_1310 {strides = array<i32>} : memref<64x208xf32, #tpu.memory_space<vmem>>, vector<16xf32>,
        %add3A_1314 = arith.addf %scan3A_1202, %add3A_1310 : vector<16xf32>
        %mul3A_1315 = arith.mulf %add3A_1310, %add3A_1310 : vector<16xf32>
        %add3A_1316 = arith.addf %scan3A_1215, %mul3A_1315 : vector<16xf32>
        %gather3A_1317 = tpu.vector_load_idx %arg9[%add3A_34, %broadcast_in_dim3A_1220] : memref<200x64xf32, #tpu.memory_space<vmem>>[vector<16xi32>, vector<16xi32>], vector<16xf32>,
        %get3A_1318 = arith.index_cast %scan3A_1193 : i32 to index
        %get3A_1319 = arith.constant 144 : index
        %get3A_1320 = tpu.vector_load %arg11[%get3A_1318, %get3A_1319] {strides = array<i32>} : memref<64x200xf32, #tpu.memory_space<vmem>>, vector<16xf32>,
        %add3A_1321 = arith.addf %gather3A_1317, %get3A_1320 : vector<16xf32>
        %swap3A_1322 = arith.index_cast %scan3A_1193 : i32 to index
        %swap3A_1323 = arith.constant 144 : index
        %swap3A_1324 = tpu.vector_load %arg12[%swap3A_1322, %swap3A_1323] {strides = array<i32>} : memref<64x208xf32, #tpu.memory_space<vmem>>, vector<16xf32>,
        tpu.vector_store %arg12[%swap3A_1322, %swap3A_1323], %add3A_1321 {strides = array<i32>} : memref<64x208xf32, #tpu.memory_space<vmem>>, vector<16xf32>,
        %add3A_1325 = arith.addf %scan3A_1203, %add3A_1321 : vector<16xf32>
        %mul3A_1326 = arith.mulf %add3A_1321, %add3A_1321 : vector<16xf32>
        %add3A_1327 = arith.addf %scan3A_1216, %mul3A_1326 : vector<16xf32>
        %gather3A_1328 = tpu.vector_load_idx %arg9[%add3A_37, %broadcast_in_dim3A_1220] : memref<200x64xf32, #tpu.memory_space<vmem>>[vector<16xi32>, vector<16xi32>], vector<16xf32>,
        %get3A_1329 = arith.index_cast %scan3A_1193 : i32 to index
        %get3A_1330 = arith.constant 160 : index
        %get3A_1331 = tpu.vector_load %arg11[%get3A_1329, %get3A_1330] {strides = array<i32>} : memref<64x200xf32, #tpu.memory_space<vmem>>, vector<16xf32>,
        %add3A_1332 = arith.addf %gather3A_1328, %get3A_1331 : vector<16xf32>
        %swap3A_1333 = arith.index_cast %scan3A_1193 : i32 to index
        %swap3A_1334 = arith.constant 160 : index
        %swap3A_1335 = tpu.vector_load %arg12[%swap3A_1333, %swap3A_1334] {strides = array<i32>} : memref<64x208xf32, #tpu.memory_space<vmem>>, vector<16xf32>,
        tpu.vector_store %arg12[%swap3A_1333, %swap3A_1334], %add3A_1332 {strides = array<i32>} : memref<64x208xf32, #tpu.memory_space<vmem>>, vector<16xf32>,
        %add3A_1336 = arith.addf %scan3A_1204, %add3A_1332 : vector<16xf32>
        %mul3A_1337 = arith.mulf %add3A_1332, %add3A_1332 : vector<16xf32>
        %add3A_1338 = arith.addf %scan3A_1217, %mul3A_1337 : vector<16xf32>
        %gather3A_1339 = tpu.vector_load_idx %arg9[%add3A_40, %broadcast_in_dim3A_1220] : memref<200x64xf32, #tpu.memory_space<vmem>>[vector<16xi32>, vector<16xi32>], vector<16xf32>,
        %get3A_1340 = arith.index_cast %scan3A_1193 : i32 to index
        %get3A_1341 = arith.constant 176 : index
        %get3A_1342 = tpu.vector_load %arg11[%get3A_1340, %get3A_1341] {strides = array<i32>} : memref<64x200xf32, #tpu.memory_space<vmem>>, vector<16xf32>,
        %add3A_1343 = arith.addf %gather3A_1339, %get3A_1342 : vector<16xf32>
        %swap3A_1344 = arith.index_cast %scan3A_1193 : i32 to index
        %swap3A_1345 = arith.constant 176 : index
        %swap3A_1346 = tpu.vector_load %arg12[%swap3A_1344, %swap3A_1345] {strides = array<i32>} : memref<64x208xf32, #tpu.memory_space<vmem>>, vector<16xf32>,
        tpu.vector_store %arg12[%swap3A_1344, %swap3A_1345], %add3A_1343 {strides = array<i32>} : memref<64x208xf32, #tpu.memory_space<vmem>>, vector<16xf32>,
        %add3A_1347 = arith.addf %scan3A_1205, %add3A_1343 : vector<16xf32>
        %mul3A_1348 = arith.mulf %add3A_1343, %add3A_1343 : vector<16xf32>
        %add3A_1349 = arith.addf %scan3A_1218, %mul3A_1348 : vector<16xf32>
        %gather3A_1350 = tpu.vector_load_idx %arg9[%add3A_43, %broadcast_in_dim3A_1220] : memref<200x64xf32, #tpu.memory_space<vmem>>[vector<16xi32>, vector<16xi32>], vector<16xf32>,
        %get3A_1351 = arith.index_cast %scan3A_1193 : i32 to index
        %get3A_1352 = arith.constant 184 : index
        %get3A_1353 = tpu.vector_load %arg11[%get3A_1351, %get3A_1352] {strides = array<i32>} : memref<64x200xf32, #tpu.memory_space<vmem>>, vector<16xf32>,
        %add3A_1354 = arith.addf %gather3A_1350, %get3A_1353 : vector<16xf32>
        %swap3A_1355 = arith.index_cast %scan3A_1193 : i32 to index
        %swap3A_1356 = arith.constant 192 : index
        %swap3A_1357 = tpu.vector_load %arg12[%swap3A_1355, %swap3A_1356] {strides = array<i32>} : memref<64x208xf32, #tpu.memory_space<vmem>>, vector<16xf32>,
        tpu.vector_store %arg12[%swap3A_1355, %swap3A_1356], %add3A_1354 {strides = array<i32>} : memref<64x208xf32, #tpu.memory_space<vmem>>, vector<16xf32>,
        %add3A_1358 = arith.addf %scan3A_1206, %add3A_1354 : vector<16xf32>
        %mul3A_1359 = arith.mulf %add3A_1354, %add3A_1354 : vector<16xf32>
        %add3A_1360 = arith.addf %scan3A_1219, %mul3A_1359 : vector<16xf32>
        scf.yield %add3A_1226, %add3A_1237, %add3A_1248, %add3A_1259, %add3A_1270, %add3A_1281, %add3A_1292, %add3A_1303, %add3A_1314, %add3A_1325, %add3A_1336, %add3A_1347, %add3A_1358, %add3A_1228, %add3A_1239, %add3A_1250, %add3A_1261, %add3A_1272, %add3A_1283, %add3A_1294, %add3A_1305, %add3A_1316, %add3A_1327, %add3A_1338, %add3A_1349, %add3A_1360 : vector<16xf32>, vector<16xf32>, vector<16xf32>, vector<16xf32>, vector<16xf32>, vector<16xf32>, vector<16xf32>, vector<16xf32>, vector<16xf32>, vector<16xf32>, vector<16xf32>, vector<16xf32>, vector<16xf32>, vector<16xf32>, vector<16xf32>, vector<16xf32>, vector<16xf32>, vector<16xf32>, vector<16xf32>, vector<16xf32>, vector<16xf32>, vector<16xf32>, vector<16xf32>, vector<16xf32>, vector<16xf32>, vector<16xf32>
      }
      %scan3A_144 = arith.constant 64 : i32
      %mul3A_145 = arith.constant 1.562500e-02 : f32
      %mul3A_146 = vector.broadcast %mul3A_145 : f32 to vector<16xf32>
      %mul3A_147 = arith.mulf %scan3A_143#0, %mul3A_146 : vector<16xf32>
      %mul3A_148 = arith.constant 1.562500e-02 : f32
      %mul3A_149 = vector.broadcast %mul3A_148 : f32 to vector<16xf32>
      %mul3A_150 = arith.mulf %scan3A_143#13, %mul3A_149 : vector<16xf32>
      %mul3A_151 = arith.mulf %mul3A_147, %mul3A_147 : vector<16xf32>
      %sub3A = arith.subf %mul3A_150, %mul3A_151 : vector<16xf32>
      %add3A_152 = arith.constant 9.99999974E-6 : f32
      %add3A_153 = vector.broadcast %add3A_152 : f32 to vector<16xf32>
      %add3A_154 = arith.addf %sub3A, %add3A_153 : vector<16xf32>
      %bitcast_convert_type3A = tpu.bitcast %add3A_154 : vector<16xf32> -> vector<16xi32>
      %shift_right_arithmetic3A = arith.constant 1 : i32
      %shift_right_arithmetic3A_155 = vector.broadcast %shift_right_arithmetic3A : i32 to vector<16xi32>
      %shift_right_arithmetic3A_156 = arith.shrsi %bitcast_convert_type3A, %shift_right_arithmetic3A_155 : vector<16xi32>
      %sub3A_157 = arith.constant 1597463007 : i32
      %sub3A_158 = vector.broadcast %sub3A_157 : i32 to vector<16xi32>
      %sub3A_159 = arith.subi %sub3A_158, %shift_right_arithmetic3A_156 : vector<16xi32>
      %bitcast_convert_type3A_160 = tpu.bitcast %sub3A_159 : vector<16xi32> -> vector<16xf32>
      %mul3A_161 = arith.constant 5.000000e-01 : f32
      %mul3A_162 = vector.broadcast %mul3A_161 : f32 to vector<16xf32>
      %mul3A_163 = arith.mulf %mul3A_162, %add3A_154 : vector<16xf32>
      %mul3A_164 = arith.mulf %mul3A_163, %bitcast_convert_type3A_160 : vector<16xf32>
      %mul3A_165 = arith.mulf %mul3A_164, %bitcast_convert_type3A_160 : vector<16xf32>
      %sub3A_166 = arith.constant 1.500000e+00 : f32
      %sub3A_167 = vector.broadcast %sub3A_166 : f32 to vector<16xf32>
      %sub3A_168 = arith.subf %sub3A_167, %mul3A_165 : vector<16xf32>
      %mul3A_169 = arith.mulf %bitcast_convert_type3A_160, %sub3A_168 : vector<16xf32>
      %mul3A_170 = arith.constant 5.000000e-01 : f32
      %mul3A_171 = vector.broadcast %mul3A_170 : f32 to vector<16xf32>
      %mul3A_172 = arith.mulf %mul3A_171, %add3A_154 : vector<16xf32>
      %mul3A_173 = arith.mulf %mul3A_172, %mul3A_169 : vector<16xf32>
      %mul3A_174 = arith.mulf %mul3A_173, %mul3A_169 : vector<16xf32>
      %sub3A_175 = arith.constant 1.500000e+00 : f32
      %sub3A_176 = vector.broadcast %sub3A_175 : f32 to vector<16xf32>
      %sub3A_177 = arith.subf %sub3A_176, %mul3A_174 : vector<16xf32>
      %mul3A_178 = arith.mulf %mul3A_169, %sub3A_177 : vector<16xf32>
      %mul3A_179 = arith.constant 1.562500e-02 : f32
      %mul3A_180 = vector.broadcast %mul3A_179 : f32 to vector<16xf32>
      %mul3A_181 = arith.mulf %scan3A_143#1, %mul3A_180 : vector<16xf32>
      %mul3A_182 = arith.constant 1.562500e-02 : f32
      %mul3A_183 = vector.broadcast %mul3A_182 : f32 to vector<16xf32>
      %mul3A_184 = arith.mulf %scan3A_143#14, %mul3A_183 : vector<16xf32>
      %mul3A_185 = arith.mulf %mul3A_181, %mul3A_181 : vector<16xf32>
      %sub3A_186 = arith.subf %mul3A_184, %mul3A_185 : vector<16xf32>
      %add3A_187 = arith.constant 9.99999974E-6 : f32
      %add3A_188 = vector.broadcast %add3A_187 : f32 to vector<16xf32>
      %add3A_189 = arith.addf %sub3A_186, %add3A_188 : vector<16xf32>
      %bitcast_convert_type3A_190 = tpu.bitcast %add3A_189 : vector<16xf32> -> vector<16xi32>
      %shift_right_arithmetic3A_191 = arith.constant 1 : i32
      %shift_right_arithmetic3A_192 = vector.broadcast %shift_right_arithmetic3A_191 : i32 to vector<16xi32>
      %shift_right_arithmetic3A_193 = arith.shrsi %bitcast_convert_type3A_190, %shift_right_arithmetic3A_192 : vector<16xi32>
      %sub3A_194 = arith.constant 1597463007 : i32
      %sub3A_195 = vector.broadcast %sub3A_194 : i32 to vector<16xi32>
      %sub3A_196 = arith.subi %sub3A_195, %shift_right_arithmetic3A_193 : vector<16xi32>
      %bitcast_convert_type3A_197 = tpu.bitcast %sub3A_196 : vector<16xi32> -> vector<16xf32>
      %mul3A_198 = arith.constant 5.000000e-01 : f32
      %mul3A_199 = vector.broadcast %mul3A_198 : f32 to vector<16xf32>
      %mul3A_200 = arith.mulf %mul3A_199, %add3A_189 : vector<16xf32>
      %mul3A_201 = arith.mulf %mul3A_200, %bitcast_convert_type3A_197 : vector<16xf32>
      %mul3A_202 = arith.mulf %mul3A_201, %bitcast_convert_type3A_197 : vector<16xf32>
      %sub3A_203 = arith.constant 1.500000e+00 : f32
      %sub3A_204 = vector.broadcast %sub3A_203 : f32 to vector<16xf32>
      %sub3A_205 = arith.subf %sub3A_204, %mul3A_202 : vector<16xf32>
      %mul3A_206 = arith.mulf %bitcast_convert_type3A_197, %sub3A_205 : vector<16xf32>
      %mul3A_207 = arith.constant 5.000000e-01 : f32
      %mul3A_208 = vector.broadcast %mul3A_207 : f32 to vector<16xf32>
      %mul3A_209 = arith.mulf %mul3A_208, %add3A_189 : vector<16xf32>
      %mul3A_210 = arith.mulf %mul3A_209, %mul3A_206 : vector<16xf32>
      %mul3A_211 = arith.mulf %mul3A_210, %mul3A_206 : vector<16xf32>
      %sub3A_212 = arith.constant 1.500000e+00 : f32
      %sub3A_213 = vector.broadcast %sub3A_212 : f32 to vector<16xf32>
      %sub3A_214 = arith.subf %sub3A_213, %mul3A_211 : vector<16xf32>
      %mul3A_215 = arith.mulf %mul3A_206, %sub3A_214 : vector<16xf32>
      %mul3A_216 = arith.constant 1.562500e-02 : f32
      %mul3A_217 = vector.broadcast %mul3A_216 : f32 to vector<16xf32>
      %mul3A_218 = arith.mulf %scan3A_143#2, %mul3A_217 : vector<16xf32>
      %mul3A_219 = arith.constant 1.562500e-02 : f32
      %mul3A_220 = vector.broadcast %mul3A_219 : f32 to vector<16xf32>
      %mul3A_221 = arith.mulf %scan3A_143#15, %mul3A_220 : vector<16xf32>
      %mul3A_222 = arith.mulf %mul3A_218, %mul3A_218 : vector<16xf32>
      %sub3A_223 = arith.subf %mul3A_221, %mul3A_222 : vector<16xf32>
      %add3A_224 = arith.constant 9.99999974E-6 : f32
      %add3A_225 = vector.broadcast %add3A_224 : f32 to vector<16xf32>
      %add3A_226 = arith.addf %sub3A_223, %add3A_225 : vector<16xf32>
      %bitcast_convert_type3A_227 = tpu.bitcast %add3A_226 : vector<16xf32> -> vector<16xi32>
      %shift_right_arithmetic3A_228 = arith.constant 1 : i32
      %shift_right_arithmetic3A_229 = vector.broadcast %shift_right_arithmetic3A_228 : i32 to vector<16xi32>
      %shift_right_arithmetic3A_230 = arith.shrsi %bitcast_convert_type3A_227, %shift_right_arithmetic3A_229 : vector<16xi32>
      %sub3A_231 = arith.constant 1597463007 : i32
      %sub3A_232 = vector.broadcast %sub3A_231 : i32 to vector<16xi32>
      %sub3A_233 = arith.subi %sub3A_232, %shift_right_arithmetic3A_230 : vector<16xi32>
      %bitcast_convert_type3A_234 = tpu.bitcast %sub3A_233 : vector<16xi32> -> vector<16xf32>
      %mul3A_235 = arith.constant 5.000000e-01 : f32
      %mul3A_236 = vector.broadcast %mul3A_235 : f32 to vector<16xf32>
      %mul3A_237 = arith.mulf %mul3A_236, %add3A_226 : vector<16xf32>
      %mul3A_238 = arith.mulf %mul3A_237, %bitcast_convert_type3A_234 : vector<16xf32>
      %mul3A_239 = arith.mulf %mul3A_238, %bitcast_convert_type3A_234 : vector<16xf32>
      %sub3A_240 = arith.constant 1.500000e+00 : f32
      %sub3A_241 = vector.broadcast %sub3A_240 : f32 to vector<16xf32>
      %sub3A_242 = arith.subf %sub3A_241, %mul3A_239 : vector<16xf32>
      %mul3A_243 = arith.mulf %bitcast_convert_type3A_234, %sub3A_242 : vector<16xf32>
      %mul3A_244 = arith.constant 5.000000e-01 : f32
      %mul3A_245 = vector.broadcast %mul3A_244 : f32 to vector<16xf32>
      %mul3A_246 = arith.mulf %mul3A_245, %add3A_226 : vector<16xf32>
      %mul3A_247 = arith.mulf %mul3A_246, %mul3A_243 : vector<16xf32>
      %mul3A_248 = arith.mulf %mul3A_247, %mul3A_243 : vector<16xf32>
      %sub3A_249 = arith.constant 1.500000e+00 : f32
      %sub3A_250 = vector.broadcast %sub3A_249 : f32 to vector<16xf32>
      %sub3A_251 = arith.subf %sub3A_250, %mul3A_248 : vector<16xf32>
      %mul3A_252 = arith.mulf %mul3A_243, %sub3A_251 : vector<16xf32>
      %mul3A_253 = arith.constant 1.562500e-02 : f32
      %mul3A_254 = vector.broadcast %mul3A_253 : f32 to vector<16xf32>
      %mul3A_255 = arith.mulf %scan3A_143#3, %mul3A_254 : vector<16xf32>
      %mul3A_256 = arith.constant 1.562500e-02 : f32
      %mul3A_257 = vector.broadcast %mul3A_256 : f32 to vector<16xf32>
      %mul3A_258 = arith.mulf %scan3A_143#16, %mul3A_257 : vector<16xf32>
      %mul3A_259 = arith.mulf %mul3A_255, %mul3A_255 : vector<16xf32>
      %sub3A_260 = arith.subf %mul3A_258, %mul3A_259 : vector<16xf32>
      %add3A_261 = arith.constant 9.99999974E-6 : f32
      %add3A_262 = vector.broadcast %add3A_261 : f32 to vector<16xf32>
      %add3A_263 = arith.addf %sub3A_260, %add3A_262 : vector<16xf32>
      %bitcast_convert_type3A_264 = tpu.bitcast %add3A_263 : vector<16xf32> -> vector<16xi32>
      %shift_right_arithmetic3A_265 = arith.constant 1 : i32
      %shift_right_arithmetic3A_266 = vector.broadcast %shift_right_arithmetic3A_265 : i32 to vector<16xi32>
      %shift_right_arithmetic3A_267 = arith.shrsi %bitcast_convert_type3A_264, %shift_right_arithmetic3A_266 : vector<16xi32>
      %sub3A_268 = arith.constant 1597463007 : i32
      %sub3A_269 = vector.broadcast %sub3A_268 : i32 to vector<16xi32>
      %sub3A_270 = arith.subi %sub3A_269, %shift_right_arithmetic3A_267 : vector<16xi32>
      %bitcast_convert_type3A_271 = tpu.bitcast %sub3A_270 : vector<16xi32> -> vector<16xf32>
      %mul3A_272 = arith.constant 5.000000e-01 : f32
      %mul3A_273 = vector.broadcast %mul3A_272 : f32 to vector<16xf32>
      %mul3A_274 = arith.mulf %mul3A_273, %add3A_263 : vector<16xf32>
      %mul3A_275 = arith.mulf %mul3A_274, %bitcast_convert_type3A_271 : vector<16xf32>
      %mul3A_276 = arith.mulf %mul3A_275, %bitcast_convert_type3A_271 : vector<16xf32>
      %sub3A_277 = arith.constant 1.500000e+00 : f32
      %sub3A_278 = vector.broadcast %sub3A_277 : f32 to vector<16xf32>
      %sub3A_279 = arith.subf %sub3A_278, %mul3A_276 : vector<16xf32>
      %mul3A_280 = arith.mulf %bitcast_convert_type3A_271, %sub3A_279 : vector<16xf32>
      %mul3A_281 = arith.constant 5.000000e-01 : f32
      %mul3A_282 = vector.broadcast %mul3A_281 : f32 to vector<16xf32>
      %mul3A_283 = arith.mulf %mul3A_282, %add3A_263 : vector<16xf32>
      %mul3A_284 = arith.mulf %mul3A_283, %mul3A_280 : vector<16xf32>
      %mul3A_285 = arith.mulf %mul3A_284, %mul3A_280 : vector<16xf32>
      %sub3A_286 = arith.constant 1.500000e+00 : f32
      %sub3A_287 = vector.broadcast %sub3A_286 : f32 to vector<16xf32>
      %sub3A_288 = arith.subf %sub3A_287, %mul3A_285 : vector<16xf32>
      %mul3A_289 = arith.mulf %mul3A_280, %sub3A_288 : vector<16xf32>
      %mul3A_290 = arith.constant 1.562500e-02 : f32
      %mul3A_291 = vector.broadcast %mul3A_290 : f32 to vector<16xf32>
      %mul3A_292 = arith.mulf %scan3A_143#4, %mul3A_291 : vector<16xf32>
      %mul3A_293 = arith.constant 1.562500e-02 : f32
      %mul3A_294 = vector.broadcast %mul3A_293 : f32 to vector<16xf32>
      %mul3A_295 = arith.mulf %scan3A_143#17, %mul3A_294 : vector<16xf32>
      %mul3A_296 = arith.mulf %mul3A_292, %mul3A_292 : vector<16xf32>
      %sub3A_297 = arith.subf %mul3A_295, %mul3A_296 : vector<16xf32>
      %add3A_298 = arith.constant 9.99999974E-6 : f32
      %add3A_299 = vector.broadcast %add3A_298 : f32 to vector<16xf32>
      %add3A_300 = arith.addf %sub3A_297, %add3A_299 : vector<16xf32>
      %bitcast_convert_type3A_301 = tpu.bitcast %add3A_300 : vector<16xf32> -> vector<16xi32>
      %shift_right_arithmetic3A_302 = arith.constant 1 : i32
      %shift_right_arithmetic3A_303 = vector.broadcast %shift_right_arithmetic3A_302 : i32 to vector<16xi32>
      %shift_right_arithmetic3A_304 = arith.shrsi %bitcast_convert_type3A_301, %shift_right_arithmetic3A_303 : vector<16xi32>
      %sub3A_305 = arith.constant 1597463007 : i32
      %sub3A_306 = vector.broadcast %sub3A_305 : i32 to vector<16xi32>
      %sub3A_307 = arith.subi %sub3A_306, %shift_right_arithmetic3A_304 : vector<16xi32>
      %bitcast_convert_type3A_308 = tpu.bitcast %sub3A_307 : vector<16xi32> -> vector<16xf32>
      %mul3A_309 = arith.constant 5.000000e-01 : f32
      %mul3A_310 = vector.broadcast %mul3A_309 : f32 to vector<16xf32>
      %mul3A_311 = arith.mulf %mul3A_310, %add3A_300 : vector<16xf32>
      %mul3A_312 = arith.mulf %mul3A_311, %bitcast_convert_type3A_308 : vector<16xf32>
      %mul3A_313 = arith.mulf %mul3A_312, %bitcast_convert_type3A_308 : vector<16xf32>
      %sub3A_314 = arith.constant 1.500000e+00 : f32
      %sub3A_315 = vector.broadcast %sub3A_314 : f32 to vector<16xf32>
      %sub3A_316 = arith.subf %sub3A_315, %mul3A_313 : vector<16xf32>
      %mul3A_317 = arith.mulf %bitcast_convert_type3A_308, %sub3A_316 : vector<16xf32>
      %mul3A_318 = arith.constant 5.000000e-01 : f32
      %mul3A_319 = vector.broadcast %mul3A_318 : f32 to vector<16xf32>
      %mul3A_320 = arith.mulf %mul3A_319, %add3A_300 : vector<16xf32>
      %mul3A_321 = arith.mulf %mul3A_320, %mul3A_317 : vector<16xf32>
      %mul3A_322 = arith.mulf %mul3A_321, %mul3A_317 : vector<16xf32>
      %sub3A_323 = arith.constant 1.500000e+00 : f32
      %sub3A_324 = vector.broadcast %sub3A_323 : f32 to vector<16xf32>
      %sub3A_325 = arith.subf %sub3A_324, %mul3A_322 : vector<16xf32>
      %mul3A_326 = arith.mulf %mul3A_317, %sub3A_325 : vector<16xf32>
      %mul3A_327 = arith.constant 1.562500e-02 : f32
      %mul3A_328 = vector.broadcast %mul3A_327 : f32 to vector<16xf32>
      %mul3A_329 = arith.mulf %scan3A_143#5, %mul3A_328 : vector<16xf32>
      %mul3A_330 = arith.constant 1.562500e-02 : f32
      %mul3A_331 = vector.broadcast %mul3A_330 : f32 to vector<16xf32>
      %mul3A_332 = arith.mulf %scan3A_143#18, %mul3A_331 : vector<16xf32>
      %mul3A_333 = arith.mulf %mul3A_329, %mul3A_329 : vector<16xf32>
      %sub3A_334 = arith.subf %mul3A_332, %mul3A_333 : vector<16xf32>
      %add3A_335 = arith.constant 9.99999974E-6 : f32
      %add3A_336 = vector.broadcast %add3A_335 : f32 to vector<16xf32>
      %add3A_337 = arith.addf %sub3A_334, %add3A_336 : vector<16xf32>
      %bitcast_convert_type3A_338 = tpu.bitcast %add3A_337 : vector<16xf32> -> vector<16xi32>
      %shift_right_arithmetic3A_339 = arith.constant 1 : i32
      %shift_right_arithmetic3A_340 = vector.broadcast %shift_right_arithmetic3A_339 : i32 to vector<16xi32>
      %shift_right_arithmetic3A_341 = arith.shrsi %bitcast_convert_type3A_338, %shift_right_arithmetic3A_340 : vector<16xi32>
      %sub3A_342 = arith.constant 1597463007 : i32
      %sub3A_343 = vector.broadcast %sub3A_342 : i32 to vector<16xi32>
      %sub3A_344 = arith.subi %sub3A_343, %shift_right_arithmetic3A_341 : vector<16xi32>
      %bitcast_convert_type3A_345 = tpu.bitcast %sub3A_344 : vector<16xi32> -> vector<16xf32>
      %mul3A_346 = arith.constant 5.000000e-01 : f32
      %mul3A_347 = vector.broadcast %mul3A_346 : f32 to vector<16xf32>
      %mul3A_348 = arith.mulf %mul3A_347, %add3A_337 : vector<16xf32>
      %mul3A_349 = arith.mulf %mul3A_348, %bitcast_convert_type3A_345 : vector<16xf32>
      %mul3A_350 = arith.mulf %mul3A_349, %bitcast_convert_type3A_345 : vector<16xf32>
      %sub3A_351 = arith.constant 1.500000e+00 : f32
      %sub3A_352 = vector.broadcast %sub3A_351 : f32 to vector<16xf32>
      %sub3A_353 = arith.subf %sub3A_352, %mul3A_350 : vector<16xf32>
      %mul3A_354 = arith.mulf %bitcast_convert_type3A_345, %sub3A_353 : vector<16xf32>
      %mul3A_355 = arith.constant 5.000000e-01 : f32
      %mul3A_356 = vector.broadcast %mul3A_355 : f32 to vector<16xf32>
      %mul3A_357 = arith.mulf %mul3A_356, %add3A_337 : vector<16xf32>
      %mul3A_358 = arith.mulf %mul3A_357, %mul3A_354 : vector<16xf32>
      %mul3A_359 = arith.mulf %mul3A_358, %mul3A_354 : vector<16xf32>
      %sub3A_360 = arith.constant 1.500000e+00 : f32
      %sub3A_361 = vector.broadcast %sub3A_360 : f32 to vector<16xf32>
      %sub3A_362 = arith.subf %sub3A_361, %mul3A_359 : vector<16xf32>
      %mul3A_363 = arith.mulf %mul3A_354, %sub3A_362 : vector<16xf32>
      %mul3A_364 = arith.constant 1.562500e-02 : f32
      %mul3A_365 = vector.broadcast %mul3A_364 : f32 to vector<16xf32>
      %mul3A_366 = arith.mulf %scan3A_143#6, %mul3A_365 : vector<16xf32>
      %mul3A_367 = arith.constant 1.562500e-02 : f32
      %mul3A_368 = vector.broadcast %mul3A_367 : f32 to vector<16xf32>
      %mul3A_369 = arith.mulf %scan3A_143#19, %mul3A_368 : vector<16xf32>
      %mul3A_370 = arith.mulf %mul3A_366, %mul3A_366 : vector<16xf32>
      %sub3A_371 = arith.subf %mul3A_369, %mul3A_370 : vector<16xf32>
      %add3A_372 = arith.constant 9.99999974E-6 : f32
      %add3A_373 = vector.broadcast %add3A_372 : f32 to vector<16xf32>
      %add3A_374 = arith.addf %sub3A_371, %add3A_373 : vector<16xf32>
      %bitcast_convert_type3A_375 = tpu.bitcast %add3A_374 : vector<16xf32> -> vector<16xi32>
      %shift_right_arithmetic3A_376 = arith.constant 1 : i32
      %shift_right_arithmetic3A_377 = vector.broadcast %shift_right_arithmetic3A_376 : i32 to vector<16xi32>
      %shift_right_arithmetic3A_378 = arith.shrsi %bitcast_convert_type3A_375, %shift_right_arithmetic3A_377 : vector<16xi32>
      %sub3A_379 = arith.constant 1597463007 : i32
      %sub3A_380 = vector.broadcast %sub3A_379 : i32 to vector<16xi32>
      %sub3A_381 = arith.subi %sub3A_380, %shift_right_arithmetic3A_378 : vector<16xi32>
      %bitcast_convert_type3A_382 = tpu.bitcast %sub3A_381 : vector<16xi32> -> vector<16xf32>
      %mul3A_383 = arith.constant 5.000000e-01 : f32
      %mul3A_384 = vector.broadcast %mul3A_383 : f32 to vector<16xf32>
      %mul3A_385 = arith.mulf %mul3A_384, %add3A_374 : vector<16xf32>
      %mul3A_386 = arith.mulf %mul3A_385, %bitcast_convert_type3A_382 : vector<16xf32>
      %mul3A_387 = arith.mulf %mul3A_386, %bitcast_convert_type3A_382 : vector<16xf32>
      %sub3A_388 = arith.constant 1.500000e+00 : f32
      %sub3A_389 = vector.broadcast %sub3A_388 : f32 to vector<16xf32>
      %sub3A_390 = arith.subf %sub3A_389, %mul3A_387 : vector<16xf32>
      %mul3A_391 = arith.mulf %bitcast_convert_type3A_382, %sub3A_390 : vector<16xf32>
      %mul3A_392 = arith.constant 5.000000e-01 : f32
      %mul3A_393 = vector.broadcast %mul3A_392 : f32 to vector<16xf32>
      %mul3A_394 = arith.mulf %mul3A_393, %add3A_374 : vector<16xf32>
      %mul3A_395 = arith.mulf %mul3A_394, %mul3A_391 : vector<16xf32>
      %mul3A_396 = arith.mulf %mul3A_395, %mul3A_391 : vector<16xf32>
      %sub3A_397 = arith.constant 1.500000e+00 : f32
      %sub3A_398 = vector.broadcast %sub3A_397 : f32 to vector<16xf32>
      %sub3A_399 = arith.subf %sub3A_398, %mul3A_396 : vector<16xf32>
      %mul3A_400 = arith.mulf %mul3A_391, %sub3A_399 : vector<16xf32>
      %mul3A_401 = arith.constant 1.562500e-02 : f32
      %mul3A_402 = vector.broadcast %mul3A_401 : f32 to vector<16xf32>
      %mul3A_403 = arith.mulf %scan3A_143#7, %mul3A_402 : vector<16xf32>
      %mul3A_404 = arith.constant 1.562500e-02 : f32
      %mul3A_405 = vector.broadcast %mul3A_404 : f32 to vector<16xf32>
      %mul3A_406 = arith.mulf %scan3A_143#20, %mul3A_405 : vector<16xf32>
      %mul3A_407 = arith.mulf %mul3A_403, %mul3A_403 : vector<16xf32>
      %sub3A_408 = arith.subf %mul3A_406, %mul3A_407 : vector<16xf32>
      %add3A_409 = arith.constant 9.99999974E-6 : f32
      %add3A_410 = vector.broadcast %add3A_409 : f32 to vector<16xf32>
      %add3A_411 = arith.addf %sub3A_408, %add3A_410 : vector<16xf32>
      %bitcast_convert_type3A_412 = tpu.bitcast %add3A_411 : vector<16xf32> -> vector<16xi32>
      %shift_right_arithmetic3A_413 = arith.constant 1 : i32
      %shift_right_arithmetic3A_414 = vector.broadcast %shift_right_arithmetic3A_413 : i32 to vector<16xi32>
      %shift_right_arithmetic3A_415 = arith.shrsi %bitcast_convert_type3A_412, %shift_right_arithmetic3A_414 : vector<16xi32>
      %sub3A_416 = arith.constant 1597463007 : i32
      %sub3A_417 = vector.broadcast %sub3A_416 : i32 to vector<16xi32>
      %sub3A_418 = arith.subi %sub3A_417, %shift_right_arithmetic3A_415 : vector<16xi32>
      %bitcast_convert_type3A_419 = tpu.bitcast %sub3A_418 : vector<16xi32> -> vector<16xf32>
      %mul3A_420 = arith.constant 5.000000e-01 : f32
      %mul3A_421 = vector.broadcast %mul3A_420 : f32 to vector<16xf32>
      %mul3A_422 = arith.mulf %mul3A_421, %add3A_411 : vector<16xf32>
      %mul3A_423 = arith.mulf %mul3A_422, %bitcast_convert_type3A_419 : vector<16xf32>
      %mul3A_424 = arith.mulf %mul3A_423, %bitcast_convert_type3A_419 : vector<16xf32>
      %sub3A_425 = arith.constant 1.500000e+00 : f32
      %sub3A_426 = vector.broadcast %sub3A_425 : f32 to vector<16xf32>
      %sub3A_427 = arith.subf %sub3A_426, %mul3A_424 : vector<16xf32>
      %mul3A_428 = arith.mulf %bitcast_convert_type3A_419, %sub3A_427 : vector<16xf32>
      %mul3A_429 = arith.constant 5.000000e-01 : f32
      %mul3A_430 = vector.broadcast %mul3A_429 : f32 to vector<16xf32>
      %mul3A_431 = arith.mulf %mul3A_430, %add3A_411 : vector<16xf32>
      %mul3A_432 = arith.mulf %mul3A_431, %mul3A_428 : vector<16xf32>
      %mul3A_433 = arith.mulf %mul3A_432, %mul3A_428 : vector<16xf32>
      %sub3A_434 = arith.constant 1.500000e+00 : f32
      %sub3A_435 = vector.broadcast %sub3A_434 : f32 to vector<16xf32>
      %sub3A_436 = arith.subf %sub3A_435, %mul3A_433 : vector<16xf32>
      %mul3A_437 = arith.mulf %mul3A_428, %sub3A_436 : vector<16xf32>
      %mul3A_438 = arith.constant 1.562500e-02 : f32
      %mul3A_439 = vector.broadcast %mul3A_438 : f32 to vector<16xf32>
      %mul3A_440 = arith.mulf %scan3A_143#8, %mul3A_439 : vector<16xf32>
      %mul3A_441 = arith.constant 1.562500e-02 : f32
      %mul3A_442 = vector.broadcast %mul3A_441 : f32 to vector<16xf32>
      %mul3A_443 = arith.mulf %scan3A_143#21, %mul3A_442 : vector<16xf32>
      %mul3A_444 = arith.mulf %mul3A_440, %mul3A_440 : vector<16xf32>
      %sub3A_445 = arith.subf %mul3A_443, %mul3A_444 : vector<16xf32>
      %add3A_446 = arith.constant 9.99999974E-6 : f32
      %add3A_447 = vector.broadcast %add3A_446 : f32 to vector<16xf32>
      %add3A_448 = arith.addf %sub3A_445, %add3A_447 : vector<16xf32>
      %bitcast_convert_type3A_449 = tpu.bitcast %add3A_448 : vector<16xf32> -> vector<16xi32>
      %shift_right_arithmetic3A_450 = arith.constant 1 : i32
      %shift_right_arithmetic3A_451 = vector.broadcast %shift_right_arithmetic3A_450 : i32 to vector<16xi32>
      %shift_right_arithmetic3A_452 = arith.shrsi %bitcast_convert_type3A_449, %shift_right_arithmetic3A_451 : vector<16xi32>
      %sub3A_453 = arith.constant 1597463007 : i32
      %sub3A_454 = vector.broadcast %sub3A_453 : i32 to vector<16xi32>
      %sub3A_455 = arith.subi %sub3A_454, %shift_right_arithmetic3A_452 : vector<16xi32>
      %bitcast_convert_type3A_456 = tpu.bitcast %sub3A_455 : vector<16xi32> -> vector<16xf32>
      %mul3A_457 = arith.constant 5.000000e-01 : f32
      %mul3A_458 = vector.broadcast %mul3A_457 : f32 to vector<16xf32>
      %mul3A_459 = arith.mulf %mul3A_458, %add3A_448 : vector<16xf32>
      %mul3A_460 = arith.mulf %mul3A_459, %bitcast_convert_type3A_456 : vector<16xf32>
      %mul3A_461 = arith.mulf %mul3A_460, %bitcast_convert_type3A_456 : vector<16xf32>
      %sub3A_462 = arith.constant 1.500000e+00 : f32
      %sub3A_463 = vector.broadcast %sub3A_462 : f32 to vector<16xf32>
      %sub3A_464 = arith.subf %sub3A_463, %mul3A_461 : vector<16xf32>
      %mul3A_465 = arith.mulf %bitcast_convert_type3A_456, %sub3A_464 : vector<16xf32>
      %mul3A_466 = arith.constant 5.000000e-01 : f32
      %mul3A_467 = vector.broadcast %mul3A_466 : f32 to vector<16xf32>
      %mul3A_468 = arith.mulf %mul3A_467, %add3A_448 : vector<16xf32>
      %mul3A_469 = arith.mulf %mul3A_468, %mul3A_465 : vector<16xf32>
      %mul3A_470 = arith.mulf %mul3A_469, %mul3A_465 : vector<16xf32>
      %sub3A_471 = arith.constant 1.500000e+00 : f32
      %sub3A_472 = vector.broadcast %sub3A_471 : f32 to vector<16xf32>
      %sub3A_473 = arith.subf %sub3A_472, %mul3A_470 : vector<16xf32>
      %mul3A_474 = arith.mulf %mul3A_465, %sub3A_473 : vector<16xf32>
      %mul3A_475 = arith.constant 1.562500e-02 : f32
      %mul3A_476 = vector.broadcast %mul3A_475 : f32 to vector<16xf32>
      %mul3A_477 = arith.mulf %scan3A_143#9, %mul3A_476 : vector<16xf32>
      %mul3A_478 = arith.constant 1.562500e-02 : f32
      %mul3A_479 = vector.broadcast %mul3A_478 : f32 to vector<16xf32>
      %mul3A_480 = arith.mulf %scan3A_143#22, %mul3A_479 : vector<16xf32>
      %mul3A_481 = arith.mulf %mul3A_477, %mul3A_477 : vector<16xf32>
      %sub3A_482 = arith.subf %mul3A_480, %mul3A_481 : vector<16xf32>
      %add3A_483 = arith.constant 9.99999974E-6 : f32
      %add3A_484 = vector.broadcast %add3A_483 : f32 to vector<16xf32>
      %add3A_485 = arith.addf %sub3A_482, %add3A_484 : vector<16xf32>
      %bitcast_convert_type3A_486 = tpu.bitcast %add3A_485 : vector<16xf32> -> vector<16xi32>
      %shift_right_arithmetic3A_487 = arith.constant 1 : i32
      %shift_right_arithmetic3A_488 = vector.broadcast %shift_right_arithmetic3A_487 : i32 to vector<16xi32>
      %shift_right_arithmetic3A_489 = arith.shrsi %bitcast_convert_type3A_486, %shift_right_arithmetic3A_488 : vector<16xi32>
      %sub3A_490 = arith.constant 1597463007 : i32
      %sub3A_491 = vector.broadcast %sub3A_490 : i32 to vector<16xi32>
      %sub3A_492 = arith.subi %sub3A_491, %shift_right_arithmetic3A_489 : vector<16xi32>
      %bitcast_convert_type3A_493 = tpu.bitcast %sub3A_492 : vector<16xi32> -> vector<16xf32>
      %mul3A_494 = arith.constant 5.000000e-01 : f32
      %mul3A_495 = vector.broadcast %mul3A_494 : f32 to vector<16xf32>
      %mul3A_496 = arith.mulf %mul3A_495, %add3A_485 : vector<16xf32>
      %mul3A_497 = arith.mulf %mul3A_496, %bitcast_convert_type3A_493 : vector<16xf32>
      %mul3A_498 = arith.mulf %mul3A_497, %bitcast_convert_type3A_493 : vector<16xf32>
      %sub3A_499 = arith.constant 1.500000e+00 : f32
      %sub3A_500 = vector.broadcast %sub3A_499 : f32 to vector<16xf32>
      %sub3A_501 = arith.subf %sub3A_500, %mul3A_498 : vector<16xf32>
      %mul3A_502 = arith.mulf %bitcast_convert_type3A_493, %sub3A_501 : vector<16xf32>
      %mul3A_503 = arith.constant 5.000000e-01 : f32
      %mul3A_504 = vector.broadcast %mul3A_503 : f32 to vector<16xf32>
      %mul3A_505 = arith.mulf %mul3A_504, %add3A_485 : vector<16xf32>
      %mul3A_506 = arith.mulf %mul3A_505, %mul3A_502 : vector<16xf32>
      %mul3A_507 = arith.mulf %mul3A_506, %mul3A_502 : vector<16xf32>
      %sub3A_508 = arith.constant 1.500000e+00 : f32
      %sub3A_509 = vector.broadcast %sub3A_508 : f32 to vector<16xf32>
      %sub3A_510 = arith.subf %sub3A_509, %mul3A_507 : vector<16xf32>
      %mul3A_511 = arith.mulf %mul3A_502, %sub3A_510 : vector<16xf32>
      %mul3A_512 = arith.constant 1.562500e-02 : f32
      %mul3A_513 = vector.broadcast %mul3A_512 : f32 to vector<16xf32>
      %mul3A_514 = arith.mulf %scan3A_143#10, %mul3A_513 : vector<16xf32>
      %mul3A_515 = arith.constant 1.562500e-02 : f32
      %mul3A_516 = vector.broadcast %mul3A_515 : f32 to vector<16xf32>
      %mul3A_517 = arith.mulf %scan3A_143#23, %mul3A_516 : vector<16xf32>
      %mul3A_518 = arith.mulf %mul3A_514, %mul3A_514 : vector<16xf32>
      %sub3A_519 = arith.subf %mul3A_517, %mul3A_518 : vector<16xf32>
      %add3A_520 = arith.constant 9.99999974E-6 : f32
      %add3A_521 = vector.broadcast %add3A_520 : f32 to vector<16xf32>
      %add3A_522 = arith.addf %sub3A_519, %add3A_521 : vector<16xf32>
      %bitcast_convert_type3A_523 = tpu.bitcast %add3A_522 : vector<16xf32> -> vector<16xi32>
      %shift_right_arithmetic3A_524 = arith.constant 1 : i32
      %shift_right_arithmetic3A_525 = vector.broadcast %shift_right_arithmetic3A_524 : i32 to vector<16xi32>
      %shift_right_arithmetic3A_526 = arith.shrsi %bitcast_convert_type3A_523, %shift_right_arithmetic3A_525 : vector<16xi32>
      %sub3A_527 = arith.constant 1597463007 : i32
      %sub3A_528 = vector.broadcast %sub3A_527 : i32 to vector<16xi32>
      %sub3A_529 = arith.subi %sub3A_528, %shift_right_arithmetic3A_526 : vector<16xi32>
      %bitcast_convert_type3A_530 = tpu.bitcast %sub3A_529 : vector<16xi32> -> vector<16xf32>
      %mul3A_531 = arith.constant 5.000000e-01 : f32
      %mul3A_532 = vector.broadcast %mul3A_531 : f32 to vector<16xf32>
      %mul3A_533 = arith.mulf %mul3A_532, %add3A_522 : vector<16xf32>
      %mul3A_534 = arith.mulf %mul3A_533, %bitcast_convert_type3A_530 : vector<16xf32>
      %mul3A_535 = arith.mulf %mul3A_534, %bitcast_convert_type3A_530 : vector<16xf32>
      %sub3A_536 = arith.constant 1.500000e+00 : f32
      %sub3A_537 = vector.broadcast %sub3A_536 : f32 to vector<16xf32>
      %sub3A_538 = arith.subf %sub3A_537, %mul3A_535 : vector<16xf32>
      %mul3A_539 = arith.mulf %bitcast_convert_type3A_530, %sub3A_538 : vector<16xf32>
      %mul3A_540 = arith.constant 5.000000e-01 : f32
      %mul3A_541 = vector.broadcast %mul3A_540 : f32 to vector<16xf32>
      %mul3A_542 = arith.mulf %mul3A_541, %add3A_522 : vector<16xf32>
      %mul3A_543 = arith.mulf %mul3A_542, %mul3A_539 : vector<16xf32>
      %mul3A_544 = arith.mulf %mul3A_543, %mul3A_539 : vector<16xf32>
      %sub3A_545 = arith.constant 1.500000e+00 : f32
      %sub3A_546 = vector.broadcast %sub3A_545 : f32 to vector<16xf32>
      %sub3A_547 = arith.subf %sub3A_546, %mul3A_544 : vector<16xf32>
      %mul3A_548 = arith.mulf %mul3A_539, %sub3A_547 : vector<16xf32>
      %mul3A_549 = arith.constant 1.562500e-02 : f32
      %mul3A_550 = vector.broadcast %mul3A_549 : f32 to vector<16xf32>
      %mul3A_551 = arith.mulf %scan3A_143#11, %mul3A_550 : vector<16xf32>
      %mul3A_552 = arith.constant 1.562500e-02 : f32
      %mul3A_553 = vector.broadcast %mul3A_552 : f32 to vector<16xf32>
      %mul3A_554 = arith.mulf %scan3A_143#24, %mul3A_553 : vector<16xf32>
      %mul3A_555 = arith.mulf %mul3A_551, %mul3A_551 : vector<16xf32>
      %sub3A_556 = arith.subf %mul3A_554, %mul3A_555 : vector<16xf32>
      %add3A_557 = arith.constant 9.99999974E-6 : f32
      %add3A_558 = vector.broadcast %add3A_557 : f32 to vector<16xf32>
      %add3A_559 = arith.addf %sub3A_556, %add3A_558 : vector<16xf32>
      %bitcast_convert_type3A_560 = tpu.bitcast %add3A_559 : vector<16xf32> -> vector<16xi32>
      %shift_right_arithmetic3A_561 = arith.constant 1 : i32
      %shift_right_arithmetic3A_562 = vector.broadcast %shift_right_arithmetic3A_561 : i32 to vector<16xi32>
      %shift_right_arithmetic3A_563 = arith.shrsi %bitcast_convert_type3A_560, %shift_right_arithmetic3A_562 : vector<16xi32>
      %sub3A_564 = arith.constant 1597463007 : i32
      %sub3A_565 = vector.broadcast %sub3A_564 : i32 to vector<16xi32>
      %sub3A_566 = arith.subi %sub3A_565, %shift_right_arithmetic3A_563 : vector<16xi32>
      %bitcast_convert_type3A_567 = tpu.bitcast %sub3A_566 : vector<16xi32> -> vector<16xf32>
      %mul3A_568 = arith.constant 5.000000e-01 : f32
      %mul3A_569 = vector.broadcast %mul3A_568 : f32 to vector<16xf32>
      %mul3A_570 = arith.mulf %mul3A_569, %add3A_559 : vector<16xf32>
      %mul3A_571 = arith.mulf %mul3A_570, %bitcast_convert_type3A_567 : vector<16xf32>
      %mul3A_572 = arith.mulf %mul3A_571, %bitcast_convert_type3A_567 : vector<16xf32>
      %sub3A_573 = arith.constant 1.500000e+00 : f32
      %sub3A_574 = vector.broadcast %sub3A_573 : f32 to vector<16xf32>
      %sub3A_575 = arith.subf %sub3A_574, %mul3A_572 : vector<16xf32>
      %mul3A_576 = arith.mulf %bitcast_convert_type3A_567, %sub3A_575 : vector<16xf32>
      %mul3A_577 = arith.constant 5.000000e-01 : f32
      %mul3A_578 = vector.broadcast %mul3A_577 : f32 to vector<16xf32>
      %mul3A_579 = arith.mulf %mul3A_578, %add3A_559 : vector<16xf32>
      %mul3A_580 = arith.mulf %mul3A_579, %mul3A_576 : vector<16xf32>
      %mul3A_581 = arith.mulf %mul3A_580, %mul3A_576 : vector<16xf32>
      %sub3A_582 = arith.constant 1.500000e+00 : f32
      %sub3A_583 = vector.broadcast %sub3A_582 : f32 to vector<16xf32>
      %sub3A_584 = arith.subf %sub3A_583, %mul3A_581 : vector<16xf32>
      %mul3A_585 = arith.mulf %mul3A_576, %sub3A_584 : vector<16xf32>
      %mul3A_586 = arith.constant 1.562500e-02 : f32
      %mul3A_587 = vector.broadcast %mul3A_586 : f32 to vector<16xf32>
      %mul3A_588 = arith.mulf %scan3A_143#12, %mul3A_587 : vector<16xf32>
      %mul3A_589 = arith.constant 1.562500e-02 : f32
      %mul3A_590 = vector.broadcast %mul3A_589 : f32 to vector<16xf32>
      %mul3A_591 = arith.mulf %scan3A_143#25, %mul3A_590 : vector<16xf32>
      %mul3A_592 = arith.mulf %mul3A_588, %mul3A_588 : vector<16xf32>
      %sub3A_593 = arith.subf %mul3A_591, %mul3A_592 : vector<16xf32>
      %add3A_594 = arith.constant 9.99999974E-6 : f32
      %add3A_595 = vector.broadcast %add3A_594 : f32 to vector<16xf32>
      %add3A_596 = arith.addf %sub3A_593, %add3A_595 : vector<16xf32>
      %bitcast_convert_type3A_597 = tpu.bitcast %add3A_596 : vector<16xf32> -> vector<16xi32>
      %shift_right_arithmetic3A_598 = arith.constant 1 : i32
      %shift_right_arithmetic3A_599 = vector.broadcast %shift_right_arithmetic3A_598 : i32 to vector<16xi32>
      %shift_right_arithmetic3A_600 = arith.shrsi %bitcast_convert_type3A_597, %shift_right_arithmetic3A_599 : vector<16xi32>
      %sub3A_601 = arith.constant 1597463007 : i32
      %sub3A_602 = vector.broadcast %sub3A_601 : i32 to vector<16xi32>
      %sub3A_603 = arith.subi %sub3A_602, %shift_right_arithmetic3A_600 : vector<16xi32>
      %bitcast_convert_type3A_604 = tpu.bitcast %sub3A_603 : vector<16xi32> -> vector<16xf32>
      %mul3A_605 = arith.constant 5.000000e-01 : f32
      %mul3A_606 = vector.broadcast %mul3A_605 : f32 to vector<16xf32>
      %mul3A_607 = arith.mulf %mul3A_606, %add3A_596 : vector<16xf32>
      %mul3A_608 = arith.mulf %mul3A_607, %bitcast_convert_type3A_604 : vector<16xf32>
      %mul3A_609 = arith.mulf %mul3A_608, %bitcast_convert_type3A_604 : vector<16xf32>
      %sub3A_610 = arith.constant 1.500000e+00 : f32
      %sub3A_611 = vector.broadcast %sub3A_610 : f32 to vector<16xf32>
      %sub3A_612 = arith.subf %sub3A_611, %mul3A_609 : vector<16xf32>
      %mul3A_613 = arith.mulf %bitcast_convert_type3A_604, %sub3A_612 : vector<16xf32>
      %mul3A_614 = arith.constant 5.000000e-01 : f32
      %mul3A_615 = vector.broadcast %mul3A_614 : f32 to vector<16xf32>
      %mul3A_616 = arith.mulf %mul3A_615, %add3A_596 : vector<16xf32>
      %mul3A_617 = arith.mulf %mul3A_616, %mul3A_613 : vector<16xf32>
      %mul3A_618 = arith.mulf %mul3A_617, %mul3A_613 : vector<16xf32>
      %sub3A_619 = arith.constant 1.500000e+00 : f32
      %sub3A_620 = vector.broadcast %sub3A_619 : f32 to vector<16xf32>
      %sub3A_621 = arith.subf %sub3A_620, %mul3A_618 : vector<16xf32>
      %mul3A_622 = arith.mulf %mul3A_613, %sub3A_621 : vector<16xf32>
      %scan3A_623 = arith.constant 0 : i32
      %scan3A_624 = arith.constant 0 : i32
      %scan3A_625 = arith.constant 64 : i32
      %scan3A_626 = arith.addi %scan3A_624, %scan3A_625 : i32
      %scan3A_627 = arith.constant 1 : i32
      scf.for %scan3A_1193 = %scan3A_624 to %scan3A_626 step %scan3A_627  : i32 {
        %broadcast_in_dim3A_1194 = vector.broadcast %scan3A_1193 : i32 to vector<16xi32>
        %gather3A = tpu.vector_load_idx %arg13[%broadcast_in_dim3A_1194] : memref<64xf32, #tpu.memory_space<vmem>>[vector<16xi32>], vector<16xf32>,
        %gather3A_1195 = tpu.vector_load_idx %arg14[%broadcast_in_dim3A_1194] : memref<64xf32, #tpu.memory_space<vmem>>[vector<16xi32>], vector<16xf32>,
        %get3A = arith.index_cast %scan3A_1193 : i32 to index
        %get3A_1196 = arith.constant 0 : index
        %get3A_1197 = tpu.vector_load %arg12[%get3A, %get3A_1196] {strides = array<i32>} : memref<64x208xf32, #tpu.memory_space<vmem>>, vector<16xf32>,
        %sub3A_1198 = arith.subf %get3A_1197, %mul3A_147 : vector<16xf32>
        %mul3A_1199 = arith.mulf %sub3A_1198, %mul3A_178 : vector<16xf32>
        %mul3A_1200 = arith.mulf %mul3A_1199, %gather3A : vector<16xf32>
        %add3A_1201 = arith.addf %mul3A_1200, %gather3A_1195 : vector<16xf32>
        tpu.vector_store_idx %arg9[%add3A_7, %broadcast_in_dim3A_1194], %add3A_1201 : memref<200x64xf32, #tpu.memory_space<vmem>>[vector<16xi32>, vector<16xi32>], vector<16xf32>,
        %get3A_1202 = arith.index_cast %scan3A_1193 : i32 to index
        %get3A_1203 = arith.constant 16 : index
        %get3A_1204 = tpu.vector_load %arg12[%get3A_1202, %get3A_1203] {strides = array<i32>} : memref<64x208xf32, #tpu.memory_space<vmem>>, vector<16xf32>,
        %sub3A_1205 = arith.subf %get3A_1204, %mul3A_181 : vector<16xf32>
        %mul3A_1206 = arith.mulf %sub3A_1205, %mul3A_215 : vector<16xf32>
        %mul3A_1207 = arith.mulf %mul3A_1206, %gather3A : vector<16xf32>
        %add3A_1208 = arith.addf %mul3A_1207, %gather3A_1195 : vector<16xf32>
        tpu.vector_store_idx %arg9[%add3A_10, %broadcast_in_dim3A_1194], %add3A_1208 : memref<200x64xf32, #tpu.memory_space<vmem>>[vector<16xi32>, vector<16xi32>], vector<16xf32>,
        %get3A_1209 = arith.index_cast %scan3A_1193 : i32 to index
        %get3A_1210 = arith.constant 32 : index
        %get3A_1211 = tpu.vector_load %arg12[%get3A_1209, %get3A_1210] {strides = array<i32>} : memref<64x208xf32, #tpu.memory_space<vmem>>, vector<16xf32>,
        %sub3A_1212 = arith.subf %get3A_1211, %mul3A_218 : vector<16xf32>
        %mul3A_1213 = arith.mulf %sub3A_1212, %mul3A_252 : vector<16xf32>
        %mul3A_1214 = arith.mulf %mul3A_1213, %gather3A : vector<16xf32>
        %add3A_1215 = arith.addf %mul3A_1214, %gather3A_1195 : vector<16xf32>
        tpu.vector_store_idx %arg9[%add3A_13, %broadcast_in_dim3A_1194], %add3A_1215 : memref<200x64xf32, #tpu.memory_space<vmem>>[vector<16xi32>, vector<16xi32>], vector<16xf32>,
        %get3A_1216 = arith.index_cast %scan3A_1193 : i32 to index
        %get3A_1217 = arith.constant 48 : index
        %get3A_1218 = tpu.vector_load %arg12[%get3A_1216, %get3A_1217] {strides = array<i32>} : memref<64x208xf32, #tpu.memory_space<vmem>>, vector<16xf32>,
        %sub3A_1219 = arith.subf %get3A_1218, %mul3A_255 : vector<16xf32>
        %mul3A_1220 = arith.mulf %sub3A_1219, %mul3A_289 : vector<16xf32>
        %mul3A_1221 = arith.mulf %mul3A_1220, %gather3A : vector<16xf32>
        %add3A_1222 = arith.addf %mul3A_1221, %gather3A_1195 : vector<16xf32>
        tpu.vector_store_idx %arg9[%add3A_16, %broadcast_in_dim3A_1194], %add3A_1222 : memref<200x64xf32, #tpu.memory_space<vmem>>[vector<16xi32>, vector<16xi32>], vector<16xf32>,
        %get3A_1223 = arith.index_cast %scan3A_1193 : i32 to index
        %get3A_1224 = arith.constant 64 : index
        %get3A_1225 = tpu.vector_load %arg12[%get3A_1223, %get3A_1224] {strides = array<i32>} : memref<64x208xf32, #tpu.memory_space<vmem>>, vector<16xf32>,
        %sub3A_1226 = arith.subf %get3A_1225, %mul3A_292 : vector<16xf32>
        %mul3A_1227 = arith.mulf %sub3A_1226, %mul3A_326 : vector<16xf32>
        %mul3A_1228 = arith.mulf %mul3A_1227, %gather3A : vector<16xf32>
        %add3A_1229 = arith.addf %mul3A_1228, %gather3A_1195 : vector<16xf32>
        tpu.vector_store_idx %arg9[%add3A_19, %broadcast_in_dim3A_1194], %add3A_1229 : memref<200x64xf32, #tpu.memory_space<vmem>>[vector<16xi32>, vector<16xi32>], vector<16xf32>,
        %get3A_1230 = arith.index_cast %scan3A_1193 : i32 to index
        %get3A_1231 = arith.constant 80 : index
        %get3A_1232 = tpu.vector_load %arg12[%get3A_1230, %get3A_1231] {strides = array<i32>} : memref<64x208xf32, #tpu.memory_space<vmem>>, vector<16xf32>,
        %sub3A_1233 = arith.subf %get3A_1232, %mul3A_329 : vector<16xf32>
        %mul3A_1234 = arith.mulf %sub3A_1233, %mul3A_363 : vector<16xf32>
        %mul3A_1235 = arith.mulf %mul3A_1234, %gather3A : vector<16xf32>
        %add3A_1236 = arith.addf %mul3A_1235, %gather3A_1195 : vector<16xf32>
        tpu.vector_store_idx %arg9[%add3A_22, %broadcast_in_dim3A_1194], %add3A_1236 : memref<200x64xf32, #tpu.memory_space<vmem>>[vector<16xi32>, vector<16xi32>], vector<16xf32>,
        %get3A_1237 = arith.index_cast %scan3A_1193 : i32 to index
        %get3A_1238 = arith.constant 96 : index
        %get3A_1239 = tpu.vector_load %arg12[%get3A_1237, %get3A_1238] {strides = array<i32>} : memref<64x208xf32, #tpu.memory_space<vmem>>, vector<16xf32>,
        %sub3A_1240 = arith.subf %get3A_1239, %mul3A_366 : vector<16xf32>
        %mul3A_1241 = arith.mulf %sub3A_1240, %mul3A_400 : vector<16xf32>
        %mul3A_1242 = arith.mulf %mul3A_1241, %gather3A : vector<16xf32>
        %add3A_1243 = arith.addf %mul3A_1242, %gather3A_1195 : vector<16xf32>
        tpu.vector_store_idx %arg9[%add3A_25, %broadcast_in_dim3A_1194], %add3A_1243 : memref<200x64xf32, #tpu.memory_space<vmem>>[vector<16xi32>, vector<16xi32>], vector<16xf32>,
        %get3A_1244 = arith.index_cast %scan3A_1193 : i32 to index
        %get3A_1245 = arith.constant 112 : index
        %get3A_1246 = tpu.vector_load %arg12[%get3A_1244, %get3A_1245] {strides = array<i32>} : memref<64x208xf32, #tpu.memory_space<vmem>>, vector<16xf32>,
        %sub3A_1247 = arith.subf %get3A_1246, %mul3A_403 : vector<16xf32>
        %mul3A_1248 = arith.mulf %sub3A_1247, %mul3A_437 : vector<16xf32>
        %mul3A_1249 = arith.mulf %mul3A_1248, %gather3A : vector<16xf32>
        %add3A_1250 = arith.addf %mul3A_1249, %gather3A_1195 : vector<16xf32>
        tpu.vector_store_idx %arg9[%add3A_28, %broadcast_in_dim3A_1194], %add3A_1250 : memref<200x64xf32, #tpu.memory_space<vmem>>[vector<16xi32>, vector<16xi32>], vector<16xf32>,
        %get3A_1251 = arith.index_cast %scan3A_1193 : i32 to index
        %get3A_1252 = arith.constant 128 : index
        %get3A_1253 = tpu.vector_load %arg12[%get3A_1251, %get3A_1252] {strides = array<i32>} : memref<64x208xf32, #tpu.memory_space<vmem>>, vector<16xf32>,
        %sub3A_1254 = arith.subf %get3A_1253, %mul3A_440 : vector<16xf32>
        %mul3A_1255 = arith.mulf %sub3A_1254, %mul3A_474 : vector<16xf32>
        %mul3A_1256 = arith.mulf %mul3A_1255, %gather3A : vector<16xf32>
        %add3A_1257 = arith.addf %mul3A_1256, %gather3A_1195 : vector<16xf32>
        tpu.vector_store_idx %arg9[%add3A_31, %broadcast_in_dim3A_1194], %add3A_1257 : memref<200x64xf32, #tpu.memory_space<vmem>>[vector<16xi32>, vector<16xi32>], vector<16xf32>,
        %get3A_1258 = arith.index_cast %scan3A_1193 : i32 to index
        %get3A_1259 = arith.constant 144 : index
        %get3A_1260 = tpu.vector_load %arg12[%get3A_1258, %get3A_1259] {strides = array<i32>} : memref<64x208xf32, #tpu.memory_space<vmem>>, vector<16xf32>,
        %sub3A_1261 = arith.subf %get3A_1260, %mul3A_477 : vector<16xf32>
        %mul3A_1262 = arith.mulf %sub3A_1261, %mul3A_511 : vector<16xf32>
        %mul3A_1263 = arith.mulf %mul3A_1262, %gather3A : vector<16xf32>
        %add3A_1264 = arith.addf %mul3A_1263, %gather3A_1195 : vector<16xf32>
        tpu.vector_store_idx %arg9[%add3A_34, %broadcast_in_dim3A_1194], %add3A_1264 : memref<200x64xf32, #tpu.memory_space<vmem>>[vector<16xi32>, vector<16xi32>], vector<16xf32>,
        %get3A_1265 = arith.index_cast %scan3A_1193 : i32 to index
        %get3A_1266 = arith.constant 160 : index
        %get3A_1267 = tpu.vector_load %arg12[%get3A_1265, %get3A_1266] {strides = array<i32>} : memref<64x208xf32, #tpu.memory_space<vmem>>, vector<16xf32>,
        %sub3A_1268 = arith.subf %get3A_1267, %mul3A_514 : vector<16xf32>
        %mul3A_1269 = arith.mulf %sub3A_1268, %mul3A_548 : vector<16xf32>
        %mul3A_1270 = arith.mulf %mul3A_1269, %gather3A : vector<16xf32>
        %add3A_1271 = arith.addf %mul3A_1270, %gather3A_1195 : vector<16xf32>
        tpu.vector_store_idx %arg9[%add3A_37, %broadcast_in_dim3A_1194], %add3A_1271 : memref<200x64xf32, #tpu.memory_space<vmem>>[vector<16xi32>, vector<16xi32>], vector<16xf32>,
        %get3A_1272 = arith.index_cast %scan3A_1193 : i32 to index
        %get3A_1273 = arith.constant 176 : index
        %get3A_1274 = tpu.vector_load %arg12[%get3A_1272, %get3A_1273] {strides = array<i32>} : memref<64x208xf32, #tpu.memory_space<vmem>>, vector<16xf32>,
        %sub3A_1275 = arith.subf %get3A_1274, %mul3A_551 : vector<16xf32>
        %mul3A_1276 = arith.mulf %sub3A_1275, %mul3A_585 : vector<16xf32>
        %mul3A_1277 = arith.mulf %mul3A_1276, %gather3A : vector<16xf32>
        %add3A_1278 = arith.addf %mul3A_1277, %gather3A_1195 : vector<16xf32>
        tpu.vector_store_idx %arg9[%add3A_40, %broadcast_in_dim3A_1194], %add3A_1278 : memref<200x64xf32, #tpu.memory_space<vmem>>[vector<16xi32>, vector<16xi32>], vector<16xf32>,
        %get3A_1279 = arith.index_cast %scan3A_1193 : i32 to index
        %get3A_1280 = arith.constant 192 : index
        %get3A_1281 = tpu.vector_load %arg12[%get3A_1279, %get3A_1280] {strides = array<i32>} : memref<64x208xf32, #tpu.memory_space<vmem>>, vector<16xf32>,
        %sub3A_1282 = arith.subf %get3A_1281, %mul3A_588 : vector<16xf32>
        %mul3A_1283 = arith.mulf %sub3A_1282, %mul3A_622 : vector<16xf32>
        %mul3A_1284 = arith.mulf %mul3A_1283, %gather3A : vector<16xf32>
        %add3A_1285 = arith.addf %mul3A_1284, %gather3A_1195 : vector<16xf32>
        tpu.vector_store_idx %arg9[%add3A_43, %broadcast_in_dim3A_1194], %add3A_1285 : memref<200x64xf32, #tpu.memory_space<vmem>>[vector<16xi32>, vector<16xi32>], vector<16xf32>,
      }
      %scan3A_628 = arith.constant 64 : i32
      %mul3A_629 = arith.constant 200 : i32
      %mul3A_630 = arith.muli %add3A_75, %mul3A_629 : i32
      %add3A_631 = arith.addi %mul3A_4, %mul3A_630 : i32
      %dma_start3A_632 = arith.constant 0 : i32
      %dma_start3A_633 = tpu.memref_slice %arg7[%add3A_631, %dma_start3A_632] : memref<819200x64xf32, #tpu.memory_space<hbm>> -> memref<200x64xf32, #tpu.memory_space<hbm>>
      %dma_start3A_634 = arith.constant 0 : i32
      %dma_start3A_635 = tpu.memref_slice %arg7[%add3A_631, %dma_start3A_634] : memref<819200x64xf32, #tpu.memory_space<hbm>> -> memref<200x64xf32, #tpu.memory_space<hbm>>
      tpu.enqueue_dma source(%arg9 : memref<200x64xf32, #tpu.memory_space<vmem>>) target(%dma_start3A_635 : memref<200x64xf32, #tpu.memory_space<hbm>>) target_semaphore(%arg16 : memref<!tpu.dma_semaphore, #tpu.memory_space<semaphore_mem>>)
      %mul3A_636 = arith.constant 2 : i32
      %mul3A_637 = arith.muli %mul3A_636, %scan3A_70 : i32
      %add3A_638 = arith.constant 1 : i32
      %add3A_639 = arith.addi %mul3A_637, %add3A_638 : i32
      %dma_wait3A_640 = arith.constant 0 : i32
      %dma_wait3A_641 = arith.constant 0 : i32
      %dma_wait3A_642 = tpu.memref_slice %arg9[%dma_wait3A_640, %dma_wait3A_641] : memref<200x64xf32, #tpu.memory_space<vmem>> -> memref<104x64xf32, #tpu.memory_space<vmem>>
      %dma_wait3A_643 = arith.constant 0 : i32
      %dma_wait3A_644 = tpu.memref_slice %arg8[%dma_wait3A_643] : memref<25600xi32, #tpu.memory_space<vmem>> -> memref<104xi32, #tpu.memory_space<vmem>>
      %dma_wait3A_645 = arith.constant 0 : i32
      %dma_wait3A_646 = arith.constant 0 : i32
      %dma_wait3A_647 = tpu.memref_slice %arg3[%dma_wait3A_645, %dma_wait3A_646] : memref<100001x64xf32, #tpu.memory_space<hbm>> -> memref<100001x64xf32, #tpu.memory_space<hbm>>
      tpu.wait_indirect_dma semaphore(%arg15 : memref<!tpu.dma_semaphore, #tpu.memory_space<semaphore_mem>>) src(%dma_wait3A_647 : memref<100001x64xf32, #tpu.memory_space<hbm>>) dst(%dma_wait3A_642 : memref<104x64xf32, #tpu.memory_space<vmem>>)
      %dma_wait3A_648 = arith.constant 0 : i32
      %dma_wait3A_649 = arith.constant 0 : i32
      %dma_wait3A_650 = tpu.memref_slice %arg9[%dma_wait3A_648, %dma_wait3A_649] : memref<200x64xf32, #tpu.memory_space<vmem>> -> memref<96x64xf32, #tpu.memory_space<vmem>>
      %dma_wait3A_651 = arith.constant 0 : i32
      %dma_wait3A_652 = tpu.memref_slice %arg8[%dma_wait3A_651] : memref<25600xi32, #tpu.memory_space<vmem>> -> memref<96xi32, #tpu.memory_space<vmem>>
      %dma_wait3A_653 = arith.constant 0 : i32
      %dma_wait3A_654 = arith.constant 0 : i32
      %dma_wait3A_655 = tpu.memref_slice %arg3[%dma_wait3A_653, %dma_wait3A_654] : memref<100001x64xf32, #tpu.memory_space<hbm>> -> memref<100001x64xf32, #tpu.memory_space<hbm>>
      tpu.wait_indirect_dma semaphore(%arg15 : memref<!tpu.dma_semaphore, #tpu.memory_space<semaphore_mem>>) src(%dma_wait3A_655 : memref<100001x64xf32, #tpu.memory_space<hbm>>) dst(%dma_wait3A_650 : memref<96x64xf32, #tpu.memory_space<vmem>>)
      %dma_wait3A_656 = arith.constant 0 : i32
      %dma_wait3A_657 = arith.constant 0 : i32
      %dma_wait3A_658 = tpu.memref_slice %arg7[%dma_wait3A_656, %dma_wait3A_657] : memref<819200x64xf32, #tpu.memory_space<hbm>> -> memref<200x64xf32, #tpu.memory_space<hbm>>
      %dma_wait3A_659 = arith.constant 0 : i32
      %dma_wait3A_660 = arith.constant 0 : i32
      %dma_wait3A_661 = tpu.memref_slice %arg7[%dma_wait3A_659, %dma_wait3A_660] : memref<819200x64xf32, #tpu.memory_space<hbm>> -> memref<200x64xf32, #tpu.memory_space<hbm>>
      tpu.wait_dma2 semaphore(%arg16 : memref<!tpu.dma_semaphore, #tpu.memory_space<semaphore_mem>>) src(%arg9 : memref<200x64xf32, #tpu.memory_space<vmem>>) dst(%dma_wait3A_661 : memref<200x64xf32, #tpu.memory_space<hbm>>)
      %lt3A = arith.constant 63 : i32
      %lt3A_662 = arith.cmpi slt, %scan3A_70, %lt3A : i32
      %convert_element_type3A_663 = arith.extui %lt3A_662 : i1 to i32
      %cond3A_664 = arith.constant 0 : i32
      %cond3A_665 = arith.cmpi ne, %convert_element_type3A_663, %cond3A_664 : i32
      scf.if %cond3A_665 {
        %add3A_1193 = arith.constant 1 : i32
        %add3A_1194 = arith.addi %add3A_639, %add3A_1193 : i32
        %mul3A_1195 = arith.constant 200 : i32
        %mul3A_1196 = arith.muli %add3A_1194, %mul3A_1195 : i32
        %dma_start3A_1197 = arith.constant 0 : i32
        %dma_start3A_1198 = arith.constant 0 : i32
        %dma_start3A_1199 = tpu.memref_slice %arg9[%dma_start3A_1197, %dma_start3A_1198] : memref<200x64xf32, #tpu.memory_space<vmem>> -> memref<104x64xf32, #tpu.memory_space<vmem>>
        %dma_start3A_1200 = tpu.memref_slice %arg8[%mul3A_1196] : memref<25600xi32, #tpu.memory_space<vmem>> -> memref<104xi32, #tpu.memory_space<vmem>>
        %dma_start3A_1201 = arith.constant 0 : i32
        %dma_start3A_1202 = arith.constant 0 : i32
        %dma_start3A_1203 = tpu.memref_slice %arg3[%dma_start3A_1201, %dma_start3A_1202] : memref<100001x64xf32, #tpu.memory_space<hbm>> -> memref<100001x64xf32, #tpu.memory_space<hbm>>
        tpu.enqueue_indirect_dma source(%dma_start3A_1203 : memref<100001x64xf32, #tpu.memory_space<hbm>>) target(%dma_start3A_1199 : memref<104x64xf32, #tpu.memory_space<vmem>>) offsets(%dma_start3A_1200 : memref<104xi32, #tpu.memory_space<vmem>>) semaphore(%arg15 : memref<!tpu.dma_semaphore, #tpu.memory_space<semaphore_mem>>)
        %add3A_1204 = arith.constant 104 : i32
        %add3A_1205 = arith.addi %mul3A_1196, %add3A_1204 : i32
        %dma_start3A_1206 = arith.constant 104 : i32
        %dma_start3A_1207 = arith.constant 0 : i32
        %dma_start3A_1208 = tpu.memref_slice %arg9[%dma_start3A_1206, %dma_start3A_1207] : memref<200x64xf32, #tpu.memory_space<vmem>> -> memref<96x64xf32, #tpu.memory_space<vmem>>
        %dma_start3A_1209 = tpu.memref_slice %arg8[%add3A_1205] : memref<25600xi32, #tpu.memory_space<vmem>> -> memref<96xi32, #tpu.memory_space<vmem>>
        %dma_start3A_1210 = arith.constant 0 : i32
        %dma_start3A_1211 = arith.constant 0 : i32
        %dma_start3A_1212 = tpu.memref_slice %arg3[%dma_start3A_1210, %dma_start3A_1211] : memref<100001x64xf32, #tpu.memory_space<hbm>> -> memref<100001x64xf32, #tpu.memory_space<hbm>>
        tpu.enqueue_indirect_dma source(%dma_start3A_1212 : memref<100001x64xf32, #tpu.memory_space<hbm>>) target(%dma_start3A_1208 : memref<96x64xf32, #tpu.memory_space<vmem>>) offsets(%dma_start3A_1209 : memref<96xi32, #tpu.memory_space<vmem>>) semaphore(%arg15 : memref<!tpu.dma_semaphore, #tpu.memory_space<semaphore_mem>>)
      } else {
      }
      %broadcast_in_dim3A_666 = arith.constant 0.000000e+00 : f32
      %broadcast_in_dim3A_667 = vector.broadcast %broadcast_in_dim3A_666 : f32 to vector<16xf32>
      %broadcast_in_dim3A_668 = arith.constant 0.000000e+00 : f32
      %broadcast_in_dim3A_669 = vector.broadcast %broadcast_in_dim3A_668 : f32 to vector<16xf32>
      %broadcast_in_dim3A_670 = arith.constant 0.000000e+00 : f32
      %broadcast_in_dim3A_671 = vector.broadcast %broadcast_in_dim3A_670 : f32 to vector<16xf32>
      %broadcast_in_dim3A_672 = arith.constant 0.000000e+00 : f32
      %broadcast_in_dim3A_673 = vector.broadcast %broadcast_in_dim3A_672 : f32 to vector<16xf32>
      %broadcast_in_dim3A_674 = arith.constant 0.000000e+00 : f32
      %broadcast_in_dim3A_675 = vector.broadcast %broadcast_in_dim3A_674 : f32 to vector<16xf32>
      %broadcast_in_dim3A_676 = arith.constant 0.000000e+00 : f32
      %broadcast_in_dim3A_677 = vector.broadcast %broadcast_in_dim3A_676 : f32 to vector<16xf32>
      %broadcast_in_dim3A_678 = arith.constant 0.000000e+00 : f32
      %broadcast_in_dim3A_679 = vector.broadcast %broadcast_in_dim3A_678 : f32 to vector<16xf32>
      %broadcast_in_dim3A_680 = arith.constant 0.000000e+00 : f32
      %broadcast_in_dim3A_681 = vector.broadcast %broadcast_in_dim3A_680 : f32 to vector<16xf32>
      %broadcast_in_dim3A_682 = arith.constant 0.000000e+00 : f32
      %broadcast_in_dim3A_683 = vector.broadcast %broadcast_in_dim3A_682 : f32 to vector<16xf32>
      %broadcast_in_dim3A_684 = arith.constant 0.000000e+00 : f32
      %broadcast_in_dim3A_685 = vector.broadcast %broadcast_in_dim3A_684 : f32 to vector<16xf32>
      %broadcast_in_dim3A_686 = arith.constant 0.000000e+00 : f32
      %broadcast_in_dim3A_687 = vector.broadcast %broadcast_in_dim3A_686 : f32 to vector<16xf32>
      %broadcast_in_dim3A_688 = arith.constant 0.000000e+00 : f32
      %broadcast_in_dim3A_689 = vector.broadcast %broadcast_in_dim3A_688 : f32 to vector<16xf32>
      %broadcast_in_dim3A_690 = arith.constant 0.000000e+00 : f32
      %broadcast_in_dim3A_691 = vector.broadcast %broadcast_in_dim3A_690 : f32 to vector<16xf32>
      %scan3A_692 = arith.constant 0 : i32
      %scan3A_693 = arith.constant 64 : i32
      %scan3A_694 = arith.addi %scan3A_692, %scan3A_693 : i32
      %scan3A_695 = arith.constant 1 : i32
      %scan3A_696:26 = scf.for %scan3A_1193 = %scan3A_692 to %scan3A_694 step %scan3A_695 iter_args(%scan3A_1194 = %broadcast_in_dim3A_667, %scan3A_1195 = %broadcast_in_dim3A_669, %scan3A_1196 = %broadcast_in_dim3A_671, %scan3A_1197 = %broadcast_in_dim3A_673, %scan3A_1198 = %broadcast_in_dim3A_675, %scan3A_1199 = %broadcast_in_dim3A_677, %scan3A_1200 = %broadcast_in_dim3A_679, %scan3A_1201 = %broadcast_in_dim3A_681, %scan3A_1202 = %broadcast_in_dim3A_683, %scan3A_1203 = %broadcast_in_dim3A_685, %scan3A_1204 = %broadcast_in_dim3A_687, %scan3A_1205 = %broadcast_in_dim3A_689, %scan3A_1206 = %broadcast_in_dim3A_691, %scan3A_1207 = %broadcast_in_dim3A_667, %scan3A_1208 = %broadcast_in_dim3A_669, %scan3A_1209 = %broadcast_in_dim3A_671, %scan3A_1210 = %broadcast_in_dim3A_673, %scan3A_1211 = %broadcast_in_dim3A_675, %scan3A_1212 = %broadcast_in_dim3A_677, %scan3A_1213 = %broadcast_in_dim3A_679, %scan3A_1214 = %broadcast_in_dim3A_681, %scan3A_1215 = %broadcast_in_dim3A_683, %scan3A_1216 = %broadcast_in_dim3A_685, %scan3A_1217 = %broadcast_in_dim3A_687, %scan3A_1218 = %broadcast_in_dim3A_689, %scan3A_1219 = %broadcast_in_dim3A_691) -> (vector<16xf32>, vector<16xf32>, vector<16xf32>, vector<16xf32>, vector<16xf32>, vector<16xf32>, vector<16xf32>, vector<16xf32>, vector<16xf32>, vector<16xf32>, vector<16xf32>, vector<16xf32>, vector<16xf32>, vector<16xf32>, vector<16xf32>, vector<16xf32>, vector<16xf32>, vector<16xf32>, vector<16xf32>, vector<16xf32>, vector<16xf32>, vector<16xf32>, vector<16xf32>, vector<16xf32>, vector<16xf32>, vector<16xf32>)  : i32 {
        %broadcast_in_dim3A_1220 = vector.broadcast %scan3A_1193 : i32 to vector<16xi32>
        %gather3A = tpu.vector_load_idx %arg10[%add3A_7, %broadcast_in_dim3A_1220] : memref<200x64xf32, #tpu.memory_space<vmem>>[vector<16xi32>, vector<16xi32>], vector<16xf32>,
        %get3A = arith.index_cast %scan3A_1193 : i32 to index
        %get3A_1221 = arith.constant 0 : index
        %get3A_1222 = tpu.vector_load %arg11[%get3A, %get3A_1221] {strides = array<i32>} : memref<64x200xf32, #tpu.memory_space<vmem>>, vector<16xf32>,
        %add3A_1223 = arith.addf %gather3A, %get3A_1222 : vector<16xf32>
        %swap3A = arith.index_cast %scan3A_1193 : i32 to index
        %swap3A_1224 = arith.constant 0 : index
        %swap3A_1225 = tpu.vector_load %arg12[%swap3A, %swap3A_1224] {strides = array<i32>} : memref<64x208xf32, #tpu.memory_space<vmem>>, vector<16xf32>,
        tpu.vector_store %arg12[%swap3A, %swap3A_1224], %add3A_1223 {strides = array<i32>} : memref<64x208xf32, #tpu.memory_space<vmem>>, vector<16xf32>,
        %add3A_1226 = arith.addf %scan3A_1194, %add3A_1223 : vector<16xf32>
        %mul3A_1227 = arith.mulf %add3A_1223, %add3A_1223 : vector<16xf32>
        %add3A_1228 = arith.addf %scan3A_1207, %mul3A_1227 : vector<16xf32>
        %gather3A_1229 = tpu.vector_load_idx %arg10[%add3A_10, %broadcast_in_dim3A_1220] : memref<200x64xf32, #tpu.memory_space<vmem>>[vector<16xi32>, vector<16xi32>], vector<16xf32>,
        %get3A_1230 = arith.index_cast %scan3A_1193 : i32 to index
        %get3A_1231 = arith.constant 16 : index
        %get3A_1232 = tpu.vector_load %arg11[%get3A_1230, %get3A_1231] {strides = array<i32>} : memref<64x200xf32, #tpu.memory_space<vmem>>, vector<16xf32>,
        %add3A_1233 = arith.addf %gather3A_1229, %get3A_1232 : vector<16xf32>
        %swap3A_1234 = arith.index_cast %scan3A_1193 : i32 to index
        %swap3A_1235 = arith.constant 16 : index
        %swap3A_1236 = tpu.vector_load %arg12[%swap3A_1234, %swap3A_1235] {strides = array<i32>} : memref<64x208xf32, #tpu.memory_space<vmem>>, vector<16xf32>,
        tpu.vector_store %arg12[%swap3A_1234, %swap3A_1235], %add3A_1233 {strides = array<i32>} : memref<64x208xf32, #tpu.memory_space<vmem>>, vector<16xf32>,
        %add3A_1237 = arith.addf %scan3A_1195, %add3A_1233 : vector<16xf32>
        %mul3A_1238 = arith.mulf %add3A_1233, %add3A_1233 : vector<16xf32>
        %add3A_1239 = arith.addf %scan3A_1208, %mul3A_1238 : vector<16xf32>
        %gather3A_1240 = tpu.vector_load_idx %arg10[%add3A_13, %broadcast_in_dim3A_1220] : memref<200x64xf32, #tpu.memory_space<vmem>>[vector<16xi32>, vector<16xi32>], vector<16xf32>,
        %get3A_1241 = arith.index_cast %scan3A_1193 : i32 to index
        %get3A_1242 = arith.constant 32 : index
        %get3A_1243 = tpu.vector_load %arg11[%get3A_1241, %get3A_1242] {strides = array<i32>} : memref<64x200xf32, #tpu.memory_space<vmem>>, vector<16xf32>,
        %add3A_1244 = arith.addf %gather3A_1240, %get3A_1243 : vector<16xf32>
        %swap3A_1245 = arith.index_cast %scan3A_1193 : i32 to index
        %swap3A_1246 = arith.constant 32 : index
        %swap3A_1247 = tpu.vector_load %arg12[%swap3A_1245, %swap3A_1246] {strides = array<i32>} : memref<64x208xf32, #tpu.memory_space<vmem>>, vector<16xf32>,
        tpu.vector_store %arg12[%swap3A_1245, %swap3A_1246], %add3A_1244 {strides = array<i32>} : memref<64x208xf32, #tpu.memory_space<vmem>>, vector<16xf32>,
        %add3A_1248 = arith.addf %scan3A_1196, %add3A_1244 : vector<16xf32>
        %mul3A_1249 = arith.mulf %add3A_1244, %add3A_1244 : vector<16xf32>
        %add3A_1250 = arith.addf %scan3A_1209, %mul3A_1249 : vector<16xf32>
        %gather3A_1251 = tpu.vector_load_idx %arg10[%add3A_16, %broadcast_in_dim3A_1220] : memref<200x64xf32, #tpu.memory_space<vmem>>[vector<16xi32>, vector<16xi32>], vector<16xf32>,
        %get3A_1252 = arith.index_cast %scan3A_1193 : i32 to index
        %get3A_1253 = arith.constant 48 : index
        %get3A_1254 = tpu.vector_load %arg11[%get3A_1252, %get3A_1253] {strides = array<i32>} : memref<64x200xf32, #tpu.memory_space<vmem>>, vector<16xf32>,
        %add3A_1255 = arith.addf %gather3A_1251, %get3A_1254 : vector<16xf32>
        %swap3A_1256 = arith.index_cast %scan3A_1193 : i32 to index
        %swap3A_1257 = arith.constant 48 : index
        %swap3A_1258 = tpu.vector_load %arg12[%swap3A_1256, %swap3A_1257] {strides = array<i32>} : memref<64x208xf32, #tpu.memory_space<vmem>>, vector<16xf32>,
        tpu.vector_store %arg12[%swap3A_1256, %swap3A_1257], %add3A_1255 {strides = array<i32>} : memref<64x208xf32, #tpu.memory_space<vmem>>, vector<16xf32>,
        %add3A_1259 = arith.addf %scan3A_1197, %add3A_1255 : vector<16xf32>
        %mul3A_1260 = arith.mulf %add3A_1255, %add3A_1255 : vector<16xf32>
        %add3A_1261 = arith.addf %scan3A_1210, %mul3A_1260 : vector<16xf32>
        %gather3A_1262 = tpu.vector_load_idx %arg10[%add3A_19, %broadcast_in_dim3A_1220] : memref<200x64xf32, #tpu.memory_space<vmem>>[vector<16xi32>, vector<16xi32>], vector<16xf32>,
        %get3A_1263 = arith.index_cast %scan3A_1193 : i32 to index
        %get3A_1264 = arith.constant 64 : index
        %get3A_1265 = tpu.vector_load %arg11[%get3A_1263, %get3A_1264] {strides = array<i32>} : memref<64x200xf32, #tpu.memory_space<vmem>>, vector<16xf32>,
        %add3A_1266 = arith.addf %gather3A_1262, %get3A_1265 : vector<16xf32>
        %swap3A_1267 = arith.index_cast %scan3A_1193 : i32 to index
        %swap3A_1268 = arith.constant 64 : index
        %swap3A_1269 = tpu.vector_load %arg12[%swap3A_1267, %swap3A_1268] {strides = array<i32>} : memref<64x208xf32, #tpu.memory_space<vmem>>, vector<16xf32>,
        tpu.vector_store %arg12[%swap3A_1267, %swap3A_1268], %add3A_1266 {strides = array<i32>} : memref<64x208xf32, #tpu.memory_space<vmem>>, vector<16xf32>,
        %add3A_1270 = arith.addf %scan3A_1198, %add3A_1266 : vector<16xf32>
        %mul3A_1271 = arith.mulf %add3A_1266, %add3A_1266 : vector<16xf32>
        %add3A_1272 = arith.addf %scan3A_1211, %mul3A_1271 : vector<16xf32>
        %gather3A_1273 = tpu.vector_load_idx %arg10[%add3A_22, %broadcast_in_dim3A_1220] : memref<200x64xf32, #tpu.memory_space<vmem>>[vector<16xi32>, vector<16xi32>], vector<16xf32>,
        %get3A_1274 = arith.index_cast %scan3A_1193 : i32 to index
        %get3A_1275 = arith.constant 80 : index
        %get3A_1276 = tpu.vector_load %arg11[%get3A_1274, %get3A_1275] {strides = array<i32>} : memref<64x200xf32, #tpu.memory_space<vmem>>, vector<16xf32>,
        %add3A_1277 = arith.addf %gather3A_1273, %get3A_1276 : vector<16xf32>
        %swap3A_1278 = arith.index_cast %scan3A_1193 : i32 to index
        %swap3A_1279 = arith.constant 80 : index
        %swap3A_1280 = tpu.vector_load %arg12[%swap3A_1278, %swap3A_1279] {strides = array<i32>} : memref<64x208xf32, #tpu.memory_space<vmem>>, vector<16xf32>,
        tpu.vector_store %arg12[%swap3A_1278, %swap3A_1279], %add3A_1277 {strides = array<i32>} : memref<64x208xf32, #tpu.memory_space<vmem>>, vector<16xf32>,
        %add3A_1281 = arith.addf %scan3A_1199, %add3A_1277 : vector<16xf32>
        %mul3A_1282 = arith.mulf %add3A_1277, %add3A_1277 : vector<16xf32>
        %add3A_1283 = arith.addf %scan3A_1212, %mul3A_1282 : vector<16xf32>
        %gather3A_1284 = tpu.vector_load_idx %arg10[%add3A_25, %broadcast_in_dim3A_1220] : memref<200x64xf32, #tpu.memory_space<vmem>>[vector<16xi32>, vector<16xi32>], vector<16xf32>,
        %get3A_1285 = arith.index_cast %scan3A_1193 : i32 to index
        %get3A_1286 = arith.constant 96 : index
        %get3A_1287 = tpu.vector_load %arg11[%get3A_1285, %get3A_1286] {strides = array<i32>} : memref<64x200xf32, #tpu.memory_space<vmem>>, vector<16xf32>,
        %add3A_1288 = arith.addf %gather3A_1284, %get3A_1287 : vector<16xf32>
        %swap3A_1289 = arith.index_cast %scan3A_1193 : i32 to index
        %swap3A_1290 = arith.constant 96 : index
        %swap3A_1291 = tpu.vector_load %arg12[%swap3A_1289, %swap3A_1290] {strides = array<i32>} : memref<64x208xf32, #tpu.memory_space<vmem>>, vector<16xf32>,
        tpu.vector_store %arg12[%swap3A_1289, %swap3A_1290], %add3A_1288 {strides = array<i32>} : memref<64x208xf32, #tpu.memory_space<vmem>>, vector<16xf32>,
        %add3A_1292 = arith.addf %scan3A_1200, %add3A_1288 : vector<16xf32>
        %mul3A_1293 = arith.mulf %add3A_1288, %add3A_1288 : vector<16xf32>
        %add3A_1294 = arith.addf %scan3A_1213, %mul3A_1293 : vector<16xf32>
        %gather3A_1295 = tpu.vector_load_idx %arg10[%add3A_28, %broadcast_in_dim3A_1220] : memref<200x64xf32, #tpu.memory_space<vmem>>[vector<16xi32>, vector<16xi32>], vector<16xf32>,
        %get3A_1296 = arith.index_cast %scan3A_1193 : i32 to index
        %get3A_1297 = arith.constant 112 : index
        %get3A_1298 = tpu.vector_load %arg11[%get3A_1296, %get3A_1297] {strides = array<i32>} : memref<64x200xf32, #tpu.memory_space<vmem>>, vector<16xf32>,
        %add3A_1299 = arith.addf %gather3A_1295, %get3A_1298 : vector<16xf32>
        %swap3A_1300 = arith.index_cast %scan3A_1193 : i32 to index
        %swap3A_1301 = arith.constant 112 : index
        %swap3A_1302 = tpu.vector_load %arg12[%swap3A_1300, %swap3A_1301] {strides = array<i32>} : memref<64x208xf32, #tpu.memory_space<vmem>>, vector<16xf32>,
        tpu.vector_store %arg12[%swap3A_1300, %swap3A_1301], %add3A_1299 {strides = array<i32>} : memref<64x208xf32, #tpu.memory_space<vmem>>, vector<16xf32>,
        %add3A_1303 = arith.addf %scan3A_1201, %add3A_1299 : vector<16xf32>
        %mul3A_1304 = arith.mulf %add3A_1299, %add3A_1299 : vector<16xf32>
        %add3A_1305 = arith.addf %scan3A_1214, %mul3A_1304 : vector<16xf32>
        %gather3A_1306 = tpu.vector_load_idx %arg10[%add3A_31, %broadcast_in_dim3A_1220] : memref<200x64xf32, #tpu.memory_space<vmem>>[vector<16xi32>, vector<16xi32>], vector<16xf32>,
        %get3A_1307 = arith.index_cast %scan3A_1193 : i32 to index
        %get3A_1308 = arith.constant 128 : index
        %get3A_1309 = tpu.vector_load %arg11[%get3A_1307, %get3A_1308] {strides = array<i32>} : memref<64x200xf32, #tpu.memory_space<vmem>>, vector<16xf32>,
        %add3A_1310 = arith.addf %gather3A_1306, %get3A_1309 : vector<16xf32>
        %swap3A_1311 = arith.index_cast %scan3A_1193 : i32 to index
        %swap3A_1312 = arith.constant 128 : index
        %swap3A_1313 = tpu.vector_load %arg12[%swap3A_1311, %swap3A_1312] {strides = array<i32>} : memref<64x208xf32, #tpu.memory_space<vmem>>, vector<16xf32>,
        tpu.vector_store %arg12[%swap3A_1311, %swap3A_1312], %add3A_1310 {strides = array<i32>} : memref<64x208xf32, #tpu.memory_space<vmem>>, vector<16xf32>,
        %add3A_1314 = arith.addf %scan3A_1202, %add3A_1310 : vector<16xf32>
        %mul3A_1315 = arith.mulf %add3A_1310, %add3A_1310 : vector<16xf32>
        %add3A_1316 = arith.addf %scan3A_1215, %mul3A_1315 : vector<16xf32>
        %gather3A_1317 = tpu.vector_load_idx %arg10[%add3A_34, %broadcast_in_dim3A_1220] : memref<200x64xf32, #tpu.memory_space<vmem>>[vector<16xi32>, vector<16xi32>], vector<16xf32>,
        %get3A_1318 = arith.index_cast %scan3A_1193 : i32 to index
        %get3A_1319 = arith.constant 144 : index
        %get3A_1320 = tpu.vector_load %arg11[%get3A_1318, %get3A_1319] {strides = array<i32>} : memref<64x200xf32, #tpu.memory_space<vmem>>, vector<16xf32>,
        %add3A_1321 = arith.addf %gather3A_1317, %get3A_1320 : vector<16xf32>
        %swap3A_1322 = arith.index_cast %scan3A_1193 : i32 to index
        %swap3A_1323 = arith.constant 144 : index
        %swap3A_1324 = tpu.vector_load %arg12[%swap3A_1322, %swap3A_1323] {strides = array<i32>} : memref<64x208xf32, #tpu.memory_space<vmem>>, vector<16xf32>,
        tpu.vector_store %arg12[%swap3A_1322, %swap3A_1323], %add3A_1321 {strides = array<i32>} : memref<64x208xf32, #tpu.memory_space<vmem>>, vector<16xf32>,
        %add3A_1325 = arith.addf %scan3A_1203, %add3A_1321 : vector<16xf32>
        %mul3A_1326 = arith.mulf %add3A_1321, %add3A_1321 : vector<16xf32>
        %add3A_1327 = arith.addf %scan3A_1216, %mul3A_1326 : vector<16xf32>
        %gather3A_1328 = tpu.vector_load_idx %arg10[%add3A_37, %broadcast_in_dim3A_1220] : memref<200x64xf32, #tpu.memory_space<vmem>>[vector<16xi32>, vector<16xi32>], vector<16xf32>,
        %get3A_1329 = arith.index_cast %scan3A_1193 : i32 to index
        %get3A_1330 = arith.constant 160 : index
        %get3A_1331 = tpu.vector_load %arg11[%get3A_1329, %get3A_1330] {strides = array<i32>} : memref<64x200xf32, #tpu.memory_space<vmem>>, vector<16xf32>,
        %add3A_1332 = arith.addf %gather3A_1328, %get3A_1331 : vector<16xf32>
        %swap3A_1333 = arith.index_cast %scan3A_1193 : i32 to index
        %swap3A_1334 = arith.constant 160 : index
        %swap3A_1335 = tpu.vector_load %arg12[%swap3A_1333, %swap3A_1334] {strides = array<i32>} : memref<64x208xf32, #tpu.memory_space<vmem>>, vector<16xf32>,
        tpu.vector_store %arg12[%swap3A_1333, %swap3A_1334], %add3A_1332 {strides = array<i32>} : memref<64x208xf32, #tpu.memory_space<vmem>>, vector<16xf32>,
        %add3A_1336 = arith.addf %scan3A_1204, %add3A_1332 : vector<16xf32>
        %mul3A_1337 = arith.mulf %add3A_1332, %add3A_1332 : vector<16xf32>
        %add3A_1338 = arith.addf %scan3A_1217, %mul3A_1337 : vector<16xf32>
        %gather3A_1339 = tpu.vector_load_idx %arg10[%add3A_40, %broadcast_in_dim3A_1220] : memref<200x64xf32, #tpu.memory_space<vmem>>[vector<16xi32>, vector<16xi32>], vector<16xf32>,
        %get3A_1340 = arith.index_cast %scan3A_1193 : i32 to index
        %get3A_1341 = arith.constant 176 : index
        %get3A_1342 = tpu.vector_load %arg11[%get3A_1340, %get3A_1341] {strides = array<i32>} : memref<64x200xf32, #tpu.memory_space<vmem>>, vector<16xf32>,
        %add3A_1343 = arith.addf %gather3A_1339, %get3A_1342 : vector<16xf32>
        %swap3A_1344 = arith.index_cast %scan3A_1193 : i32 to index
        %swap3A_1345 = arith.constant 176 : index
        %swap3A_1346 = tpu.vector_load %arg12[%swap3A_1344, %swap3A_1345] {strides = array<i32>} : memref<64x208xf32, #tpu.memory_space<vmem>>, vector<16xf32>,
        tpu.vector_store %arg12[%swap3A_1344, %swap3A_1345], %add3A_1343 {strides = array<i32>} : memref<64x208xf32, #tpu.memory_space<vmem>>, vector<16xf32>,
        %add3A_1347 = arith.addf %scan3A_1205, %add3A_1343 : vector<16xf32>
        %mul3A_1348 = arith.mulf %add3A_1343, %add3A_1343 : vector<16xf32>
        %add3A_1349 = arith.addf %scan3A_1218, %mul3A_1348 : vector<16xf32>
        %gather3A_1350 = tpu.vector_load_idx %arg10[%add3A_43, %broadcast_in_dim3A_1220] : memref<200x64xf32, #tpu.memory_space<vmem>>[vector<16xi32>, vector<16xi32>], vector<16xf32>,
        %get3A_1351 = arith.index_cast %scan3A_1193 : i32 to index
        %get3A_1352 = arith.constant 184 : index
        %get3A_1353 = tpu.vector_load %arg11[%get3A_1351, %get3A_1352] {strides = array<i32>} : memref<64x200xf32, #tpu.memory_space<vmem>>, vector<16xf32>,
        %add3A_1354 = arith.addf %gather3A_1350, %get3A_1353 : vector<16xf32>
        %swap3A_1355 = arith.index_cast %scan3A_1193 : i32 to index
        %swap3A_1356 = arith.constant 192 : index
        %swap3A_1357 = tpu.vector_load %arg12[%swap3A_1355, %swap3A_1356] {strides = array<i32>} : memref<64x208xf32, #tpu.memory_space<vmem>>, vector<16xf32>,
        tpu.vector_store %arg12[%swap3A_1355, %swap3A_1356], %add3A_1354 {strides = array<i32>} : memref<64x208xf32, #tpu.memory_space<vmem>>, vector<16xf32>,
        %add3A_1358 = arith.addf %scan3A_1206, %add3A_1354 : vector<16xf32>
        %mul3A_1359 = arith.mulf %add3A_1354, %add3A_1354 : vector<16xf32>
        %add3A_1360 = arith.addf %scan3A_1219, %mul3A_1359 : vector<16xf32>
        scf.yield %add3A_1226, %add3A_1237, %add3A_1248, %add3A_1259, %add3A_1270, %add3A_1281, %add3A_1292, %add3A_1303, %add3A_1314, %add3A_1325, %add3A_1336, %add3A_1347, %add3A_1358, %add3A_1228, %add3A_1239, %add3A_1250, %add3A_1261, %add3A_1272, %add3A_1283, %add3A_1294, %add3A_1305, %add3A_1316, %add3A_1327, %add3A_1338, %add3A_1349, %add3A_1360 : vector<16xf32>, vector<16xf32>, vector<16xf32>, vector<16xf32>, vector<16xf32>, vector<16xf32>, vector<16xf32>, vector<16xf32>, vector<16xf32>, vector<16xf32>, vector<16xf32>, vector<16xf32>, vector<16xf32>, vector<16xf32>, vector<16xf32>, vector<16xf32>, vector<16xf32>, vector<16xf32>, vector<16xf32>, vector<16xf32>, vector<16xf32>, vector<16xf32>, vector<16xf32>, vector<16xf32>, vector<16xf32>, vector<16xf32>
      }
      %scan3A_697 = arith.constant 64 : i32
      %mul3A_698 = arith.constant 1.562500e-02 : f32
      %mul3A_699 = vector.broadcast %mul3A_698 : f32 to vector<16xf32>
      %mul3A_700 = arith.mulf %scan3A_696#0, %mul3A_699 : vector<16xf32>
      %mul3A_701 = arith.constant 1.562500e-02 : f32
      %mul3A_702 = vector.broadcast %mul3A_701 : f32 to vector<16xf32>
      %mul3A_703 = arith.mulf %scan3A_696#13, %mul3A_702 : vector<16xf32>
      %mul3A_704 = arith.mulf %mul3A_700, %mul3A_700 : vector<16xf32>
      %sub3A_705 = arith.subf %mul3A_703, %mul3A_704 : vector<16xf32>
      %add3A_706 = arith.constant 9.99999974E-6 : f32
      %add3A_707 = vector.broadcast %add3A_706 : f32 to vector<16xf32>
      %add3A_708 = arith.addf %sub3A_705, %add3A_707 : vector<16xf32>
      %bitcast_convert_type3A_709 = tpu.bitcast %add3A_708 : vector<16xf32> -> vector<16xi32>
      %shift_right_arithmetic3A_710 = arith.constant 1 : i32
      %shift_right_arithmetic3A_711 = vector.broadcast %shift_right_arithmetic3A_710 : i32 to vector<16xi32>
      %shift_right_arithmetic3A_712 = arith.shrsi %bitcast_convert_type3A_709, %shift_right_arithmetic3A_711 : vector<16xi32>
      %sub3A_713 = arith.constant 1597463007 : i32
      %sub3A_714 = vector.broadcast %sub3A_713 : i32 to vector<16xi32>
      %sub3A_715 = arith.subi %sub3A_714, %shift_right_arithmetic3A_712 : vector<16xi32>
      %bitcast_convert_type3A_716 = tpu.bitcast %sub3A_715 : vector<16xi32> -> vector<16xf32>
      %mul3A_717 = arith.constant 5.000000e-01 : f32
      %mul3A_718 = vector.broadcast %mul3A_717 : f32 to vector<16xf32>
      %mul3A_719 = arith.mulf %mul3A_718, %add3A_708 : vector<16xf32>
      %mul3A_720 = arith.mulf %mul3A_719, %bitcast_convert_type3A_716 : vector<16xf32>
      %mul3A_721 = arith.mulf %mul3A_720, %bitcast_convert_type3A_716 : vector<16xf32>
      %sub3A_722 = arith.constant 1.500000e+00 : f32
      %sub3A_723 = vector.broadcast %sub3A_722 : f32 to vector<16xf32>
      %sub3A_724 = arith.subf %sub3A_723, %mul3A_721 : vector<16xf32>
      %mul3A_725 = arith.mulf %bitcast_convert_type3A_716, %sub3A_724 : vector<16xf32>
      %mul3A_726 = arith.constant 5.000000e-01 : f32
      %mul3A_727 = vector.broadcast %mul3A_726 : f32 to vector<16xf32>
      %mul3A_728 = arith.mulf %mul3A_727, %add3A_708 : vector<16xf32>
      %mul3A_729 = arith.mulf %mul3A_728, %mul3A_725 : vector<16xf32>
      %mul3A_730 = arith.mulf %mul3A_729, %mul3A_725 : vector<16xf32>
      %sub3A_731 = arith.constant 1.500000e+00 : f32
      %sub3A_732 = vector.broadcast %sub3A_731 : f32 to vector<16xf32>
      %sub3A_733 = arith.subf %sub3A_732, %mul3A_730 : vector<16xf32>
      %mul3A_734 = arith.mulf %mul3A_725, %sub3A_733 : vector<16xf32>
      %mul3A_735 = arith.constant 1.562500e-02 : f32
      %mul3A_736 = vector.broadcast %mul3A_735 : f32 to vector<16xf32>
      %mul3A_737 = arith.mulf %scan3A_696#1, %mul3A_736 : vector<16xf32>
      %mul3A_738 = arith.constant 1.562500e-02 : f32
      %mul3A_739 = vector.broadcast %mul3A_738 : f32 to vector<16xf32>
      %mul3A_740 = arith.mulf %scan3A_696#14, %mul3A_739 : vector<16xf32>
      %mul3A_741 = arith.mulf %mul3A_737, %mul3A_737 : vector<16xf32>
      %sub3A_742 = arith.subf %mul3A_740, %mul3A_741 : vector<16xf32>
      %add3A_743 = arith.constant 9.99999974E-6 : f32
      %add3A_744 = vector.broadcast %add3A_743 : f32 to vector<16xf32>
      %add3A_745 = arith.addf %sub3A_742, %add3A_744 : vector<16xf32>
      %bitcast_convert_type3A_746 = tpu.bitcast %add3A_745 : vector<16xf32> -> vector<16xi32>
      %shift_right_arithmetic3A_747 = arith.constant 1 : i32
      %shift_right_arithmetic3A_748 = vector.broadcast %shift_right_arithmetic3A_747 : i32 to vector<16xi32>
      %shift_right_arithmetic3A_749 = arith.shrsi %bitcast_convert_type3A_746, %shift_right_arithmetic3A_748 : vector<16xi32>
      %sub3A_750 = arith.constant 1597463007 : i32
      %sub3A_751 = vector.broadcast %sub3A_750 : i32 to vector<16xi32>
      %sub3A_752 = arith.subi %sub3A_751, %shift_right_arithmetic3A_749 : vector<16xi32>
      %bitcast_convert_type3A_753 = tpu.bitcast %sub3A_752 : vector<16xi32> -> vector<16xf32>
      %mul3A_754 = arith.constant 5.000000e-01 : f32
      %mul3A_755 = vector.broadcast %mul3A_754 : f32 to vector<16xf32>
      %mul3A_756 = arith.mulf %mul3A_755, %add3A_745 : vector<16xf32>
      %mul3A_757 = arith.mulf %mul3A_756, %bitcast_convert_type3A_753 : vector<16xf32>
      %mul3A_758 = arith.mulf %mul3A_757, %bitcast_convert_type3A_753 : vector<16xf32>
      %sub3A_759 = arith.constant 1.500000e+00 : f32
      %sub3A_760 = vector.broadcast %sub3A_759 : f32 to vector<16xf32>
      %sub3A_761 = arith.subf %sub3A_760, %mul3A_758 : vector<16xf32>
      %mul3A_762 = arith.mulf %bitcast_convert_type3A_753, %sub3A_761 : vector<16xf32>
      %mul3A_763 = arith.constant 5.000000e-01 : f32
      %mul3A_764 = vector.broadcast %mul3A_763 : f32 to vector<16xf32>
      %mul3A_765 = arith.mulf %mul3A_764, %add3A_745 : vector<16xf32>
      %mul3A_766 = arith.mulf %mul3A_765, %mul3A_762 : vector<16xf32>
      %mul3A_767 = arith.mulf %mul3A_766, %mul3A_762 : vector<16xf32>
      %sub3A_768 = arith.constant 1.500000e+00 : f32
      %sub3A_769 = vector.broadcast %sub3A_768 : f32 to vector<16xf32>
      %sub3A_770 = arith.subf %sub3A_769, %mul3A_767 : vector<16xf32>
      %mul3A_771 = arith.mulf %mul3A_762, %sub3A_770 : vector<16xf32>
      %mul3A_772 = arith.constant 1.562500e-02 : f32
      %mul3A_773 = vector.broadcast %mul3A_772 : f32 to vector<16xf32>
      %mul3A_774 = arith.mulf %scan3A_696#2, %mul3A_773 : vector<16xf32>
      %mul3A_775 = arith.constant 1.562500e-02 : f32
      %mul3A_776 = vector.broadcast %mul3A_775 : f32 to vector<16xf32>
      %mul3A_777 = arith.mulf %scan3A_696#15, %mul3A_776 : vector<16xf32>
      %mul3A_778 = arith.mulf %mul3A_774, %mul3A_774 : vector<16xf32>
      %sub3A_779 = arith.subf %mul3A_777, %mul3A_778 : vector<16xf32>
      %add3A_780 = arith.constant 9.99999974E-6 : f32
      %add3A_781 = vector.broadcast %add3A_780 : f32 to vector<16xf32>
      %add3A_782 = arith.addf %sub3A_779, %add3A_781 : vector<16xf32>
      %bitcast_convert_type3A_783 = tpu.bitcast %add3A_782 : vector<16xf32> -> vector<16xi32>
      %shift_right_arithmetic3A_784 = arith.constant 1 : i32
      %shift_right_arithmetic3A_785 = vector.broadcast %shift_right_arithmetic3A_784 : i32 to vector<16xi32>
      %shift_right_arithmetic3A_786 = arith.shrsi %bitcast_convert_type3A_783, %shift_right_arithmetic3A_785 : vector<16xi32>
      %sub3A_787 = arith.constant 1597463007 : i32
      %sub3A_788 = vector.broadcast %sub3A_787 : i32 to vector<16xi32>
      %sub3A_789 = arith.subi %sub3A_788, %shift_right_arithmetic3A_786 : vector<16xi32>
      %bitcast_convert_type3A_790 = tpu.bitcast %sub3A_789 : vector<16xi32> -> vector<16xf32>
      %mul3A_791 = arith.constant 5.000000e-01 : f32
      %mul3A_792 = vector.broadcast %mul3A_791 : f32 to vector<16xf32>
      %mul3A_793 = arith.mulf %mul3A_792, %add3A_782 : vector<16xf32>
      %mul3A_794 = arith.mulf %mul3A_793, %bitcast_convert_type3A_790 : vector<16xf32>
      %mul3A_795 = arith.mulf %mul3A_794, %bitcast_convert_type3A_790 : vector<16xf32>
      %sub3A_796 = arith.constant 1.500000e+00 : f32
      %sub3A_797 = vector.broadcast %sub3A_796 : f32 to vector<16xf32>
      %sub3A_798 = arith.subf %sub3A_797, %mul3A_795 : vector<16xf32>
      %mul3A_799 = arith.mulf %bitcast_convert_type3A_790, %sub3A_798 : vector<16xf32>
      %mul3A_800 = arith.constant 5.000000e-01 : f32
      %mul3A_801 = vector.broadcast %mul3A_800 : f32 to vector<16xf32>
      %mul3A_802 = arith.mulf %mul3A_801, %add3A_782 : vector<16xf32>
      %mul3A_803 = arith.mulf %mul3A_802, %mul3A_799 : vector<16xf32>
      %mul3A_804 = arith.mulf %mul3A_803, %mul3A_799 : vector<16xf32>
      %sub3A_805 = arith.constant 1.500000e+00 : f32
      %sub3A_806 = vector.broadcast %sub3A_805 : f32 to vector<16xf32>
      %sub3A_807 = arith.subf %sub3A_806, %mul3A_804 : vector<16xf32>
      %mul3A_808 = arith.mulf %mul3A_799, %sub3A_807 : vector<16xf32>
      %mul3A_809 = arith.constant 1.562500e-02 : f32
      %mul3A_810 = vector.broadcast %mul3A_809 : f32 to vector<16xf32>
      %mul3A_811 = arith.mulf %scan3A_696#3, %mul3A_810 : vector<16xf32>
      %mul3A_812 = arith.constant 1.562500e-02 : f32
      %mul3A_813 = vector.broadcast %mul3A_812 : f32 to vector<16xf32>
      %mul3A_814 = arith.mulf %scan3A_696#16, %mul3A_813 : vector<16xf32>
      %mul3A_815 = arith.mulf %mul3A_811, %mul3A_811 : vector<16xf32>
      %sub3A_816 = arith.subf %mul3A_814, %mul3A_815 : vector<16xf32>
      %add3A_817 = arith.constant 9.99999974E-6 : f32
      %add3A_818 = vector.broadcast %add3A_817 : f32 to vector<16xf32>
      %add3A_819 = arith.addf %sub3A_816, %add3A_818 : vector<16xf32>
      %bitcast_convert_type3A_820 = tpu.bitcast %add3A_819 : vector<16xf32> -> vector<16xi32>
      %shift_right_arithmetic3A_821 = arith.constant 1 : i32
      %shift_right_arithmetic3A_822 = vector.broadcast %shift_right_arithmetic3A_821 : i32 to vector<16xi32>
      %shift_right_arithmetic3A_823 = arith.shrsi %bitcast_convert_type3A_820, %shift_right_arithmetic3A_822 : vector<16xi32>
      %sub3A_824 = arith.constant 1597463007 : i32
      %sub3A_825 = vector.broadcast %sub3A_824 : i32 to vector<16xi32>
      %sub3A_826 = arith.subi %sub3A_825, %shift_right_arithmetic3A_823 : vector<16xi32>
      %bitcast_convert_type3A_827 = tpu.bitcast %sub3A_826 : vector<16xi32> -> vector<16xf32>
      %mul3A_828 = arith.constant 5.000000e-01 : f32
      %mul3A_829 = vector.broadcast %mul3A_828 : f32 to vector<16xf32>
      %mul3A_830 = arith.mulf %mul3A_829, %add3A_819 : vector<16xf32>
      %mul3A_831 = arith.mulf %mul3A_830, %bitcast_convert_type3A_827 : vector<16xf32>
      %mul3A_832 = arith.mulf %mul3A_831, %bitcast_convert_type3A_827 : vector<16xf32>
      %sub3A_833 = arith.constant 1.500000e+00 : f32
      %sub3A_834 = vector.broadcast %sub3A_833 : f32 to vector<16xf32>
      %sub3A_835 = arith.subf %sub3A_834, %mul3A_832 : vector<16xf32>
      %mul3A_836 = arith.mulf %bitcast_convert_type3A_827, %sub3A_835 : vector<16xf32>
      %mul3A_837 = arith.constant 5.000000e-01 : f32
      %mul3A_838 = vector.broadcast %mul3A_837 : f32 to vector<16xf32>
      %mul3A_839 = arith.mulf %mul3A_838, %add3A_819 : vector<16xf32>
      %mul3A_840 = arith.mulf %mul3A_839, %mul3A_836 : vector<16xf32>
      %mul3A_841 = arith.mulf %mul3A_840, %mul3A_836 : vector<16xf32>
      %sub3A_842 = arith.constant 1.500000e+00 : f32
      %sub3A_843 = vector.broadcast %sub3A_842 : f32 to vector<16xf32>
      %sub3A_844 = arith.subf %sub3A_843, %mul3A_841 : vector<16xf32>
      %mul3A_845 = arith.mulf %mul3A_836, %sub3A_844 : vector<16xf32>
      %mul3A_846 = arith.constant 1.562500e-02 : f32
      %mul3A_847 = vector.broadcast %mul3A_846 : f32 to vector<16xf32>
      %mul3A_848 = arith.mulf %scan3A_696#4, %mul3A_847 : vector<16xf32>
      %mul3A_849 = arith.constant 1.562500e-02 : f32
      %mul3A_850 = vector.broadcast %mul3A_849 : f32 to vector<16xf32>
      %mul3A_851 = arith.mulf %scan3A_696#17, %mul3A_850 : vector<16xf32>
      %mul3A_852 = arith.mulf %mul3A_848, %mul3A_848 : vector<16xf32>
      %sub3A_853 = arith.subf %mul3A_851, %mul3A_852 : vector<16xf32>
      %add3A_854 = arith.constant 9.99999974E-6 : f32
      %add3A_855 = vector.broadcast %add3A_854 : f32 to vector<16xf32>
      %add3A_856 = arith.addf %sub3A_853, %add3A_855 : vector<16xf32>
      %bitcast_convert_type3A_857 = tpu.bitcast %add3A_856 : vector<16xf32> -> vector<16xi32>
      %shift_right_arithmetic3A_858 = arith.constant 1 : i32
      %shift_right_arithmetic3A_859 = vector.broadcast %shift_right_arithmetic3A_858 : i32 to vector<16xi32>
      %shift_right_arithmetic3A_860 = arith.shrsi %bitcast_convert_type3A_857, %shift_right_arithmetic3A_859 : vector<16xi32>
      %sub3A_861 = arith.constant 1597463007 : i32
      %sub3A_862 = vector.broadcast %sub3A_861 : i32 to vector<16xi32>
      %sub3A_863 = arith.subi %sub3A_862, %shift_right_arithmetic3A_860 : vector<16xi32>
      %bitcast_convert_type3A_864 = tpu.bitcast %sub3A_863 : vector<16xi32> -> vector<16xf32>
      %mul3A_865 = arith.constant 5.000000e-01 : f32
      %mul3A_866 = vector.broadcast %mul3A_865 : f32 to vector<16xf32>
      %mul3A_867 = arith.mulf %mul3A_866, %add3A_856 : vector<16xf32>
      %mul3A_868 = arith.mulf %mul3A_867, %bitcast_convert_type3A_864 : vector<16xf32>
      %mul3A_869 = arith.mulf %mul3A_868, %bitcast_convert_type3A_864 : vector<16xf32>
      %sub3A_870 = arith.constant 1.500000e+00 : f32
      %sub3A_871 = vector.broadcast %sub3A_870 : f32 to vector<16xf32>
      %sub3A_872 = arith.subf %sub3A_871, %mul3A_869 : vector<16xf32>
      %mul3A_873 = arith.mulf %bitcast_convert_type3A_864, %sub3A_872 : vector<16xf32>
      %mul3A_874 = arith.constant 5.000000e-01 : f32
      %mul3A_875 = vector.broadcast %mul3A_874 : f32 to vector<16xf32>
      %mul3A_876 = arith.mulf %mul3A_875, %add3A_856 : vector<16xf32>
      %mul3A_877 = arith.mulf %mul3A_876, %mul3A_873 : vector<16xf32>
      %mul3A_878 = arith.mulf %mul3A_877, %mul3A_873 : vector<16xf32>
      %sub3A_879 = arith.constant 1.500000e+00 : f32
      %sub3A_880 = vector.broadcast %sub3A_879 : f32 to vector<16xf32>
      %sub3A_881 = arith.subf %sub3A_880, %mul3A_878 : vector<16xf32>
      %mul3A_882 = arith.mulf %mul3A_873, %sub3A_881 : vector<16xf32>
      %mul3A_883 = arith.constant 1.562500e-02 : f32
      %mul3A_884 = vector.broadcast %mul3A_883 : f32 to vector<16xf32>
      %mul3A_885 = arith.mulf %scan3A_696#5, %mul3A_884 : vector<16xf32>
      %mul3A_886 = arith.constant 1.562500e-02 : f32
      %mul3A_887 = vector.broadcast %mul3A_886 : f32 to vector<16xf32>
      %mul3A_888 = arith.mulf %scan3A_696#18, %mul3A_887 : vector<16xf32>
      %mul3A_889 = arith.mulf %mul3A_885, %mul3A_885 : vector<16xf32>
      %sub3A_890 = arith.subf %mul3A_888, %mul3A_889 : vector<16xf32>
      %add3A_891 = arith.constant 9.99999974E-6 : f32
      %add3A_892 = vector.broadcast %add3A_891 : f32 to vector<16xf32>
      %add3A_893 = arith.addf %sub3A_890, %add3A_892 : vector<16xf32>
      %bitcast_convert_type3A_894 = tpu.bitcast %add3A_893 : vector<16xf32> -> vector<16xi32>
      %shift_right_arithmetic3A_895 = arith.constant 1 : i32
      %shift_right_arithmetic3A_896 = vector.broadcast %shift_right_arithmetic3A_895 : i32 to vector<16xi32>
      %shift_right_arithmetic3A_897 = arith.shrsi %bitcast_convert_type3A_894, %shift_right_arithmetic3A_896 : vector<16xi32>
      %sub3A_898 = arith.constant 1597463007 : i32
      %sub3A_899 = vector.broadcast %sub3A_898 : i32 to vector<16xi32>
      %sub3A_900 = arith.subi %sub3A_899, %shift_right_arithmetic3A_897 : vector<16xi32>
      %bitcast_convert_type3A_901 = tpu.bitcast %sub3A_900 : vector<16xi32> -> vector<16xf32>
      %mul3A_902 = arith.constant 5.000000e-01 : f32
      %mul3A_903 = vector.broadcast %mul3A_902 : f32 to vector<16xf32>
      %mul3A_904 = arith.mulf %mul3A_903, %add3A_893 : vector<16xf32>
      %mul3A_905 = arith.mulf %mul3A_904, %bitcast_convert_type3A_901 : vector<16xf32>
      %mul3A_906 = arith.mulf %mul3A_905, %bitcast_convert_type3A_901 : vector<16xf32>
      %sub3A_907 = arith.constant 1.500000e+00 : f32
      %sub3A_908 = vector.broadcast %sub3A_907 : f32 to vector<16xf32>
      %sub3A_909 = arith.subf %sub3A_908, %mul3A_906 : vector<16xf32>
      %mul3A_910 = arith.mulf %bitcast_convert_type3A_901, %sub3A_909 : vector<16xf32>
      %mul3A_911 = arith.constant 5.000000e-01 : f32
      %mul3A_912 = vector.broadcast %mul3A_911 : f32 to vector<16xf32>
      %mul3A_913 = arith.mulf %mul3A_912, %add3A_893 : vector<16xf32>
      %mul3A_914 = arith.mulf %mul3A_913, %mul3A_910 : vector<16xf32>
      %mul3A_915 = arith.mulf %mul3A_914, %mul3A_910 : vector<16xf32>
      %sub3A_916 = arith.constant 1.500000e+00 : f32
      %sub3A_917 = vector.broadcast %sub3A_916 : f32 to vector<16xf32>
      %sub3A_918 = arith.subf %sub3A_917, %mul3A_915 : vector<16xf32>
      %mul3A_919 = arith.mulf %mul3A_910, %sub3A_918 : vector<16xf32>
      %mul3A_920 = arith.constant 1.562500e-02 : f32
      %mul3A_921 = vector.broadcast %mul3A_920 : f32 to vector<16xf32>
      %mul3A_922 = arith.mulf %scan3A_696#6, %mul3A_921 : vector<16xf32>
      %mul3A_923 = arith.constant 1.562500e-02 : f32
      %mul3A_924 = vector.broadcast %mul3A_923 : f32 to vector<16xf32>
      %mul3A_925 = arith.mulf %scan3A_696#19, %mul3A_924 : vector<16xf32>
      %mul3A_926 = arith.mulf %mul3A_922, %mul3A_922 : vector<16xf32>
      %sub3A_927 = arith.subf %mul3A_925, %mul3A_926 : vector<16xf32>
      %add3A_928 = arith.constant 9.99999974E-6 : f32
      %add3A_929 = vector.broadcast %add3A_928 : f32 to vector<16xf32>
      %add3A_930 = arith.addf %sub3A_927, %add3A_929 : vector<16xf32>
      %bitcast_convert_type3A_931 = tpu.bitcast %add3A_930 : vector<16xf32> -> vector<16xi32>
      %shift_right_arithmetic3A_932 = arith.constant 1 : i32
      %shift_right_arithmetic3A_933 = vector.broadcast %shift_right_arithmetic3A_932 : i32 to vector<16xi32>
      %shift_right_arithmetic3A_934 = arith.shrsi %bitcast_convert_type3A_931, %shift_right_arithmetic3A_933 : vector<16xi32>
      %sub3A_935 = arith.constant 1597463007 : i32
      %sub3A_936 = vector.broadcast %sub3A_935 : i32 to vector<16xi32>
      %sub3A_937 = arith.subi %sub3A_936, %shift_right_arithmetic3A_934 : vector<16xi32>
      %bitcast_convert_type3A_938 = tpu.bitcast %sub3A_937 : vector<16xi32> -> vector<16xf32>
      %mul3A_939 = arith.constant 5.000000e-01 : f32
      %mul3A_940 = vector.broadcast %mul3A_939 : f32 to vector<16xf32>
      %mul3A_941 = arith.mulf %mul3A_940, %add3A_930 : vector<16xf32>
      %mul3A_942 = arith.mulf %mul3A_941, %bitcast_convert_type3A_938 : vector<16xf32>
      %mul3A_943 = arith.mulf %mul3A_942, %bitcast_convert_type3A_938 : vector<16xf32>
      %sub3A_944 = arith.constant 1.500000e+00 : f32
      %sub3A_945 = vector.broadcast %sub3A_944 : f32 to vector<16xf32>
      %sub3A_946 = arith.subf %sub3A_945, %mul3A_943 : vector<16xf32>
      %mul3A_947 = arith.mulf %bitcast_convert_type3A_938, %sub3A_946 : vector<16xf32>
      %mul3A_948 = arith.constant 5.000000e-01 : f32
      %mul3A_949 = vector.broadcast %mul3A_948 : f32 to vector<16xf32>
      %mul3A_950 = arith.mulf %mul3A_949, %add3A_930 : vector<16xf32>
      %mul3A_951 = arith.mulf %mul3A_950, %mul3A_947 : vector<16xf32>
      %mul3A_952 = arith.mulf %mul3A_951, %mul3A_947 : vector<16xf32>
      %sub3A_953 = arith.constant 1.500000e+00 : f32
      %sub3A_954 = vector.broadcast %sub3A_953 : f32 to vector<16xf32>
      %sub3A_955 = arith.subf %sub3A_954, %mul3A_952 : vector<16xf32>
      %mul3A_956 = arith.mulf %mul3A_947, %sub3A_955 : vector<16xf32>
      %mul3A_957 = arith.constant 1.562500e-02 : f32
      %mul3A_958 = vector.broadcast %mul3A_957 : f32 to vector<16xf32>
      %mul3A_959 = arith.mulf %scan3A_696#7, %mul3A_958 : vector<16xf32>
      %mul3A_960 = arith.constant 1.562500e-02 : f32
      %mul3A_961 = vector.broadcast %mul3A_960 : f32 to vector<16xf32>
      %mul3A_962 = arith.mulf %scan3A_696#20, %mul3A_961 : vector<16xf32>
      %mul3A_963 = arith.mulf %mul3A_959, %mul3A_959 : vector<16xf32>
      %sub3A_964 = arith.subf %mul3A_962, %mul3A_963 : vector<16xf32>
      %add3A_965 = arith.constant 9.99999974E-6 : f32
      %add3A_966 = vector.broadcast %add3A_965 : f32 to vector<16xf32>
      %add3A_967 = arith.addf %sub3A_964, %add3A_966 : vector<16xf32>
      %bitcast_convert_type3A_968 = tpu.bitcast %add3A_967 : vector<16xf32> -> vector<16xi32>
      %shift_right_arithmetic3A_969 = arith.constant 1 : i32
      %shift_right_arithmetic3A_970 = vector.broadcast %shift_right_arithmetic3A_969 : i32 to vector<16xi32>
      %shift_right_arithmetic3A_971 = arith.shrsi %bitcast_convert_type3A_968, %shift_right_arithmetic3A_970 : vector<16xi32>
      %sub3A_972 = arith.constant 1597463007 : i32
      %sub3A_973 = vector.broadcast %sub3A_972 : i32 to vector<16xi32>
      %sub3A_974 = arith.subi %sub3A_973, %shift_right_arithmetic3A_971 : vector<16xi32>
      %bitcast_convert_type3A_975 = tpu.bitcast %sub3A_974 : vector<16xi32> -> vector<16xf32>
      %mul3A_976 = arith.constant 5.000000e-01 : f32
      %mul3A_977 = vector.broadcast %mul3A_976 : f32 to vector<16xf32>
      %mul3A_978 = arith.mulf %mul3A_977, %add3A_967 : vector<16xf32>
      %mul3A_979 = arith.mulf %mul3A_978, %bitcast_convert_type3A_975 : vector<16xf32>
      %mul3A_980 = arith.mulf %mul3A_979, %bitcast_convert_type3A_975 : vector<16xf32>
      %sub3A_981 = arith.constant 1.500000e+00 : f32
      %sub3A_982 = vector.broadcast %sub3A_981 : f32 to vector<16xf32>
      %sub3A_983 = arith.subf %sub3A_982, %mul3A_980 : vector<16xf32>
      %mul3A_984 = arith.mulf %bitcast_convert_type3A_975, %sub3A_983 : vector<16xf32>
      %mul3A_985 = arith.constant 5.000000e-01 : f32
      %mul3A_986 = vector.broadcast %mul3A_985 : f32 to vector<16xf32>
      %mul3A_987 = arith.mulf %mul3A_986, %add3A_967 : vector<16xf32>
      %mul3A_988 = arith.mulf %mul3A_987, %mul3A_984 : vector<16xf32>
      %mul3A_989 = arith.mulf %mul3A_988, %mul3A_984 : vector<16xf32>
      %sub3A_990 = arith.constant 1.500000e+00 : f32
      %sub3A_991 = vector.broadcast %sub3A_990 : f32 to vector<16xf32>
      %sub3A_992 = arith.subf %sub3A_991, %mul3A_989 : vector<16xf32>
      %mul3A_993 = arith.mulf %mul3A_984, %sub3A_992 : vector<16xf32>
      %mul3A_994 = arith.constant 1.562500e-02 : f32
      %mul3A_995 = vector.broadcast %mul3A_994 : f32 to vector<16xf32>
      %mul3A_996 = arith.mulf %scan3A_696#8, %mul3A_995 : vector<16xf32>
      %mul3A_997 = arith.constant 1.562500e-02 : f32
      %mul3A_998 = vector.broadcast %mul3A_997 : f32 to vector<16xf32>
      %mul3A_999 = arith.mulf %scan3A_696#21, %mul3A_998 : vector<16xf32>
      %mul3A_1000 = arith.mulf %mul3A_996, %mul3A_996 : vector<16xf32>
      %sub3A_1001 = arith.subf %mul3A_999, %mul3A_1000 : vector<16xf32>
      %add3A_1002 = arith.constant 9.99999974E-6 : f32
      %add3A_1003 = vector.broadcast %add3A_1002 : f32 to vector<16xf32>
      %add3A_1004 = arith.addf %sub3A_1001, %add3A_1003 : vector<16xf32>
      %bitcast_convert_type3A_1005 = tpu.bitcast %add3A_1004 : vector<16xf32> -> vector<16xi32>
      %shift_right_arithmetic3A_1006 = arith.constant 1 : i32
      %shift_right_arithmetic3A_1007 = vector.broadcast %shift_right_arithmetic3A_1006 : i32 to vector<16xi32>
      %shift_right_arithmetic3A_1008 = arith.shrsi %bitcast_convert_type3A_1005, %shift_right_arithmetic3A_1007 : vector<16xi32>
      %sub3A_1009 = arith.constant 1597463007 : i32
      %sub3A_1010 = vector.broadcast %sub3A_1009 : i32 to vector<16xi32>
      %sub3A_1011 = arith.subi %sub3A_1010, %shift_right_arithmetic3A_1008 : vector<16xi32>
      %bitcast_convert_type3A_1012 = tpu.bitcast %sub3A_1011 : vector<16xi32> -> vector<16xf32>
      %mul3A_1013 = arith.constant 5.000000e-01 : f32
      %mul3A_1014 = vector.broadcast %mul3A_1013 : f32 to vector<16xf32>
      %mul3A_1015 = arith.mulf %mul3A_1014, %add3A_1004 : vector<16xf32>
      %mul3A_1016 = arith.mulf %mul3A_1015, %bitcast_convert_type3A_1012 : vector<16xf32>
      %mul3A_1017 = arith.mulf %mul3A_1016, %bitcast_convert_type3A_1012 : vector<16xf32>
      %sub3A_1018 = arith.constant 1.500000e+00 : f32
      %sub3A_1019 = vector.broadcast %sub3A_1018 : f32 to vector<16xf32>
      %sub3A_1020 = arith.subf %sub3A_1019, %mul3A_1017 : vector<16xf32>
      %mul3A_1021 = arith.mulf %bitcast_convert_type3A_1012, %sub3A_1020 : vector<16xf32>
      %mul3A_1022 = arith.constant 5.000000e-01 : f32
      %mul3A_1023 = vector.broadcast %mul3A_1022 : f32 to vector<16xf32>
      %mul3A_1024 = arith.mulf %mul3A_1023, %add3A_1004 : vector<16xf32>
      %mul3A_1025 = arith.mulf %mul3A_1024, %mul3A_1021 : vector<16xf32>
      %mul3A_1026 = arith.mulf %mul3A_1025, %mul3A_1021 : vector<16xf32>
      %sub3A_1027 = arith.constant 1.500000e+00 : f32
      %sub3A_1028 = vector.broadcast %sub3A_1027 : f32 to vector<16xf32>
      %sub3A_1029 = arith.subf %sub3A_1028, %mul3A_1026 : vector<16xf32>
      %mul3A_1030 = arith.mulf %mul3A_1021, %sub3A_1029 : vector<16xf32>
      %mul3A_1031 = arith.constant 1.562500e-02 : f32
      %mul3A_1032 = vector.broadcast %mul3A_1031 : f32 to vector<16xf32>
      %mul3A_1033 = arith.mulf %scan3A_696#9, %mul3A_1032 : vector<16xf32>
      %mul3A_1034 = arith.constant 1.562500e-02 : f32
      %mul3A_1035 = vector.broadcast %mul3A_1034 : f32 to vector<16xf32>
      %mul3A_1036 = arith.mulf %scan3A_696#22, %mul3A_1035 : vector<16xf32>
      %mul3A_1037 = arith.mulf %mul3A_1033, %mul3A_1033 : vector<16xf32>
      %sub3A_1038 = arith.subf %mul3A_1036, %mul3A_1037 : vector<16xf32>
      %add3A_1039 = arith.constant 9.99999974E-6 : f32
      %add3A_1040 = vector.broadcast %add3A_1039 : f32 to vector<16xf32>
      %add3A_1041 = arith.addf %sub3A_1038, %add3A_1040 : vector<16xf32>
      %bitcast_convert_type3A_1042 = tpu.bitcast %add3A_1041 : vector<16xf32> -> vector<16xi32>
      %shift_right_arithmetic3A_1043 = arith.constant 1 : i32
      %shift_right_arithmetic3A_1044 = vector.broadcast %shift_right_arithmetic3A_1043 : i32 to vector<16xi32>
      %shift_right_arithmetic3A_1045 = arith.shrsi %bitcast_convert_type3A_1042, %shift_right_arithmetic3A_1044 : vector<16xi32>
      %sub3A_1046 = arith.constant 1597463007 : i32
      %sub3A_1047 = vector.broadcast %sub3A_1046 : i32 to vector<16xi32>
      %sub3A_1048 = arith.subi %sub3A_1047, %shift_right_arithmetic3A_1045 : vector<16xi32>
      %bitcast_convert_type3A_1049 = tpu.bitcast %sub3A_1048 : vector<16xi32> -> vector<16xf32>
      %mul3A_1050 = arith.constant 5.000000e-01 : f32
      %mul3A_1051 = vector.broadcast %mul3A_1050 : f32 to vector<16xf32>
      %mul3A_1052 = arith.mulf %mul3A_1051, %add3A_1041 : vector<16xf32>
      %mul3A_1053 = arith.mulf %mul3A_1052, %bitcast_convert_type3A_1049 : vector<16xf32>
      %mul3A_1054 = arith.mulf %mul3A_1053, %bitcast_convert_type3A_1049 : vector<16xf32>
      %sub3A_1055 = arith.constant 1.500000e+00 : f32
      %sub3A_1056 = vector.broadcast %sub3A_1055 : f32 to vector<16xf32>
      %sub3A_1057 = arith.subf %sub3A_1056, %mul3A_1054 : vector<16xf32>
      %mul3A_1058 = arith.mulf %bitcast_convert_type3A_1049, %sub3A_1057 : vector<16xf32>
      %mul3A_1059 = arith.constant 5.000000e-01 : f32
      %mul3A_1060 = vector.broadcast %mul3A_1059 : f32 to vector<16xf32>
      %mul3A_1061 = arith.mulf %mul3A_1060, %add3A_1041 : vector<16xf32>
      %mul3A_1062 = arith.mulf %mul3A_1061, %mul3A_1058 : vector<16xf32>
      %mul3A_1063 = arith.mulf %mul3A_1062, %mul3A_1058 : vector<16xf32>
      %sub3A_1064 = arith.constant 1.500000e+00 : f32
      %sub3A_1065 = vector.broadcast %sub3A_1064 : f32 to vector<16xf32>
      %sub3A_1066 = arith.subf %sub3A_1065, %mul3A_1063 : vector<16xf32>
      %mul3A_1067 = arith.mulf %mul3A_1058, %sub3A_1066 : vector<16xf32>
      %mul3A_1068 = arith.constant 1.562500e-02 : f32
      %mul3A_1069 = vector.broadcast %mul3A_1068 : f32 to vector<16xf32>
      %mul3A_1070 = arith.mulf %scan3A_696#10, %mul3A_1069 : vector<16xf32>
      %mul3A_1071 = arith.constant 1.562500e-02 : f32
      %mul3A_1072 = vector.broadcast %mul3A_1071 : f32 to vector<16xf32>
      %mul3A_1073 = arith.mulf %scan3A_696#23, %mul3A_1072 : vector<16xf32>
      %mul3A_1074 = arith.mulf %mul3A_1070, %mul3A_1070 : vector<16xf32>
      %sub3A_1075 = arith.subf %mul3A_1073, %mul3A_1074 : vector<16xf32>
      %add3A_1076 = arith.constant 9.99999974E-6 : f32
      %add3A_1077 = vector.broadcast %add3A_1076 : f32 to vector<16xf32>
      %add3A_1078 = arith.addf %sub3A_1075, %add3A_1077 : vector<16xf32>
      %bitcast_convert_type3A_1079 = tpu.bitcast %add3A_1078 : vector<16xf32> -> vector<16xi32>
      %shift_right_arithmetic3A_1080 = arith.constant 1 : i32
      %shift_right_arithmetic3A_1081 = vector.broadcast %shift_right_arithmetic3A_1080 : i32 to vector<16xi32>
      %shift_right_arithmetic3A_1082 = arith.shrsi %bitcast_convert_type3A_1079, %shift_right_arithmetic3A_1081 : vector<16xi32>
      %sub3A_1083 = arith.constant 1597463007 : i32
      %sub3A_1084 = vector.broadcast %sub3A_1083 : i32 to vector<16xi32>
      %sub3A_1085 = arith.subi %sub3A_1084, %shift_right_arithmetic3A_1082 : vector<16xi32>
      %bitcast_convert_type3A_1086 = tpu.bitcast %sub3A_1085 : vector<16xi32> -> vector<16xf32>
      %mul3A_1087 = arith.constant 5.000000e-01 : f32
      %mul3A_1088 = vector.broadcast %mul3A_1087 : f32 to vector<16xf32>
      %mul3A_1089 = arith.mulf %mul3A_1088, %add3A_1078 : vector<16xf32>
      %mul3A_1090 = arith.mulf %mul3A_1089, %bitcast_convert_type3A_1086 : vector<16xf32>
      %mul3A_1091 = arith.mulf %mul3A_1090, %bitcast_convert_type3A_1086 : vector<16xf32>
      %sub3A_1092 = arith.constant 1.500000e+00 : f32
      %sub3A_1093 = vector.broadcast %sub3A_1092 : f32 to vector<16xf32>
      %sub3A_1094 = arith.subf %sub3A_1093, %mul3A_1091 : vector<16xf32>
      %mul3A_1095 = arith.mulf %bitcast_convert_type3A_1086, %sub3A_1094 : vector<16xf32>
      %mul3A_1096 = arith.constant 5.000000e-01 : f32
      %mul3A_1097 = vector.broadcast %mul3A_1096 : f32 to vector<16xf32>
      %mul3A_1098 = arith.mulf %mul3A_1097, %add3A_1078 : vector<16xf32>
      %mul3A_1099 = arith.mulf %mul3A_1098, %mul3A_1095 : vector<16xf32>
      %mul3A_1100 = arith.mulf %mul3A_1099, %mul3A_1095 : vector<16xf32>
      %sub3A_1101 = arith.constant 1.500000e+00 : f32
      %sub3A_1102 = vector.broadcast %sub3A_1101 : f32 to vector<16xf32>
      %sub3A_1103 = arith.subf %sub3A_1102, %mul3A_1100 : vector<16xf32>
      %mul3A_1104 = arith.mulf %mul3A_1095, %sub3A_1103 : vector<16xf32>
      %mul3A_1105 = arith.constant 1.562500e-02 : f32
      %mul3A_1106 = vector.broadcast %mul3A_1105 : f32 to vector<16xf32>
      %mul3A_1107 = arith.mulf %scan3A_696#11, %mul3A_1106 : vector<16xf32>
      %mul3A_1108 = arith.constant 1.562500e-02 : f32
      %mul3A_1109 = vector.broadcast %mul3A_1108 : f32 to vector<16xf32>
      %mul3A_1110 = arith.mulf %scan3A_696#24, %mul3A_1109 : vector<16xf32>
      %mul3A_1111 = arith.mulf %mul3A_1107, %mul3A_1107 : vector<16xf32>
      %sub3A_1112 = arith.subf %mul3A_1110, %mul3A_1111 : vector<16xf32>
      %add3A_1113 = arith.constant 9.99999974E-6 : f32
      %add3A_1114 = vector.broadcast %add3A_1113 : f32 to vector<16xf32>
      %add3A_1115 = arith.addf %sub3A_1112, %add3A_1114 : vector<16xf32>
      %bitcast_convert_type3A_1116 = tpu.bitcast %add3A_1115 : vector<16xf32> -> vector<16xi32>
      %shift_right_arithmetic3A_1117 = arith.constant 1 : i32
      %shift_right_arithmetic3A_1118 = vector.broadcast %shift_right_arithmetic3A_1117 : i32 to vector<16xi32>
      %shift_right_arithmetic3A_1119 = arith.shrsi %bitcast_convert_type3A_1116, %shift_right_arithmetic3A_1118 : vector<16xi32>
      %sub3A_1120 = arith.constant 1597463007 : i32
      %sub3A_1121 = vector.broadcast %sub3A_1120 : i32 to vector<16xi32>
      %sub3A_1122 = arith.subi %sub3A_1121, %shift_right_arithmetic3A_1119 : vector<16xi32>
      %bitcast_convert_type3A_1123 = tpu.bitcast %sub3A_1122 : vector<16xi32> -> vector<16xf32>
      %mul3A_1124 = arith.constant 5.000000e-01 : f32
      %mul3A_1125 = vector.broadcast %mul3A_1124 : f32 to vector<16xf32>
      %mul3A_1126 = arith.mulf %mul3A_1125, %add3A_1115 : vector<16xf32>
      %mul3A_1127 = arith.mulf %mul3A_1126, %bitcast_convert_type3A_1123 : vector<16xf32>
      %mul3A_1128 = arith.mulf %mul3A_1127, %bitcast_convert_type3A_1123 : vector<16xf32>
      %sub3A_1129 = arith.constant 1.500000e+00 : f32
      %sub3A_1130 = vector.broadcast %sub3A_1129 : f32 to vector<16xf32>
      %sub3A_1131 = arith.subf %sub3A_1130, %mul3A_1128 : vector<16xf32>
      %mul3A_1132 = arith.mulf %bitcast_convert_type3A_1123, %sub3A_1131 : vector<16xf32>
      %mul3A_1133 = arith.constant 5.000000e-01 : f32
      %mul3A_1134 = vector.broadcast %mul3A_1133 : f32 to vector<16xf32>
      %mul3A_1135 = arith.mulf %mul3A_1134, %add3A_1115 : vector<16xf32>
      %mul3A_1136 = arith.mulf %mul3A_1135, %mul3A_1132 : vector<16xf32>
      %mul3A_1137 = arith.mulf %mul3A_1136, %mul3A_1132 : vector<16xf32>
      %sub3A_1138 = arith.constant 1.500000e+00 : f32
      %sub3A_1139 = vector.broadcast %sub3A_1138 : f32 to vector<16xf32>
      %sub3A_1140 = arith.subf %sub3A_1139, %mul3A_1137 : vector<16xf32>
      %mul3A_1141 = arith.mulf %mul3A_1132, %sub3A_1140 : vector<16xf32>
      %mul3A_1142 = arith.constant 1.562500e-02 : f32
      %mul3A_1143 = vector.broadcast %mul3A_1142 : f32 to vector<16xf32>
      %mul3A_1144 = arith.mulf %scan3A_696#12, %mul3A_1143 : vector<16xf32>
      %mul3A_1145 = arith.constant 1.562500e-02 : f32
      %mul3A_1146 = vector.broadcast %mul3A_1145 : f32 to vector<16xf32>
      %mul3A_1147 = arith.mulf %scan3A_696#25, %mul3A_1146 : vector<16xf32>
      %mul3A_1148 = arith.mulf %mul3A_1144, %mul3A_1144 : vector<16xf32>
      %sub3A_1149 = arith.subf %mul3A_1147, %mul3A_1148 : vector<16xf32>
      %add3A_1150 = arith.constant 9.99999974E-6 : f32
      %add3A_1151 = vector.broadcast %add3A_1150 : f32 to vector<16xf32>
      %add3A_1152 = arith.addf %sub3A_1149, %add3A_1151 : vector<16xf32>
      %bitcast_convert_type3A_1153 = tpu.bitcast %add3A_1152 : vector<16xf32> -> vector<16xi32>
      %shift_right_arithmetic3A_1154 = arith.constant 1 : i32
      %shift_right_arithmetic3A_1155 = vector.broadcast %shift_right_arithmetic3A_1154 : i32 to vector<16xi32>
      %shift_right_arithmetic3A_1156 = arith.shrsi %bitcast_convert_type3A_1153, %shift_right_arithmetic3A_1155 : vector<16xi32>
      %sub3A_1157 = arith.constant 1597463007 : i32
      %sub3A_1158 = vector.broadcast %sub3A_1157 : i32 to vector<16xi32>
      %sub3A_1159 = arith.subi %sub3A_1158, %shift_right_arithmetic3A_1156 : vector<16xi32>
      %bitcast_convert_type3A_1160 = tpu.bitcast %sub3A_1159 : vector<16xi32> -> vector<16xf32>
      %mul3A_1161 = arith.constant 5.000000e-01 : f32
      %mul3A_1162 = vector.broadcast %mul3A_1161 : f32 to vector<16xf32>
      %mul3A_1163 = arith.mulf %mul3A_1162, %add3A_1152 : vector<16xf32>
      %mul3A_1164 = arith.mulf %mul3A_1163, %bitcast_convert_type3A_1160 : vector<16xf32>
      %mul3A_1165 = arith.mulf %mul3A_1164, %bitcast_convert_type3A_1160 : vector<16xf32>
      %sub3A_1166 = arith.constant 1.500000e+00 : f32
      %sub3A_1167 = vector.broadcast %sub3A_1166 : f32 to vector<16xf32>
      %sub3A_1168 = arith.subf %sub3A_1167, %mul3A_1165 : vector<16xf32>
      %mul3A_1169 = arith.mulf %bitcast_convert_type3A_1160, %sub3A_1168 : vector<16xf32>
      %mul3A_1170 = arith.constant 5.000000e-01 : f32
      %mul3A_1171 = vector.broadcast %mul3A_1170 : f32 to vector<16xf32>
      %mul3A_1172 = arith.mulf %mul3A_1171, %add3A_1152 : vector<16xf32>
      %mul3A_1173 = arith.mulf %mul3A_1172, %mul3A_1169 : vector<16xf32>
      %mul3A_1174 = arith.mulf %mul3A_1173, %mul3A_1169 : vector<16xf32>
      %sub3A_1175 = arith.constant 1.500000e+00 : f32
      %sub3A_1176 = vector.broadcast %sub3A_1175 : f32 to vector<16xf32>
      %sub3A_1177 = arith.subf %sub3A_1176, %mul3A_1174 : vector<16xf32>
      %mul3A_1178 = arith.mulf %mul3A_1169, %sub3A_1177 : vector<16xf32>
      %scan3A_1179 = arith.constant 0 : i32
      %scan3A_1180 = arith.constant 0 : i32
      %scan3A_1181 = arith.constant 64 : i32
      %scan3A_1182 = arith.addi %scan3A_1180, %scan3A_1181 : i32
      %scan3A_1183 = arith.constant 1 : i32
      scf.for %scan3A_1193 = %scan3A_1180 to %scan3A_1182 step %scan3A_1183  : i32 {
        %broadcast_in_dim3A_1194 = vector.broadcast %scan3A_1193 : i32 to vector<16xi32>
        %gather3A = tpu.vector_load_idx %arg13[%broadcast_in_dim3A_1194] : memref<64xf32, #tpu.memory_space<vmem>>[vector<16xi32>], vector<16xf32>,
        %gather3A_1195 = tpu.vector_load_idx %arg14[%broadcast_in_dim3A_1194] : memref<64xf32, #tpu.memory_space<vmem>>[vector<16xi32>], vector<16xf32>,
        %get3A = arith.index_cast %scan3A_1193 : i32 to index
        %get3A_1196 = arith.constant 0 : index
        %get3A_1197 = tpu.vector_load %arg12[%get3A, %get3A_1196] {strides = array<i32>} : memref<64x208xf32, #tpu.memory_space<vmem>>, vector<16xf32>,
        %sub3A_1198 = arith.subf %get3A_1197, %mul3A_700 : vector<16xf32>
        %mul3A_1199 = arith.mulf %sub3A_1198, %mul3A_734 : vector<16xf32>
        %mul3A_1200 = arith.mulf %mul3A_1199, %gather3A : vector<16xf32>
        %add3A_1201 = arith.addf %mul3A_1200, %gather3A_1195 : vector<16xf32>
        tpu.vector_store_idx %arg10[%add3A_7, %broadcast_in_dim3A_1194], %add3A_1201 : memref<200x64xf32, #tpu.memory_space<vmem>>[vector<16xi32>, vector<16xi32>], vector<16xf32>,
        %get3A_1202 = arith.index_cast %scan3A_1193 : i32 to index
        %get3A_1203 = arith.constant 16 : index
        %get3A_1204 = tpu.vector_load %arg12[%get3A_1202, %get3A_1203] {strides = array<i32>} : memref<64x208xf32, #tpu.memory_space<vmem>>, vector<16xf32>,
        %sub3A_1205 = arith.subf %get3A_1204, %mul3A_737 : vector<16xf32>
        %mul3A_1206 = arith.mulf %sub3A_1205, %mul3A_771 : vector<16xf32>
        %mul3A_1207 = arith.mulf %mul3A_1206, %gather3A : vector<16xf32>
        %add3A_1208 = arith.addf %mul3A_1207, %gather3A_1195 : vector<16xf32>
        tpu.vector_store_idx %arg10[%add3A_10, %broadcast_in_dim3A_1194], %add3A_1208 : memref<200x64xf32, #tpu.memory_space<vmem>>[vector<16xi32>, vector<16xi32>], vector<16xf32>,
        %get3A_1209 = arith.index_cast %scan3A_1193 : i32 to index
        %get3A_1210 = arith.constant 32 : index
        %get3A_1211 = tpu.vector_load %arg12[%get3A_1209, %get3A_1210] {strides = array<i32>} : memref<64x208xf32, #tpu.memory_space<vmem>>, vector<16xf32>,
        %sub3A_1212 = arith.subf %get3A_1211, %mul3A_774 : vector<16xf32>
        %mul3A_1213 = arith.mulf %sub3A_1212, %mul3A_808 : vector<16xf32>
        %mul3A_1214 = arith.mulf %mul3A_1213, %gather3A : vector<16xf32>
        %add3A_1215 = arith.addf %mul3A_1214, %gather3A_1195 : vector<16xf32>
        tpu.vector_store_idx %arg10[%add3A_13, %broadcast_in_dim3A_1194], %add3A_1215 : memref<200x64xf32, #tpu.memory_space<vmem>>[vector<16xi32>, vector<16xi32>], vector<16xf32>,
        %get3A_1216 = arith.index_cast %scan3A_1193 : i32 to index
        %get3A_1217 = arith.constant 48 : index
        %get3A_1218 = tpu.vector_load %arg12[%get3A_1216, %get3A_1217] {strides = array<i32>} : memref<64x208xf32, #tpu.memory_space<vmem>>, vector<16xf32>,
        %sub3A_1219 = arith.subf %get3A_1218, %mul3A_811 : vector<16xf32>
        %mul3A_1220 = arith.mulf %sub3A_1219, %mul3A_845 : vector<16xf32>
        %mul3A_1221 = arith.mulf %mul3A_1220, %gather3A : vector<16xf32>
        %add3A_1222 = arith.addf %mul3A_1221, %gather3A_1195 : vector<16xf32>
        tpu.vector_store_idx %arg10[%add3A_16, %broadcast_in_dim3A_1194], %add3A_1222 : memref<200x64xf32, #tpu.memory_space<vmem>>[vector<16xi32>, vector<16xi32>], vector<16xf32>,
        %get3A_1223 = arith.index_cast %scan3A_1193 : i32 to index
        %get3A_1224 = arith.constant 64 : index
        %get3A_1225 = tpu.vector_load %arg12[%get3A_1223, %get3A_1224] {strides = array<i32>} : memref<64x208xf32, #tpu.memory_space<vmem>>, vector<16xf32>,
        %sub3A_1226 = arith.subf %get3A_1225, %mul3A_848 : vector<16xf32>
        %mul3A_1227 = arith.mulf %sub3A_1226, %mul3A_882 : vector<16xf32>
        %mul3A_1228 = arith.mulf %mul3A_1227, %gather3A : vector<16xf32>
        %add3A_1229 = arith.addf %mul3A_1228, %gather3A_1195 : vector<16xf32>
        tpu.vector_store_idx %arg10[%add3A_19, %broadcast_in_dim3A_1194], %add3A_1229 : memref<200x64xf32, #tpu.memory_space<vmem>>[vector<16xi32>, vector<16xi32>], vector<16xf32>,
        %get3A_1230 = arith.index_cast %scan3A_1193 : i32 to index
        %get3A_1231 = arith.constant 80 : index
        %get3A_1232 = tpu.vector_load %arg12[%get3A_1230, %get3A_1231] {strides = array<i32>} : memref<64x208xf32, #tpu.memory_space<vmem>>, vector<16xf32>,
        %sub3A_1233 = arith.subf %get3A_1232, %mul3A_885 : vector<16xf32>
        %mul3A_1234 = arith.mulf %sub3A_1233, %mul3A_919 : vector<16xf32>
        %mul3A_1235 = arith.mulf %mul3A_1234, %gather3A : vector<16xf32>
        %add3A_1236 = arith.addf %mul3A_1235, %gather3A_1195 : vector<16xf32>
        tpu.vector_store_idx %arg10[%add3A_22, %broadcast_in_dim3A_1194], %add3A_1236 : memref<200x64xf32, #tpu.memory_space<vmem>>[vector<16xi32>, vector<16xi32>], vector<16xf32>,
        %get3A_1237 = arith.index_cast %scan3A_1193 : i32 to index
        %get3A_1238 = arith.constant 96 : index
        %get3A_1239 = tpu.vector_load %arg12[%get3A_1237, %get3A_1238] {strides = array<i32>} : memref<64x208xf32, #tpu.memory_space<vmem>>, vector<16xf32>,
        %sub3A_1240 = arith.subf %get3A_1239, %mul3A_922 : vector<16xf32>
        %mul3A_1241 = arith.mulf %sub3A_1240, %mul3A_956 : vector<16xf32>
        %mul3A_1242 = arith.mulf %mul3A_1241, %gather3A : vector<16xf32>
        %add3A_1243 = arith.addf %mul3A_1242, %gather3A_1195 : vector<16xf32>
        tpu.vector_store_idx %arg10[%add3A_25, %broadcast_in_dim3A_1194], %add3A_1243 : memref<200x64xf32, #tpu.memory_space<vmem>>[vector<16xi32>, vector<16xi32>], vector<16xf32>,
        %get3A_1244 = arith.index_cast %scan3A_1193 : i32 to index
        %get3A_1245 = arith.constant 112 : index
        %get3A_1246 = tpu.vector_load %arg12[%get3A_1244, %get3A_1245] {strides = array<i32>} : memref<64x208xf32, #tpu.memory_space<vmem>>, vector<16xf32>,
        %sub3A_1247 = arith.subf %get3A_1246, %mul3A_959 : vector<16xf32>
        %mul3A_1248 = arith.mulf %sub3A_1247, %mul3A_993 : vector<16xf32>
        %mul3A_1249 = arith.mulf %mul3A_1248, %gather3A : vector<16xf32>
        %add3A_1250 = arith.addf %mul3A_1249, %gather3A_1195 : vector<16xf32>
        tpu.vector_store_idx %arg10[%add3A_28, %broadcast_in_dim3A_1194], %add3A_1250 : memref<200x64xf32, #tpu.memory_space<vmem>>[vector<16xi32>, vector<16xi32>], vector<16xf32>,
        %get3A_1251 = arith.index_cast %scan3A_1193 : i32 to index
        %get3A_1252 = arith.constant 128 : index
        %get3A_1253 = tpu.vector_load %arg12[%get3A_1251, %get3A_1252] {strides = array<i32>} : memref<64x208xf32, #tpu.memory_space<vmem>>, vector<16xf32>,
        %sub3A_1254 = arith.subf %get3A_1253, %mul3A_996 : vector<16xf32>
        %mul3A_1255 = arith.mulf %sub3A_1254, %mul3A_1030 : vector<16xf32>
        %mul3A_1256 = arith.mulf %mul3A_1255, %gather3A : vector<16xf32>
        %add3A_1257 = arith.addf %mul3A_1256, %gather3A_1195 : vector<16xf32>
        tpu.vector_store_idx %arg10[%add3A_31, %broadcast_in_dim3A_1194], %add3A_1257 : memref<200x64xf32, #tpu.memory_space<vmem>>[vector<16xi32>, vector<16xi32>], vector<16xf32>,
        %get3A_1258 = arith.index_cast %scan3A_1193 : i32 to index
        %get3A_1259 = arith.constant 144 : index
        %get3A_1260 = tpu.vector_load %arg12[%get3A_1258, %get3A_1259] {strides = array<i32>} : memref<64x208xf32, #tpu.memory_space<vmem>>, vector<16xf32>,
        %sub3A_1261 = arith.subf %get3A_1260, %mul3A_1033 : vector<16xf32>
        %mul3A_1262 = arith.mulf %sub3A_1261, %mul3A_1067 : vector<16xf32>
        %mul3A_1263 = arith.mulf %mul3A_1262, %gather3A : vector<16xf32>
        %add3A_1264 = arith.addf %mul3A_1263, %gather3A_1195 : vector<16xf32>
        tpu.vector_store_idx %arg10[%add3A_34, %broadcast_in_dim3A_1194], %add3A_1264 : memref<200x64xf32, #tpu.memory_space<vmem>>[vector<16xi32>, vector<16xi32>], vector<16xf32>,
        %get3A_1265 = arith.index_cast %scan3A_1193 : i32 to index
        %get3A_1266 = arith.constant 160 : index
        %get3A_1267 = tpu.vector_load %arg12[%get3A_1265, %get3A_1266] {strides = array<i32>} : memref<64x208xf32, #tpu.memory_space<vmem>>, vector<16xf32>,
        %sub3A_1268 = arith.subf %get3A_1267, %mul3A_1070 : vector<16xf32>
        %mul3A_1269 = arith.mulf %sub3A_1268, %mul3A_1104 : vector<16xf32>
        %mul3A_1270 = arith.mulf %mul3A_1269, %gather3A : vector<16xf32>
        %add3A_1271 = arith.addf %mul3A_1270, %gather3A_1195 : vector<16xf32>
        tpu.vector_store_idx %arg10[%add3A_37, %broadcast_in_dim3A_1194], %add3A_1271 : memref<200x64xf32, #tpu.memory_space<vmem>>[vector<16xi32>, vector<16xi32>], vector<16xf32>,
        %get3A_1272 = arith.index_cast %scan3A_1193 : i32 to index
        %get3A_1273 = arith.constant 176 : index
        %get3A_1274 = tpu.vector_load %arg12[%get3A_1272, %get3A_1273] {strides = array<i32>} : memref<64x208xf32, #tpu.memory_space<vmem>>, vector<16xf32>,
        %sub3A_1275 = arith.subf %get3A_1274, %mul3A_1107 : vector<16xf32>
        %mul3A_1276 = arith.mulf %sub3A_1275, %mul3A_1141 : vector<16xf32>
        %mul3A_1277 = arith.mulf %mul3A_1276, %gather3A : vector<16xf32>
        %add3A_1278 = arith.addf %mul3A_1277, %gather3A_1195 : vector<16xf32>
        tpu.vector_store_idx %arg10[%add3A_40, %broadcast_in_dim3A_1194], %add3A_1278 : memref<200x64xf32, #tpu.memory_space<vmem>>[vector<16xi32>, vector<16xi32>], vector<16xf32>,
        %get3A_1279 = arith.index_cast %scan3A_1193 : i32 to index
        %get3A_1280 = arith.constant 192 : index
        %get3A_1281 = tpu.vector_load %arg12[%get3A_1279, %get3A_1280] {strides = array<i32>} : memref<64x208xf32, #tpu.memory_space<vmem>>, vector<16xf32>,
        %sub3A_1282 = arith.subf %get3A_1281, %mul3A_1144 : vector<16xf32>
        %mul3A_1283 = arith.mulf %sub3A_1282, %mul3A_1178 : vector<16xf32>
        %mul3A_1284 = arith.mulf %mul3A_1283, %gather3A : vector<16xf32>
        %add3A_1285 = arith.addf %mul3A_1284, %gather3A_1195 : vector<16xf32>
        tpu.vector_store_idx %arg10[%add3A_43, %broadcast_in_dim3A_1194], %add3A_1285 : memref<200x64xf32, #tpu.memory_space<vmem>>[vector<16xi32>, vector<16xi32>], vector<16xf32>,
      }
      %scan3A_1184 = arith.constant 64 : i32
      %mul3A_1185 = arith.constant 200 : i32
      %mul3A_1186 = arith.muli %add3A_639, %mul3A_1185 : i32
      %add3A_1187 = arith.addi %mul3A_4, %mul3A_1186 : i32
      %dma_start3A_1188 = arith.constant 0 : i32
      %dma_start3A_1189 = tpu.memref_slice %arg7[%add3A_1187, %dma_start3A_1188] : memref<819200x64xf32, #tpu.memory_space<hbm>> -> memref<200x64xf32, #tpu.memory_space<hbm>>
      %dma_start3A_1190 = arith.constant 0 : i32
      %dma_start3A_1191 = tpu.memref_slice %arg7[%add3A_1187, %dma_start3A_1190] : memref<819200x64xf32, #tpu.memory_space<hbm>> -> memref<200x64xf32, #tpu.memory_space<hbm>>
      tpu.enqueue_dma source(%arg10 : memref<200x64xf32, #tpu.memory_space<vmem>>) target(%dma_start3A_1191 : memref<200x64xf32, #tpu.memory_space<hbm>>) target_semaphore(%arg16 : memref<!tpu.dma_semaphore, #tpu.memory_space<semaphore_mem>>)
      %scan3A_1192 = arith.constant 0 : i32
      scf.yield %scan3A_1192 : i32
    }
    %scan3A_64 = arith.constant 64 : i32
    %dma_wait3A = arith.constant 0 : i32
    %dma_wait3A_65 = arith.constant 0 : i32
    %dma_wait3A_66 = tpu.memref_slice %arg7[%dma_wait3A, %dma_wait3A_65] : memref<819200x64xf32, #tpu.memory_space<hbm>> -> memref<200x64xf32, #tpu.memory_space<hbm>>
    %dma_wait3A_67 = arith.constant 0 : i32
    %dma_wait3A_68 = arith.constant 0 : i32
    %dma_wait3A_69 = tpu.memref_slice %arg7[%dma_wait3A_67, %dma_wait3A_68] : memref<819200x64xf32, #tpu.memory_space<hbm>> -> memref<200x64xf32, #tpu.memory_space<hbm>>
    tpu.wait_dma2 semaphore(%arg16 : memref<!tpu.dma_semaphore, #tpu.memory_space<semaphore_mem>>) src(%arg10 : memref<200x64xf32, #tpu.memory_space<vmem>>) dst(%dma_wait3A_69 : memref<200x64xf32, #tpu.memory_space<hbm>>)
    return
  }
}

</mosaic_0001>

<sc_bundles>
// kernel: kernel.3.cloned.1.call-start
scs
__scs_entry_jumppad:
0x0: {  	(pc) =	sbr.rel $0x88, $3  }
0x1: {  	(tag) =	ssettag $0x0;
	lr =	simm.s32 $0x1  }
0x2: {  	[smem:$0x3F9C] =	sst lr;
	_ =	strace $0xD0000000  }
0x3: {  	_ = 	snop  }
0x4: {  	_ = 	snop  }
0x5: {  	_ = 	snop  }
0x6: {  	_ = 	snop  }
0x7: {  	_ = 	snop  }
__scs_overlays_trampoline_lowered:
0x8: {  	[smem:$0x3FAB] =	sst s0  }
0x9: {  	[smem:$0x3FAC] =	sst s1  }
0xa: {  	[smem:$0x3FAD] =	sst s2  }
0xb: {  	[smem:$0x3FAE] =	sst s3  }
0xc: {  	[smem:$0x3FAF] =	sst s4  }
0xd: {  	[smem:$0x3FB0] =	sst s5  }
0xe: {  	[smem:$0x3FB1] =	sst s6  }
0xf: {  	[smem:$0x3FB2] =	sst s7  }
0x10: {  	[smem:$0x3FB3] =	sst s8  }
0x11: {  	[smem:$0x3FB4] =	sst s9;
	s0 =	simm.s32 @!p0 $0x0  }
0x12: {  	s1 =	sld [smem:$0x3F9A];
	s0 =	simm.s32 @p0 $0x1  }
0x13: {  	[smem:$0x3FB5] =	sst s0;
	s0 =	simm.s32 @!p1 $0x0  }
0x14: {  	s2 =	sld [smem:$0x3F99];
	s0 =	simm.s32 @p1 $0x1  }
0x15: {  	[smem:$0x3FB6] =	sst s0;
	s0 =	simm.s32 @!p2 $0x0  }
0x16: {  	s3 =	sld [smem:$0x3FDB];
	s0 =	simm.s32 @p2 $0x1  }
0x17: {  	s4 =	simm.s32 $0x1BF5;
	[smem:$0x3FB8] =	sst s0  }
0x18: {  	s0 =	sld [smem:$0x3F9B];
	_ =	swait.ge [sflag:s4], $0x0  }
0x19: {  	s7 =	sld [smem:$0x3F9C]  }
0x1a: {  	s8 =	sadd.s32 $0xFFFFE003, lr  }
0x1b: {  	s9 =	sadd.s32 $0xFFFFFEF7, lr;
	s5 =	simm.s32 $0xFFFFFFFF;
	p2 =	slt.u32 s8, $0xFFFFF086  }
0x1c: {  	p1 =	slt.u32 s9, $0xF7A;
	s5 =	simm.s32 @!p2 $0x0  }
0x1d: {  	s5 =	simm.s32 @p1 $0x1;
	p0 =	seq.s32 s7, s2  }
0x1e: {  	s7 =	smul.u32 @!p0 $0xF7A, s2;
	p2 =	seq.s32 @!p0 s5, $0x0  }
0x1f: {  	s9 =	smul.u32 $0xF7A, s1;
	s8 =	simm.s32 @!p0 $0x1BF5;
	p2 =	por !p2, p0  }
0x20: {  	[sflag:s8] =	ssyncset.s32 @!p0 $0xFFFFF086;
	s6 =	sadd.s32 @!p0 s3, s7;
	s7 =	simm.s32 @!p0 $0x108  }
0x21: {  	s3 =	sadd.s32 s3, s9;
	s6 =	sadd.s32 @!p0 $0x88, s6;
	s7 =	simm.s32 @p2 $0x1082  }
0x22: {  	[simem:s7], [sflag:s8] =	dma.local @!p0 [hbm:s6], $0xF7A  }
0x23: {  	s9 =	sor.u32 $0xD0000000, s2;
	s6 =	simm.s32 $0x108;
	_ =	swait.ge @!p0 [sflag:s8], $0x0  }
0x24: {  	s3 =	sadd.s32 $0x88, s3;
	s6 =	simm.s32 @!p1 $0x1082;
	[sflag:s4] =	ssyncset.s32 $0xFFFFF086  }
0x25: {  	[simem:s6], [sflag:s4] =	dma.local [hbm:s3], $0xF7A  }
0x26: {  	[smem:$0x3F9C] =	sst s1;
	(tag) =	ssettag s2;
	_ =	strace s9  }
0x27: {  	s1 =	sld [smem:$0x3FAC]  }
0x28: {  	s2 =	sld [smem:$0x3FAD]  }
0x29: {  	s4 =	sld [smem:$0x3FAF]  }
0x2a: {  	p0 =	seq.s32 s5, $0x0;
	s5 =	sld [smem:$0x3FB0]  }
0x2b: {  	s6 =	sld [smem:$0x3FB1]  }
0x2c: {  	s7 =	sld [smem:$0x3FB2]  }
0x2d: {  	s3 =	simm.s32 $0x108;
	s8 =	sld [smem:$0x3FB3]  }
0x2e: {  	s3 =	simm.s32 @!p0 $0x1082;
	s9 =	sld [smem:$0x3FB4]  }
0x2f: {  	lr =	sadd.s32 s0, s3;
	s0 =	sld [smem:$0x3FAB]  }
0x30: {  	s3 =	sld [smem:$0x3FAE]  }
0x31: {  	[smem:$0x3FB7] =	sst s10  }
0x32: {  	s10 =	sld [smem:$0x3FB5];
	_ =	sdelay $0x3  }
0x33: {  	p0 =	seq.s32 s10, $0x1;
	s10 =	sld [smem:$0x3FB7];
	_ =	sdelay $0x3  }
0x34: {  	[smem:$0x3FB7] =	sst s10  }
0x35: {  	s10 =	sld [smem:$0x3FB6];
	_ =	sdelay $0x3  }
0x36: {  	p1 =	seq.s32 s10, $0x1;
	s10 =	sld [smem:$0x3FB7];
	_ =	sdelay $0x3  }
0x37: {  	[smem:$0x3FB7] =	sst s10  }
0x38: {  	s10 =	sld [smem:$0x3FB8]  }
0x39: {  	_ = 	snop;
	(pc) =	sbr.ind lr, $3  }
0x3a: {  	_ = 	snop  }
0x3b: {  	_ = 	snop  }
0x3c: {  	p2 =	seq.s32 s10, $0x1;
	s10 =	sld [smem:$0x3FB7]  }
0x3d: {  	_ =	shalt  }
0x3e: {  	_ =	shalt  }
0x3f: {  	_ =	shalt  }
0x40: {  	_ =	shalt  }
0x41: {  	_ =	shalt  }
0x42: {  	_ =	shalt  }
0x43: {  	_ =	shalt  }
0x44: {  	_ =	shalt  }
0x45: {  	_ =	shalt  }
0x46: {  	_ =	shalt  }
0x47: {  	_ =	shalt  }
0x48: {  	_ =	shalt  }
0x49: {  	_ =	shalt  }
0x4a: {  	_ =	shalt  }
0x4b: {  	_ =	shalt  }
0x4c: {  	_ =	shalt  }
0x4d: {  	_ =	shalt  }
0x4e: {  	_ =	shalt  }
0x4f: {  	_ =	shalt  }
0x50: {  	_ =	shalt  }
0x51: {  	_ =	shalt  }
0x52: {  	_ =	shalt  }
0x53: {  	_ =	shalt  }
0x54: {  	_ =	shalt  }
0x55: {  	_ =	shalt  }
0x56: {  	_ =	shalt  }
0x57: {  	_ =	shalt  }
0x58: {  	_ =	shalt  }
0x59: {  	_ =	shalt  }
0x5a: {  	_ =	shalt  }
0x5b: {  	_ =	shalt  }
0x5c: {  	_ =	shalt  }
0x5d: {  	_ =	shalt  }
0x5e: {  	_ =	shalt  }
0x5f: {  	_ =	shalt  }
0x60: {  	_ =	shalt  }
0x61: {  	_ =	shalt  }
0x62: {  	_ =	shalt  }
0x63: {  	_ =	shalt  }
0x64: {  	_ =	shalt  }
0x65: {  	_ =	shalt  }
0x66: {  	_ =	shalt  }
0x67: {  	_ =	shalt  }
0x68: {  	_ =	shalt  }
0x69: {  	_ =	shalt  }
0x6a: {  	_ =	shalt  }
0x6b: {  	_ =	shalt  }
0x6c: {  	_ =	shalt  }
0x6d: {  	_ =	shalt  }
0x6e: {  	_ =	shalt  }
0x6f: {  	_ =	shalt  }
0x70: {  	_ =	shalt  }
0x71: {  	_ =	shalt  }
0x72: {  	_ =	shalt  }
0x73: {  	_ =	shalt  }
0x74: {  	_ =	shalt  }
0x75: {  	_ =	shalt  }
0x76: {  	_ =	shalt  }
0x77: {  	_ =	shalt  }
0x78: {  	_ =	shalt  }
0x79: {  	_ =	shalt  }
0x7a: {  	_ =	shalt  }
0x7b: {  	_ =	shalt  }
0x7c: {  	_ =	shalt  }
0x7d: {  	_ =	shalt  }
0x7e: {  	_ =	shalt  }
0x7f: {  	_ =	shalt  }
0x80: {  	_ =	shalt  }
0x81: {  	_ =	shalt  }
0x82: {  	_ =	shalt  }
0x83: {  	_ =	shalt  }
0x84: {  	_ =	shalt  }
0x85: {  	_ =	shalt  }
0x86: {  	_ =	shalt  }
0x87: {  	_ =	shalt  }
.Lfunc_end0:
.L_simem_size_0:
called_computation.1_lowered:
.L_overlay_start_0:
0x88: {  	s2 =	sld [smem:$0x3FD9]  }
0x89: {  	s3 =	sld [smem:$0x3FFE];
	_ =	sdelay $0x1  }
0x8a: {  	s1 =	srdreg.scid  }
0x8b: {  	s0 =	sand.u32 $0x1, s1  }
0x8c: {  	s17 =	sshll.u32 s0, $0xA;
	s2 =	sadd.s32 s3, s2  }
0x8d: {  	s2 =	sadd.s32 s2, s17  }
0x8e: {  	[smem:$0x3FC3] =	sst s2  }
0x8f: {  	_ = 	snop  }
0x90: {  	s2 =	sld [smem:$0x3FC6]  }
0x91: {  	s18 =	sld [smem:$0x3FC5]  }
0x92: {  	s4 =	sld [smem:$0x3FD0];
	(tm) =	ssettm $0x1  }
0x93: {  	s5 =	sld [smem:$0x3FFB];
	_ =	sdelay $0x3  }
0x94: {  	_ =	strace s5  }
0x95: {  	s5 =	sld [smem:$0x3FFC];
	_ =	sdelay $0x3  }
0x96: {  	_ =	strace s5  }
0x97: {  	s5 =	sld [smem:$0x3FFD];
	_ =	sdelay $0x3  }
0x98: {  	_ =	strace s5  }
0x99: {  	_ =	strace $0x8FFFFFFF  }
0x9a: {  	s19 =	sld [smem:$0x3FDB];
	_ =	sdelay $0x1  }
0x9b: {  	s6 =	simm.s32 $_scs_section_size  }
0x9c: {  	s7 =	simm.s32 $_size__tile_overlayer_lowered;
	s8 =	simm.s32 $_tile_overlayer_lowered  }
0x9d: {  	s22 =	simm.s32 $0x1BFF;
	s21 =	sshll.u32 s8, $0x1;
	s5 =	sadd.s32 s6, s19  }
0x9e: {  	s9 =	simm.s32 $0x0;
	s20 =	sshll.u32 s7, $0x1;
	s7 =	sadd.s32 s21, s5  }
0x9f: {  	[timem:s9], [sflag:s22] =	dma.local [hbm:s7], s20  }
0xa0: {  	_ =	swait.ge [sflag:s22], s20  }
0xa1: {  	s6 =	ssub.s32 $0x0, s20;
	[sflag:s22] =	ssyncset.done $0x0  }
0xa2: {  	[sflag:s22] =	ssyncadd.s32 s6;
	_ =	sdelay $0x1  }
0xa3: {  	s23 =	simm.s32 $0x1B8B  }
0xa4: {  	_ =	swait.ge [sflag:s23], $0x1  }
0xa5: {  	[sflag:s23] =	ssyncset.done $0x0  }
0xa6: {  	s25 =	simm.s32 $0x1B8E;
	s24 =	sld [smem:$0x3FFE];
	[sflag:s23] =	ssyncadd.s32 $0xFFFFFFFF  }
0xa7: {  	s26 =	simm.s32 $execute0_lowered;
	[smem:$0x3FD2] =	sst s25  }
0xa8: {  	s7 =	sshll.u32 s26, $0x1;
	_ =	strace $0x80000046;
	[dreg:$0x1] =	wrdreg $0xFFFFFFFF  }
0xa9: {  	s28 =	simm.s32 $_size_execute0_lowered;
	s5 =	sadd.s32 s5, s7;
	[dreg:$0x0] =	wrdreg $0x0  }
0xaa: {  	s7 =	sshll.u32 s28, $0x1;
	[dreg:$0x2] =	wrdreg s5  }
0xab: {  	[dreg:$0x3] =	wrdreg s7  }
0xac: {  	[dreg:$0x4] =	wrdreg $0xC0  }
0xad: {  	_ =	task [dreg:s9], $0x5FFFF  }
0xae: {  	[dreg:$0x1] =	wrdreg $0xFFFFFFFF  }
0xaf: {  	[dreg:$0x0] =	wrdreg $0x60  }
0xb0: {  	[dreg:$0x2] =	wrdreg s24  }
0xb1: {  	[dreg:$0x3] =	wrdreg s2  }
0xb2: {  	[dreg:$0x4] =	wrdreg s18  }
0xb3: {  	[dreg:$0x5] =	wrdreg s4  }
0xb4: {  	[dreg:$0x6] =	wrdreg $0x9  }
0xb5: {  	_ =	task.clear_ibuf [dreg:s9], $0x7FFFF;
	_ =	strace $0x90000046  }
0xb6: {  	s29 =	simm.s32 $0x9;
	_ =	strace $0x80000048  }
0xb7: {  	_ =	swait.ge [sflag:s29], $0x1  }
0xb8: {  	[sflag:s29] =	ssyncadd.s32 $0xFFFFFFFF  }
0xb9: {  	_ =	strace $0x90000048  }
0xba: {  	_ =	sfence  }
0xbb: {  	s30 =	sld [smem:$0x0];
	_ =	sdelay $0x2  }
0xbc: {  	s31 =	sshll.u32 s1, $0xD;
	s1 =	sshrl.u32 s1, $0x2  }
0xbd: {  	s3 =	sand.u32 $0x4000, s31;
	s1 =	sadd.s32 s1, s30  }
0xbe: {  	s0 =	sor.u32 s3, s0;
	s1 =	sshll.u32 s1, $0x11  }
0xbf: {  	s0 =	sor.u32 s1, s0  }
0xc0: {  	s0 =	sadd.s32 $0x8F2B, s0  }
0xc1: {  	[sflag:s0] =	ssyncadd.remote.s32 $0x1  }
0xc2: {  	_ =	sfence.sel $0xFFFF  }
0xc3: {  	[dreg:$0x0] =	wrdreg $0xFFFFFFFF;
	(pc) =	sbr.abs _section_cstart, $3  }
0xc4: {  	[dreg:$0x1] =	wrdreg $0xFFFFFFFF  }
0xc5: {  	_ =	task.clear_ibuf [dreg:s9], $0x2FFFF;
	_ =	strace $0x9FFFFFFF  }
0xc6: {  	(tm) =	ssettm $0x7FFFFFFF  }
0xc7: {  	_ =	shalt  }
tec
execute0_lowered:
.L_overlay_start_1:
0x0: {  	(tag) =	ssettag $0x1  }
0x1: {  	s8 =	rddreg [dreg:$0x0]  }
0x2: {  	s1 =	rddreg [dreg:$0x1]  }
0x3: {  	s2 =	srdreg.scid;
	s3 =	rddreg [dreg:$0x2]  }
0x4: {  	s0 =	stileid.u32;
	s4 =	rddreg [dreg:$0x3]  }
0x5: {  	s6 =	simm.s32 $0x0;
	s12 =	simm.s32 $0x3;
	s13 =	simm.s32 $0x12E00  }
0x6: {  	s14 =	simm.s32 $0x12E40;
	s15 =	simm.s32 $0x68;
	s16 =	simm.s32 $0x6400  }
0x7: {  	s17 =	simm.s32 $0x60;
	s18 =	simm.s32 $0x7E00;
	s19 =	simm.s32 $0x1  }
0x8: {  	v0 =	vlaneseq.u32;
	s20 =	simm.s32 $0x9600;
	s7 =	sand.u32 $0x1, s2;
	s31 =	sshll.u32 s0, $0x1  }
0x9: {  	s21 =	simm.s32 $0xB000;
	s22 =	simm.s32 $0x2;
	v0 =	vmul.u32 $0x40, v0;
	s2 =	sor.u32 s7, s31  }
0xa: {  	s23 =	simm.s32 $0x0;
	[smem:$0x7FF] =	sst s6;
	s5 =	smul.u32 $0x6400, s2  }
0xb: {  	s10 =	ssub.s32 $0x2, s7;
	s7 =	sadd.s32 $0x1A000, s8;
	s2 =	rddreg [dreg:$0x4];
	v1 =	vor.u32 $0x400, v0;
	v2 =	vor.u32 $0x800, v0;
	v3 =	vor.u32 $0xC00, v0  }
0xc: {  	_ =	strace $0x80000047;
	s11 =	sshrl.u32 s10, $0x1;
	v4 =	vor.u32 $0x1000, v0;
	v5 =	vor.u32 $0x1400, v0;
	v6 =	vor.u32 $0x1800, v0;
	s9 =	sshrl.u32 s5, $0x3  }
0xd: {  	v7 =	vor.u32 $0x1C00, v0;
	v8 =	vor.u32 $0x2000, v0;
	v9 =	vor.u32 $0x2400, v0;
	s10 =	ssub.s32 s10, s11;
	s11 =	simm.s32 $0xC800;
	s9 =	sadd.s32 s9, s8  }
0xe: {  	v10 =	vor.u32 $0x2800, v0;
	v11 =	vor.u32 $0x2C00, v0;
	v12 =	vadd.s32 $0x2E00, v0;
	s10 =	smax.u32 s10, $0x1;
	s8 =	sadd.s32 $0x800, s8;
	s9 =	sadd.s32 $0x1000, s9  }
.LBB2_1:
0xf: {  	[tilespmem:s11], [sflag:$0x3] =	stream.linear.gather [hbm4b:s8+s6], $0x3200, $0x38;
	[tilespmem:$0x12E80] =	vst v63  }
0x10: {  	_ =	swait.ge [sflag:s12], $0x3200  }
0x11: {  	[sflag:s12] =	ssyncset.done $0x0  }
0x12: {  	[sflag:s12] =	ssyncadd.s32 $0xFFFFCE00  }
0x13: {  	[tilespmem:s13], [sflag:$0x3] =	stream.linear.gather [hbm4b:s1+s6], $0x40, $0x38;
	[tilespmem:$0x12E80] =	vst v63  }
0x14: {  	_ =	swait.ge [sflag:s12], $0x40  }
0x15: {  	[sflag:s12] =	ssyncset.done $0x0  }
0x16: {  	[sflag:s12] =	ssyncadd.s32 $0xFFFFFFC0  }
0x17: {  	[tilespmem:s14], [sflag:$0x3] =	stream.linear.gather [hbm4b:s3+s6], $0x40, $0x38;
	[tilespmem:$0x12E80] =	vst v63  }
0x18: {  	_ =	swait.ge [sflag:s12], $0x40  }
0x19: {  	[sflag:s12] =	ssyncset.done $0x0  }
0x1a: {  	[sflag:s12] =	ssyncadd.s32 $0xFFFFFFC0  }
0x1b: {  	[tilespmem:s6], [sflag:$0x3] =	stream.linear.gather [hbm4b:s9+s6], $0x6400, $0x38;
	[tilespmem:$0x12E80] =	vst v63  }
0x1c: {  	_ =	swait.ge [sflag:s12], $0x6400  }
0x1d: {  	[sflag:s12] =	ssyncset.done $0x0  }
0x1e: {  	[sflag:s12] =	ssyncadd.s32 $0xFFFF9C00  }
0x1f: {  	[tilespmem:s16], [sflag:$0x1] =	stream.indirect.gather [hbm4b:s7+s15], $0x40, s6, s15, $0xb8;
	[tilespmem:$0x12E80] =	vst v63  }
0x20: {  	s24 =	simm.s32 $0x0  }
0x21: {  	[tilespmem:s18], [sflag:$0x1] =	stream.indirect.gather [hbm4b:s7+s17], $0x40, s15, s17, $0xb8;
	[tilespmem:$0x12E80] =	vst v63  }
.LBB2_2:
0x22: {  	_ =	swait.ge [sflag:s19], $0x1A00  }
0x23: {  	[sflag:s19] =	ssyncset.done $0x0  }
0x24: {  	s25 =	simm.s32 $0x0;
	[sflag:s19] =	ssyncadd.s32 $0xFFFFE600  }
0x25: {  	v13 =	vmov s25;
	_ =	swait.ge [sflag:s19], $0x1800  }
0x26: {  	p0 =	seq.s32 s24, $0x0;
	v13 =	vand.u32 $0x3F, v13;
	[sflag:s19] =	ssyncset.done $0x0  }
0x27: {  	s25 =	simm.s32 @!p0 $0x2;
	v15 =	vbroadcast v13, $0x0;
	[sflag:s19] =	ssyncadd.s32 $0xFFFFE800  }
0x28: {  	s26 =	smul.u32 $0x190, s24;
	_ =	swait.ge @!p0 [sflag:s25], $0x3200  }
0x29: {  	v13 =	vor.u32 v0, v15;
	[sflag:s25] =	ssyncset.done @!p0 $0x0  }
0x2a: {  	[sflag:s25] =	ssyncadd.s32 @!p0 $0xFFFFCE00;
	s25 =	sadd.s32 $0xC8, s26  }
0x2b: {  	[tilespmem:s20], [sflag:$0x1] =	stream.indirect.gather [hbm4b:s7+s15], $0x40, s25, s15, $0xb8;
	[tilespmem:$0x12E80] =	vst v63  }
0x2c: {  	s28 =	sadd.s32 $0x130, s26  }
0x2d: {  	[tilespmem:s21], [sflag:$0x1] =	stream.indirect.gather [hbm4b:s7+s17], $0x40, s28, s17, $0xb8;
	[tilespmem:$0x12E80] =	vst v63  }
0x2e: {  	s29 =	simm.s32 $0xC860;
	v13 =	vld.idx.msk [tilespmem:v13+s16+$0x0], $0xffff  }
0x2f: {  	v14 =	vld [tilespmem:s29+$0xFFFFFFA0];
	_ =	sdelay $0x2  }
0x30: {  	v16 =	vor.u32 v1, v15;
	_ =	sdelay $0x1  }
0x31: {  	v14 =	vadd.f32 v14, v13  }
0x32: {  	s28 =	simm.s32 $0xFA60  }
0x33: {  	[tilespmem:s28+$0xFFFFFFA0] =	vst v14  }
0x34: {  	v13 =	vld.idx.msk [tilespmem:v16+s16+$0x0], $0xffff  }
0x35: {  	v16 =	vld [tilespmem:s29+$0xFFFFFFB0];
	_ =	sdelay $0x2  }
0x36: {  	v17 =	vor.u32 v2, v15;
	_ =	sdelay $0x1  }
0x37: {  	v16 =	vadd.f32 v16, v13;
	_ =	sdelay $0x1  }
0x38: {  	[tilespmem:s28+$0xFFFFFFB0] =	vst v16  }
0x39: {  	v13 =	vld.idx.msk [tilespmem:v17+s16+$0x0], $0xffff  }
0x3a: {  	v17 =	vld [tilespmem:s29+$0xFFFFFFC0];
	_ =	sdelay $0x2  }
0x3b: {  	v18 =	vor.u32 v3, v15;
	_ =	sdelay $0x1  }
0x3c: {  	v19 =	vadd.f32 v17, v13;
	_ =	sdelay $0x1  }
0x3d: {  	[tilespmem:s28+$0xFFFFFFC0] =	vst v19  }
0x3e: {  	v13 =	vld.idx.msk [tilespmem:v18+s16+$0x0], $0xffff  }
0x3f: {  	v17 =	vld [tilespmem:s29+$0xFFFFFFD0];
	_ =	sdelay $0x2  }
0x40: {  	v18 =	vor.u32 v4, v15;
	_ =	sdelay $0x1  }
0x41: {  	v21 =	vadd.f32 v17, v13;
	_ =	sdelay $0x1  }
0x42: {  	[tilespmem:s28+$0xFFFFFFD0] =	vst v21  }
0x43: {  	v13 =	vld.idx.msk [tilespmem:v18+s16+$0x0], $0xffff  }
0x44: {  	v17 =	vld [tilespmem:s29+$0xFFFFFFE0];
	_ =	sdelay $0x2  }
0x45: {  	v18 =	vor.u32 v5, v15;
	_ =	sdelay $0x1  }
0x46: {  	v22 =	vadd.f32 v17, v13;
	_ =	sdelay $0x1  }
0x47: {  	[tilespmem:s28+$0xFFFFFFE0] =	vst v22  }
0x48: {  	v13 =	vld.idx.msk [tilespmem:v18+s16+$0x0], $0xffff  }
0x49: {  	v17 =	vld [tilespmem:s29+$0xFFFFFFF0];
	_ =	sdelay $0x2  }
0x4a: {  	v18 =	vor.u32 v6, v15;
	_ =	sdelay $0x1  }
0x4b: {  	v25 =	vadd.f32 v17, v13;
	_ =	sdelay $0x1  }
0x4c: {  	[tilespmem:s28+$0xFFFFFFF0] =	vst v25  }
0x4d: {  	v13 =	vld.idx.msk [tilespmem:v18+s16+$0x0], $0xffff  }
0x4e: {  	v17 =	vld [tilespmem:s29+$0x0];
	_ =	sdelay $0x2  }
0x4f: {  	v18 =	vor.u32 v7, v15;
	_ =	sdelay $0x1  }
0x50: {  	v26 =	vadd.f32 v17, v13;
	_ =	sdelay $0x1  }
0x51: {  	[tilespmem:s28+$0x0] =	vst v26  }
0x52: {  	v13 =	vld.idx.msk [tilespmem:v18+s16+$0x0], $0xffff  }
0x53: {  	v17 =	vld [tilespmem:s29+$0x10];
	_ =	sdelay $0x2  }
0x54: {  	v18 =	vor.u32 v8, v15;
	_ =	sdelay $0x1  }
0x55: {  	v29 =	vadd.f32 v17, v13;
	_ =	sdelay $0x1  }
0x56: {  	[tilespmem:s28+$0x10] =	vst v29  }
0x57: {  	v13 =	vld.idx.msk [tilespmem:v18+s16+$0x0], $0xffff  }
0x58: {  	v17 =	vld [tilespmem:s29+$0x20];
	_ =	sdelay $0x2  }
0x59: {  	v18 =	vor.u32 v9, v15;
	_ =	sdelay $0x1  }
0x5a: {  	v30 =	vadd.f32 v17, v13;
	_ =	sdelay $0x1  }
0x5b: {  	[tilespmem:s28+$0x20] =	vst v30  }
0x5c: {  	v13 =	vld.idx.msk [tilespmem:v18+s16+$0x0], $0xffff  }
0x5d: {  	v17 =	vld [tilespmem:s29+$0x30];
	_ =	sdelay $0x2  }
0x5e: {  	v18 =	vor.u32 v10, v15;
	_ =	sdelay $0x1  }
0x5f: {  	v38 =	vadd.f32 v17, v13;
	_ =	sdelay $0x1  }
0x60: {  	[tilespmem:s28+$0x30] =	vst v38  }
0x61: {  	v13 =	vld.idx.msk [tilespmem:v18+s16+$0x0], $0xffff  }
0x62: {  	v17 =	vld [tilespmem:s29+$0x40];
	_ =	sdelay $0x2  }
0x63: {  	v18 =	vor.u32 v11, v15;
	_ =	sdelay $0x1  }
0x64: {  	v41 =	vadd.f32 v17, v13;
	_ =	sdelay $0x1  }
0x65: {  	[tilespmem:s28+$0x40] =	vst v41  }
0x66: {  	v18 =	vld.idx.msk [tilespmem:v18+s16+$0x0], $0xffff  }
0x67: {  	v23 =	vld [tilespmem:s29+$0x50]  }
0x68: {  	v20 =	vmul.f32 v16, v16;
	v13 =	vimm.f32 $0.0e+00  }
0x69: {  	v39 =	vadd.f32 v14, v13  }
0x6a: {  	v27 =	vor.u32 v12, v15;
	v15 =	vadd.f32 v20, v13;
	v20 =	vadd.f32 v19, v13  }
0x6b: {  	v17 =	vmul.f32 v14, v14;
	v24 =	vadd.f32 v21, v13;
	v28 =	vadd.f32 v22, v13  }
0x6c: {  	v36 =	vadd.f32 v26, v13;
	v18 =	vadd.f32 v23, v18  }
0x6d: {  	s30 =	simm.s32 $0x1;
	v14 =	vadd.f32 v17, v13;
	v17 =	vadd.f32 v16, v13;
	v16 =	vmul.f32 v19, v19  }
0x6e: {  	v19 =	vmul.f32 v21, v21;
	v21 =	vmul.f32 v22, v22;
	v22 =	vmov s30;
	[tilespmem:s28+$0x50] =	vst v18  }
0x6f: {  	v37 =	vadd.f32 v29, v13;
	v35 =	vadd.f32 v30, v13;
	v22 =	vand.u32 $0x3F, v22;
	v42 =	vld.idx.msk [tilespmem:v27+s16+$0x0], $0xffff  }
0x70: {  	v16 =	vadd.f32 v16, v13;
	v23 =	vadd.f32 v21, v13;
	v21 =	vmul.f32 v25, v25;
	v43 =	vld [tilespmem:s29+$0x58]  }
0x71: {  	v19 =	vadd.f32 v19, v13;
	v40 =	vbroadcast v22, $0x0;
	v22 =	vmul.f32 v30, v30  }
0x72: {  	v30 =	vadd.f32 v38, v13;
	v32 =	vadd.f32 v21, v13;
	v21 =	vmul.f32 v29, v29  }
0x73: {  	v44 =	vor.u32 v0, v40;
	v33 =	vadd.f32 v22, v13;
	v27 =	vadd.f32 v25, v13  }
0x74: {  	v25 =	vmul.f32 v26, v26;
	v34 =	vadd.f32 v21, v13;
	v21 =	vmul.f32 v38, v38  }
0x75: {  	v22 =	vmul.f32 v41, v41;
	v26 =	vadd.f32 v41, v13;
	v63 =	vadd.f32 v43, v42  }
0x76: {  	v31 =	vadd.f32 v25, v13;
	v29 =	vadd.f32 v21, v13;
	v21 =	vmul.f32 v18, v18  }
0x77: {  	v25 =	vadd.f32 v22, v13;
	v22 =	vadd.f32 v18, v13;
	[tilespmem:s28+$0x60] =	vst v63  }
0x78: {  	s30 =	simm.s32 $0x2;
	s29 =	simm.s32 $0xC928;
	v21 =	vadd.f32 v21, v13;
	v18 =	vadd.f32 v63, v13;
	v38 =	vmul.f32 v63, v63;
	v41 =	vld.idx.msk [tilespmem:v44+s16+$0x0], $0xffff  }
.LBB2_3:
0x79: {  	p0 =	sne.s32 s30, $0x3F  }
0x7a: {  	v42 =	vld [tilespmem:s29+$0xFFFFFFA0];
	v13 =	vadd.f32 v38, v13;
	s28 =	sadd.s32 $0xD0, s28;
	s31 =	smov.u32 s30;
	s30 =	sadd.s32 $0x1, s30  }
0x7b: {  	_ =	sdelay $0x1  }
0x7c: {  	v38 =	vor.u32 v1, v40;
	_ =	sdelay $0x1  }
0x7d: {  	v41 =	vadd.f32 v42, v41;
	_ =	sdelay $0x1  }
0x7e: {  	[tilespmem:s28+$0xFFFFFFA0] =	vst v41;
	v39 =	vadd.f32 v41, v39;
	v41 =	vmul.f32 v41, v41  }
0x7f: {  	v38 =	vld.idx.msk [tilespmem:v38+s16+$0x0], $0xffff  }
0x80: {  	v14 =	vadd.f32 v41, v14;
	v41 =	vld [tilespmem:s29+$0xFFFFFFB0];
	_ =	sdelay $0x2  }
0x81: {  	v42 =	vor.u32 v2, v40;
	_ =	sdelay $0x1  }
0x82: {  	v38 =	vadd.f32 v41, v38;
	_ =	sdelay $0x1  }
0x83: {  	[tilespmem:s28+$0xFFFFFFB0] =	vst v38;
	v17 =	vadd.f32 v38, v17;
	v38 =	vmul.f32 v38, v38  }
0x84: {  	v41 =	vld.idx.msk [tilespmem:v42+s16+$0x0], $0xffff  }
0x85: {  	v15 =	vadd.f32 v38, v15;
	v38 =	vld [tilespmem:s29+$0xFFFFFFC0];
	_ =	sdelay $0x2  }
0x86: {  	v42 =	vor.u32 v3, v40;
	_ =	sdelay $0x1  }
0x87: {  	v38 =	vadd.f32 v38, v41;
	_ =	sdelay $0x1  }
0x88: {  	[tilespmem:s28+$0xFFFFFFC0] =	vst v38;
	v20 =	vadd.f32 v38, v20;
	v38 =	vmul.f32 v38, v38  }
0x89: {  	v41 =	vld.idx.msk [tilespmem:v42+s16+$0x0], $0xffff  }
0x8a: {  	v16 =	vadd.f32 v38, v16;
	v38 =	vld [tilespmem:s29+$0xFFFFFFD0];
	_ =	sdelay $0x2  }
0x8b: {  	v42 =	vor.u32 v4, v40;
	_ =	sdelay $0x1  }
0x8c: {  	v38 =	vadd.f32 v38, v41;
	_ =	sdelay $0x1  }
0x8d: {  	[tilespmem:s28+$0xFFFFFFD0] =	vst v38;
	v24 =	vadd.f32 v38, v24;
	v38 =	vmul.f32 v38, v38  }
0x8e: {  	v41 =	vld.idx.msk [tilespmem:v42+s16+$0x0], $0xffff  }
0x8f: {  	v19 =	vadd.f32 v38, v19;
	v38 =	vld [tilespmem:s29+$0xFFFFFFE0];
	_ =	sdelay $0x2  }
0x90: {  	v42 =	vor.u32 v5, v40;
	_ =	sdelay $0x1  }
0x91: {  	v38 =	vadd.f32 v38, v41;
	_ =	sdelay $0x1  }
0x92: {  	[tilespmem:s28+$0xFFFFFFE0] =	vst v38;
	v28 =	vadd.f32 v38, v28;
	v38 =	vmul.f32 v38, v38  }
0x93: {  	v41 =	vld.idx.msk [tilespmem:v42+s16+$0x0], $0xffff  }
0x94: {  	v23 =	vadd.f32 v38, v23;
	v38 =	vld [tilespmem:s29+$0xFFFFFFF0];
	_ =	sdelay $0x2  }
0x95: {  	v42 =	vor.u32 v6, v40;
	_ =	sdelay $0x1  }
0x96: {  	v38 =	vadd.f32 v38, v41;
	_ =	sdelay $0x1  }
0x97: {  	[tilespmem:s28+$0xFFFFFFF0] =	vst v38;
	v27 =	vadd.f32 v38, v27;
	v38 =	vmul.f32 v38, v38  }
0x98: {  	v41 =	vld.idx.msk [tilespmem:v42+s16+$0x0], $0xffff  }
0x99: {  	v32 =	vadd.f32 v38, v32;
	v38 =	vld [tilespmem:s29+$0x0];
	_ =	sdelay $0x2  }
0x9a: {  	v42 =	vor.u32 v7, v40;
	_ =	sdelay $0x1  }
0x9b: {  	v38 =	vadd.f32 v38, v41;
	_ =	sdelay $0x1  }
0x9c: {  	[tilespmem:s28+$0x0] =	vst v38;
	v36 =	vadd.f32 v38, v36;
	v38 =	vmul.f32 v38, v38  }
0x9d: {  	v41 =	vld.idx.msk [tilespmem:v42+s16+$0x0], $0xffff  }
0x9e: {  	v31 =	vadd.f32 v38, v31;
	v38 =	vld [tilespmem:s29+$0x10];
	_ =	sdelay $0x2  }
0x9f: {  	v42 =	vor.u32 v8, v40;
	_ =	sdelay $0x1  }
0xa0: {  	v38 =	vadd.f32 v38, v41;
	_ =	sdelay $0x1  }
0xa1: {  	[tilespmem:s28+$0x10] =	vst v38;
	v37 =	vadd.f32 v38, v37;
	v38 =	vmul.f32 v38, v38  }
0xa2: {  	v41 =	vld.idx.msk [tilespmem:v42+s16+$0x0], $0xffff  }
0xa3: {  	v34 =	vadd.f32 v38, v34;
	v38 =	vld [tilespmem:s29+$0x20];
	_ =	sdelay $0x2  }
0xa4: {  	v42 =	vor.u32 v9, v40;
	_ =	sdelay $0x1  }
0xa5: {  	v38 =	vadd.f32 v38, v41;
	_ =	sdelay $0x1  }
0xa6: {  	[tilespmem:s28+$0x20] =	vst v38;
	v35 =	vadd.f32 v38, v35;
	v38 =	vmul.f32 v38, v38  }
0xa7: {  	v41 =	vld.idx.msk [tilespmem:v42+s16+$0x0], $0xffff  }
0xa8: {  	v33 =	vadd.f32 v38, v33;
	v38 =	vld [tilespmem:s29+$0x30];
	_ =	sdelay $0x2  }
0xa9: {  	v42 =	vor.u32 v10, v40;
	_ =	sdelay $0x1  }
0xaa: {  	v38 =	vadd.f32 v38, v41;
	_ =	sdelay $0x1  }
0xab: {  	[tilespmem:s28+$0x30] =	vst v38;
	v30 =	vadd.f32 v38, v30;
	v38 =	vmul.f32 v38, v38  }
0xac: {  	v41 =	vld.idx.msk [tilespmem:v42+s16+$0x0], $0xffff  }
0xad: {  	v29 =	vadd.f32 v38, v29;
	v38 =	vld [tilespmem:s29+$0x40];
	_ =	sdelay $0x2  }
0xae: {  	v42 =	vor.u32 v11, v40;
	_ =	sdelay $0x1  }
0xaf: {  	v38 =	vadd.f32 v38, v41;
	_ =	sdelay $0x1  }
0xb0: {  	[tilespmem:s28+$0x40] =	vst v38;
	v26 =	vadd.f32 v38, v26;
	v38 =	vmul.f32 v38, v38  }
0xb1: {  	v41 =	vld.idx.msk [tilespmem:v42+s16+$0x0], $0xffff  }
0xb2: {  	v25 =	vadd.f32 v38, v25;
	v38 =	vld [tilespmem:s29+$0x50];
	_ =	sdelay $0x2  }
0xb3: {  	v40 =	vor.u32 v12, v40;
	_ =	sdelay $0x1  }
0xb4: {  	v38 =	vadd.f32 v38, v41;
	_ =	sdelay $0x1  }
0xb5: {  	[tilespmem:s28+$0x50] =	vst v38;
	v22 =	vadd.f32 v38, v22;
	v38 =	vmul.f32 v38, v38  }
0xb6: {  	v41 =	vmov s31;
	v42 =	vld.idx.msk [tilespmem:v40+s16+$0x0], $0xffff  }
0xb7: {  	v40 =	vand.u32 $0x3F, v41;
	v21 =	vadd.f32 v38, v21;
	v38 =	vld [tilespmem:s29+$0x58]  }
0xb8: {  	v40 =	vbroadcast v40, $0x0;
	_ =	sdelay $0x1  }
0xb9: {  	v41 =	vor.u32 v0, v40  }
.Ltmp0:
0xba: {  	(pc) =	sbr.rel @p0 .LBB2_3-.Ltmp0, $3  }
0xbb: {  	v38 =	vadd.f32 v38, v42;
	_ =	sdelay $0x1  }
0xbc: {  	[tilespmem:s28+$0x60] =	vst v38;
	v18 =	vadd.f32 v38, v18;
	v38 =	vmul.f32 v38, v38  }
0xbd: {  	s29 =	sadd.s32 $0xC8, s29;
	v41 =	vld.idx.msk [tilespmem:v41+s16+$0x0], $0xffff  }
0xbe: {  	v42 =	vld [tilespmem:s29+$0xFFFFFFA0];
	_ =	sdelay $0x2  }
0xbf: {  	v43 =	vor.u32 v1, v40;
	_ =	sdelay $0x1  }
0xc0: {  	v41 =	vadd.f32 v42, v41  }
0xc1: {  	s28 =	sadd.s32 $0xD0, s28  }
0xc2: {  	[tilespmem:s28+$0xFFFFFFA0] =	vst v41  }
0xc3: {  	v51 =	vld.idx.msk [tilespmem:v43+s16+$0x0], $0xffff  }
0xc4: {  	v52 =	vld [tilespmem:s29+$0xFFFFFFB0];
	_ =	sdelay $0x2  }
0xc5: {  	v44 =	vor.u32 v2, v40;
	_ =	sdelay $0x1  }
0xc6: {  	v42 =	vadd.f32 v52, v51;
	_ =	sdelay $0x1  }
0xc7: {  	[tilespmem:s28+$0xFFFFFFB0] =	vst v42  }
0xc8: {  	v53 =	vld.idx.msk [tilespmem:v44+s16+$0x0], $0xffff  }
0xc9: {  	v54 =	vld [tilespmem:s29+$0xFFFFFFC0];
	_ =	sdelay $0x2  }
0xca: {  	v45 =	vor.u32 v3, v40;
	_ =	sdelay $0x1  }
0xcb: {  	v51 =	vadd.f32 v54, v53;
	_ =	sdelay $0x1  }
0xcc: {  	[tilespmem:s28+$0xFFFFFFC0] =	vst v51  }
0xcd: {  	v55 =	vld.idx.msk [tilespmem:v45+s16+$0x0], $0xffff  }
0xce: {  	v56 =	vld [tilespmem:s29+$0xFFFFFFD0];
	_ =	sdelay $0x2  }
0xcf: {  	v57 =	vor.u32 v4, v40;
	_ =	sdelay $0x1  }
0xd0: {  	v52 =	vadd.f32 v56, v55;
	_ =	sdelay $0x1  }
0xd1: {  	[tilespmem:s28+$0xFFFFFFD0] =	vst v52  }
0xd2: {  	v58 =	vld.idx.msk [tilespmem:v57+s16+$0x0], $0xffff  }
0xd3: {  	v59 =	vld [tilespmem:s29+$0xFFFFFFE0];
	_ =	sdelay $0x2  }
0xd4: {  	v60 =	vor.u32 v5, v40;
	_ =	sdelay $0x1  }
0xd5: {  	v50 =	vadd.f32 v59, v58;
	_ =	sdelay $0x1  }
0xd6: {  	[tilespmem:s28+$0xFFFFFFE0] =	vst v50  }
0xd7: {  	v61 =	vld.idx.msk [tilespmem:v60+s16+$0x0], $0xffff  }
0xd8: {  	v62 =	vld [tilespmem:s29+$0xFFFFFFF0];
	_ =	sdelay $0x2  }
0xd9: {  	v63 =	vor.u32 v6, v40;
	_ =	sdelay $0x1  }
0xda: {  	v49 =	vadd.f32 v62, v61;
	_ =	sdelay $0x1  }
0xdb: {  	[tilespmem:s28+$0xFFFFFFF0] =	vst v49  }
0xdc: {  	v48 =	vld.idx.msk [tilespmem:v63+s16+$0x0], $0xffff  }
0xdd: {  	v53 =	vld [tilespmem:s29+$0x0];
	_ =	sdelay $0x2  }
0xde: {  	v54 =	vor.u32 v7, v40;
	_ =	sdelay $0x1  }
0xdf: {  	v48 =	vadd.f32 v53, v48;
	_ =	sdelay $0x1  }
0xe0: {  	[tilespmem:s28+$0x0] =	vst v48  }
0xe1: {  	v55 =	vld.idx.msk [tilespmem:v54+s16+$0x0], $0xffff  }
0xe2: {  	v56 =	vld [tilespmem:s29+$0x10];
	_ =	sdelay $0x2  }
0xe3: {  	v57 =	vor.u32 v8, v40;
	_ =	sdelay $0x1  }
0xe4: {  	v47 =	vadd.f32 v56, v55;
	_ =	sdelay $0x1  }
0xe5: {  	[tilespmem:s28+$0x10] =	vst v47  }
0xe6: {  	v58 =	vld.idx.msk [tilespmem:v57+s16+$0x0], $0xffff  }
0xe7: {  	v59 =	vld [tilespmem:s29+$0x20];
	_ =	sdelay $0x2  }
0xe8: {  	v60 =	vor.u32 v9, v40;
	_ =	sdelay $0x1  }
0xe9: {  	v46 =	vadd.f32 v59, v58;
	_ =	sdelay $0x1  }
0xea: {  	[tilespmem:s28+$0x20] =	vst v46  }
0xeb: {  	v61 =	vld.idx.msk [tilespmem:v60+s16+$0x0], $0xffff  }
0xec: {  	v62 =	vld [tilespmem:s29+$0x30];
	_ =	sdelay $0x2  }
0xed: {  	v53 =	vor.u32 v10, v40;
	_ =	sdelay $0x1  }
0xee: {  	v45 =	vadd.f32 v62, v61;
	_ =	sdelay $0x1  }
0xef: {  	[tilespmem:s28+$0x30] =	vst v45  }
0xf0: {  	v63 =	vld.idx.msk [tilespmem:v53+s16+$0x0], $0xffff  }
0xf1: {  	v56 =	vld [tilespmem:s29+$0x40];
	_ =	sdelay $0x2  }
0xf2: {  	v57 =	vor.u32 v11, v40;
	_ =	sdelay $0x1  }
0xf3: {  	v39 =	vadd.f32 v41, v39;
	v41 =	vmul.f32 v41, v41;
	v44 =	vadd.f32 v56, v63;
	_ =	sdelay $0x1  }
0xf4: {  	v41 =	vadd.f32 v41, v14;
	v14 =	vmul.f32 $1.562500000e-02, v39;
	[tilespmem:s28+$0x40] =	vst v44  }
0xf5: {  	v58 =	vld.idx.msk [tilespmem:v57+s16+$0x0], $0xffff  }
0xf6: {  	v41 =	vmul.f32 $1.562500000e-02, v41;
	v60 =	vmul.f32 v14, v14;
	v59 =	vld [tilespmem:s29+$0x50];
	_ =	sdelay $0x1  }
0xf7: {  	v41 =	vsub.f32 v41, v60  }
0xf8: {  	v61 =	vor.u32 v12, v40  }
0xf9: {  	v41 =	vadd.f32 $9.999999740e-06, v41  }
0xfa: {  	v43 =	vadd.f32 v59, v58  }
0xfb: {  	v62 =	vshra.s32 v41, $0x1;
	v41 =	vmul.f32 $5.000000000e-01, v41  }
0xfc: {  	v39 =	vsub.s32 $0x5F3759DF, v62;
	[tilespmem:s28+$0x50] =	vst v43  }
0xfd: {  	v63 =	vmul.f32 v39, v41;
	v40 =	vld.idx.msk [tilespmem:v61+s16+$0x0], $0xffff  }
0xfe: {  	v17 =	vadd.f32 v42, v17;
	v42 =	vmul.f32 v42, v42;
	v54 =	vld [tilespmem:s29+$0x58]  }
0xff: {  	v53 =	vmul.f32 v39, v63  }
0x100: {  	v42 =	vadd.f32 v42, v15;
	v15 =	vmul.f32 $1.562500000e-02, v17  }
0x101: {  	v17 =	vsub.f32 $1.500000000e+00, v53  }
0x102: {  	v55 =	vmul.f32 v15, v15  }
0x103: {  	v57 =	vmul.f32 $1.562500000e-02, v42;
	v17 =	vmul.f32 v39, v17;
	v42 =	vadd.f32 v54, v40  }
0x104: {  	s29 =	simm.s32 $0x0  }
0x105: {  	v58 =	vsub.f32 v57, v55;
	v59 =	vmul.f32 v17, v41;
	v60 =	vmov s29;
	[tilespmem:s28+$0x60] =	vst v42;
	s28 =	simm.s32 $0xFA60  }
0x106: {  	v61 =	vld [tilespmem:s28+$0xFFFFFFA0]  }
0x107: {  	v39 =	vadd.f32 $9.999999740e-06, v58;
	v40 =	vmul.f32 v59, v17;
	_ =	sdelay $0x1  }
0x108: {  	v62 =	vshra.s32 v39, $0x1;
	v63 =	vmul.f32 $5.000000000e-01, v39;
	v40 =	vsub.f32 $1.500000000e+00, v40  }
0x109: {  	v54 =	vsub.s32 $0x5F3759DF, v62;
	v39 =	vld.idx.msk [tilespmem:v60+s13+$0x0], $0xffff  }
0x10a: {  	v56 =	vmul.f32 v54, v63;
	v17 =	vmul.f32 v40, v17;
	v53 =	vsub.f32 v61, v14  }
0x10b: {  	v20 =	vadd.f32 v51, v20;
	v51 =	vmul.f32 v51, v51;
	v40 =	vld.idx.msk [tilespmem:v60+s14+$0x0], $0xffff  }
0x10c: {  	v41 =	vand.u32 $0x3F, v60;
	v56 =	vmul.f32 v54, v56;
	v53 =	vmul.f32 v53, v17  }
0x10d: {  	v51 =	vadd.f32 v51, v16;
	v57 =	vor.u32 v0, v41  }
0x10e: {  	v16 =	vmul.f32 $1.562500000e-02, v20;
	v56 =	vsub.f32 $1.500000000e+00, v56;
	v20 =	vmul.f32 v53, v39  }
0x10f: {  	v51 =	vmul.f32 $1.562500000e-02, v51  }
0x110: {  	v59 =	vmul.f32 v16, v16;
	v58 =	vmul.f32 v54, v56;
	v20 =	vadd.f32 v20, v40;
	_ =	sdelay $0x1  }
0x111: {  	v51 =	vsub.f32 v51, v59;
	v55 =	vmul.f32 v58, v63;
	[tilespmem:v57+s16+$0x0] =	vst.idx.msk $0xffff, v20  }
0x112: {  	v60 =	vld [tilespmem:s28+$0xFFFFFFB0]  }
0x113: {  	v51 =	vadd.f32 $9.999999740e-06, v51;
	v20 =	vmul.f32 v55, v58;
	_ =	sdelay $0x1  }
0x114: {  	v61 =	vshra.s32 v51, $0x1;
	v51 =	vmul.f32 $5.000000000e-01, v51;
	v20 =	vsub.f32 $1.500000000e+00, v20  }
0x115: {  	v55 =	vsub.s32 $0x5F3759DF, v61  }
0x116: {  	v62 =	vmul.f32 v55, v51;
	v20 =	vmul.f32 v20, v58;
	v54 =	vsub.f32 v60, v15  }
0x117: {  	v24 =	vadd.f32 v52, v24;
	v52 =	vmul.f32 v52, v52  }
0x118: {  	v53 =	vmul.f32 v55, v62;
	v54 =	vmul.f32 v54, v20  }
0x119: {  	v52 =	vadd.f32 v52, v19;
	v19 =	vmul.f32 $1.562500000e-02, v24;
	v24 =	vor.u32 v1, v41  }
0x11a: {  	v53 =	vsub.f32 $1.500000000e+00, v53;
	v54 =	vmul.f32 v54, v39  }
0x11b: {  	v52 =	vmul.f32 $1.562500000e-02, v52  }
0x11c: {  	v63 =	vmul.f32 v19, v19;
	v53 =	vmul.f32 v55, v53;
	v54 =	vadd.f32 v54, v40;
	_ =	sdelay $0x1  }
0x11d: {  	v52 =	vsub.f32 v52, v63;
	v51 =	vmul.f32 v53, v51;
	[tilespmem:v24+s16+$0x0] =	vst.idx.msk $0xffff, v54  }
0x11e: {  	v58 =	vld [tilespmem:s28+$0xFFFFFFC0]  }
0x11f: {  	v51 =	vmul.f32 v51, v53;
	v24 =	vadd.f32 $9.999999740e-06, v52;
	_ =	sdelay $0x1  }
0x120: {  	v59 =	vshra.s32 v24, $0x1;
	v60 =	vmul.f32 $5.000000000e-01, v24;
	v24 =	vsub.f32 $1.500000000e+00, v51  }
0x121: {  	v61 =	vsub.s32 $0x5F3759DF, v59  }
0x122: {  	v54 =	vmul.f32 v61, v60;
	v24 =	vmul.f32 v24, v53;
	v52 =	vsub.f32 v58, v16  }
0x123: {  	v28 =	vadd.f32 v50, v28;
	v50 =	vmul.f32 v50, v50  }
0x124: {  	v62 =	vmul.f32 v61, v54;
	v52 =	vmul.f32 v52, v24  }
0x125: {  	v50 =	vadd.f32 v50, v23;
	v63 =	vor.u32 v2, v41  }
0x126: {  	v23 =	vmul.f32 $1.562500000e-02, v28;
	v53 =	vsub.f32 $1.500000000e+00, v62;
	v28 =	vmul.f32 v52, v39  }
0x127: {  	v50 =	vmul.f32 $1.562500000e-02, v50  }
0x128: {  	v57 =	vmul.f32 v23, v23;
	v51 =	vmul.f32 v61, v53;
	v28 =	vadd.f32 v28, v40;
	_ =	sdelay $0x1  }
0x129: {  	v50 =	vsub.f32 v50, v57;
	v53 =	vmul.f32 v51, v60;
	[tilespmem:v63+s16+$0x0] =	vst.idx.msk $0xffff, v28  }
0x12a: {  	v58 =	vld [tilespmem:s28+$0xFFFFFFD0]  }
0x12b: {  	v50 =	vadd.f32 $9.999999740e-06, v50;
	v28 =	vmul.f32 v53, v51;
	_ =	sdelay $0x1  }
0x12c: {  	v59 =	vshra.s32 v50, $0x1;
	v50 =	vmul.f32 $5.000000000e-01, v50;
	v28 =	vsub.f32 $1.500000000e+00, v28  }
0x12d: {  	v53 =	vsub.s32 $0x5F3759DF, v59  }
0x12e: {  	v60 =	vmul.f32 v53, v50;
	v28 =	vmul.f32 v28, v51;
	v52 =	vsub.f32 v58, v19  }
0x12f: {  	v27 =	vadd.f32 v49, v27;
	v49 =	vmul.f32 v49, v49  }
0x130: {  	v51 =	vmul.f32 v53, v60;
	v52 =	vmul.f32 v52, v28  }
0x131: {  	v32 =	vadd.f32 v49, v32;
	v61 =	vor.u32 v3, v41  }
0x132: {  	v27 =	vmul.f32 $1.562500000e-02, v27;
	v51 =	vsub.f32 $1.500000000e+00, v51;
	v52 =	vmul.f32 v52, v39  }
0x133: {  	v32 =	vmul.f32 $1.562500000e-02, v32  }
0x134: {  	v62 =	vmul.f32 v27, v27;
	v51 =	vmul.f32 v53, v51;
	v52 =	vadd.f32 v52, v40;
	_ =	sdelay $0x1  }
0x135: {  	v32 =	vsub.f32 v32, v62;
	v50 =	vmul.f32 v51, v50;
	[tilespmem:v61+s16+$0x0] =	vst.idx.msk $0xffff, v52  }
0x136: {  	v49 =	vld [tilespmem:s28+$0xFFFFFFE0]  }
0x137: {  	v32 =	vadd.f32 $9.999999740e-06, v32;
	v50 =	vmul.f32 v50, v51;
	_ =	sdelay $0x1  }
0x138: {  	v63 =	vshra.s32 v32, $0x1;
	v56 =	vmul.f32 $5.000000000e-01, v32;
	v57 =	vsub.f32 $1.500000000e+00, v50  }
0x139: {  	v58 =	vsub.s32 $0x5F3759DF, v63  }
0x13a: {  	v52 =	vmul.f32 v58, v56;
	v32 =	vmul.f32 v57, v51;
	v49 =	vsub.f32 v49, v23  }
0x13b: {  	v36 =	vadd.f32 v48, v36;
	v48 =	vmul.f32 v48, v48  }
0x13c: {  	v59 =	vmul.f32 v58, v52;
	v49 =	vmul.f32 v49, v32  }
0x13d: {  	v48 =	vadd.f32 v48, v31;
	v60 =	vor.u32 v4, v41  }
0x13e: {  	v31 =	vmul.f32 $1.562500000e-02, v36;
	v51 =	vsub.f32 $1.500000000e+00, v59;
	v61 =	vmul.f32 v49, v39  }
0x13f: {  	v48 =	vmul.f32 $1.562500000e-02, v48  }
0x140: {  	v63 =	vmul.f32 v31, v31;
	v62 =	vmul.f32 v58, v51;
	v36 =	vadd.f32 v61, v40;
	_ =	sdelay $0x1  }
0x141: {  	v48 =	vsub.f32 v48, v63;
	v51 =	vmul.f32 v62, v56;
	[tilespmem:v60+s16+$0x0] =	vst.idx.msk $0xffff, v36  }
0x142: {  	v54 =	vld [tilespmem:s28+$0xFFFFFFF0]  }
0x143: {  	v48 =	vadd.f32 $9.999999740e-06, v48;
	v55 =	vmul.f32 v51, v62;
	_ =	sdelay $0x1  }
0x144: {  	v56 =	vshra.s32 v48, $0x1;
	v48 =	vmul.f32 $5.000000000e-01, v48;
	v36 =	vsub.f32 $1.500000000e+00, v55  }
0x145: {  	v51 =	vsub.s32 $0x5F3759DF, v56  }
0x146: {  	v57 =	vmul.f32 v51, v48;
	v36 =	vmul.f32 v36, v62;
	v50 =	vsub.f32 v54, v27  }
0x147: {  	v37 =	vadd.f32 v47, v37;
	v47 =	vmul.f32 v47, v47  }
0x148: {  	v49 =	vmul.f32 v51, v57;
	v50 =	vmul.f32 v50, v36  }
0x149: {  	v47 =	vadd.f32 v47, v34;
	v58 =	vor.u32 v5, v41  }
0x14a: {  	v34 =	vmul.f32 $1.562500000e-02, v37;
	v49 =	vsub.f32 $1.500000000e+00, v49;
	v50 =	vmul.f32 v50, v39  }
0x14b: {  	v47 =	vmul.f32 $1.562500000e-02, v47  }
0x14c: {  	v59 =	vmul.f32 v34, v34;
	v49 =	vmul.f32 v51, v49;
	v50 =	vadd.f32 v50, v40;
	_ =	sdelay $0x1  }
0x14d: {  	v47 =	vsub.f32 v47, v59;
	v48 =	vmul.f32 v49, v48;
	[tilespmem:v58+s16+$0x0] =	vst.idx.msk $0xffff, v50  }
0x14e: {  	v61 =	vld [tilespmem:s28+$0x0]  }
0x14f: {  	v60 =	vadd.f32 $9.999999740e-06, v47;
	v48 =	vmul.f32 v48, v49;
	_ =	sdelay $0x1  }
0x150: {  	v62 =	vshra.s32 v60, $0x1;
	v63 =	vmul.f32 $5.000000000e-01, v60;
	v52 =	vsub.f32 $1.500000000e+00, v48  }
0x151: {  	v53 =	vsub.s32 $0x5F3759DF, v62  }
0x152: {  	v37 =	vmul.f32 v52, v49;
	v50 =	vmul.f32 v53, v63;
	v47 =	vsub.f32 v61, v31  }
0x153: {  	v35 =	vadd.f32 v46, v35;
	v46 =	vmul.f32 v46, v46  }
0x154: {  	v54 =	vmul.f32 v53, v50;
	v47 =	vmul.f32 v47, v37  }
0x155: {  	v46 =	vadd.f32 v46, v33;
	v55 =	vor.u32 v6, v41  }
0x156: {  	v33 =	vmul.f32 $1.562500000e-02, v35;
	v49 =	vsub.f32 $1.500000000e+00, v54;
	v56 =	vmul.f32 v47, v39  }
0x157: {  	v46 =	vmul.f32 $1.562500000e-02, v46  }
0x158: {  	v58 =	vmul.f32 v33, v33;
	v57 =	vmul.f32 v53, v49;
	v35 =	vadd.f32 v56, v40;
	_ =	sdelay $0x1  }
0x159: {  	v46 =	vsub.f32 v46, v58;
	v49 =	vmul.f32 v57, v63;
	[tilespmem:v55+s16+$0x0] =	vst.idx.msk $0xffff, v35  }
0x15a: {  	v59 =	vld [tilespmem:s28+$0x10]  }
0x15b: {  	v46 =	vadd.f32 $9.999999740e-06, v46;
	v60 =	vmul.f32 v49, v57;
	_ =	sdelay $0x1  }
0x15c: {  	v61 =	vshra.s32 v46, $0x1;
	v46 =	vmul.f32 $5.000000000e-01, v46;
	v35 =	vsub.f32 $1.500000000e+00, v60  }
0x15d: {  	v49 =	vsub.s32 $0x5F3759DF, v61  }
0x15e: {  	v62 =	vmul.f32 v49, v46;
	v35 =	vmul.f32 v35, v57;
	v48 =	vsub.f32 v59, v34  }
0x15f: {  	v30 =	vadd.f32 v45, v30;
	v45 =	vmul.f32 v45, v45  }
0x160: {  	v47 =	vmul.f32 v49, v62;
	v48 =	vmul.f32 v48, v35  }
0x161: {  	v45 =	vadd.f32 v45, v29;
	v29 =	vmul.f32 $1.562500000e-02, v30;
	v30 =	vor.u32 v7, v41  }
0x162: {  	v47 =	vsub.f32 $1.500000000e+00, v47;
	v48 =	vmul.f32 v48, v39  }
0x163: {  	v45 =	vmul.f32 $1.562500000e-02, v45  }
0x164: {  	v63 =	vmul.f32 v29, v29;
	v47 =	vmul.f32 v49, v47;
	v48 =	vadd.f32 v48, v40;
	_ =	sdelay $0x1  }
0x165: {  	v45 =	vsub.f32 v45, v63;
	v46 =	vmul.f32 v47, v46;
	[tilespmem:v30+s16+$0x0] =	vst.idx.msk $0xffff, v48  }
0x166: {  	v52 =	vld [tilespmem:s28+$0x20]  }
0x167: {  	v46 =	vmul.f32 v46, v47;
	v30 =	vadd.f32 $9.999999740e-06, v45;
	_ =	sdelay $0x1  }
0x168: {  	v53 =	vshra.s32 v30, $0x1;
	v54 =	vmul.f32 $5.000000000e-01, v30;
	v30 =	vsub.f32 $1.500000000e+00, v46  }
0x169: {  	v55 =	vsub.s32 $0x5F3759DF, v53  }
0x16a: {  	v48 =	vmul.f32 v55, v54;
	v30 =	vmul.f32 v30, v47;
	v45 =	vsub.f32 v52, v33  }
0x16b: {  	v26 =	vadd.f32 v44, v26;
	v44 =	vmul.f32 v44, v44  }
0x16c: {  	v56 =	vmul.f32 v55, v48;
	v45 =	vmul.f32 v45, v30  }
0x16d: {  	v44 =	vadd.f32 v44, v25;
	v57 =	vor.u32 v8, v41  }
0x16e: {  	v25 =	vmul.f32 $1.562500000e-02, v26;
	v47 =	vsub.f32 $1.500000000e+00, v56;
	v26 =	vmul.f32 v45, v39  }
0x16f: {  	v44 =	vmul.f32 $1.562500000e-02, v44  }
0x170: {  	v59 =	vmul.f32 v25, v25;
	v58 =	vmul.f32 v55, v47;
	v26 =	vadd.f32 v26, v40;
	_ =	sdelay $0x1  }
0x171: {  	v44 =	vsub.f32 v44, v59;
	v47 =	vmul.f32 v58, v54;
	[tilespmem:v57+s16+$0x0] =	vst.idx.msk $0xffff, v26  }
0x172: {  	v60 =	vld [tilespmem:s28+$0x30]  }
0x173: {  	v44 =	vadd.f32 $9.999999740e-06, v44;
	v26 =	vmul.f32 v47, v58;
	_ =	sdelay $0x1  }
0x174: {  	v61 =	vshra.s32 v44, $0x1;
	v44 =	vmul.f32 $5.000000000e-01, v44;
	v26 =	vsub.f32 $1.500000000e+00, v26  }
0x175: {  	v47 =	vsub.s32 $0x5F3759DF, v61  }
0x176: {  	v62 =	vmul.f32 v47, v44;
	v26 =	vmul.f32 v26, v58;
	v46 =	vsub.f32 v60, v29  }
0x177: {  	v22 =	vadd.f32 v43, v22;
	v43 =	vmul.f32 v43, v43  }
0x178: {  	v45 =	vmul.f32 v47, v62;
	v46 =	vmul.f32 v46, v26  }
0x179: {  	v43 =	vadd.f32 v43, v21;
	v21 =	vmul.f32 $1.562500000e-02, v22;
	v22 =	vor.u32 v9, v41  }
0x17a: {  	v45 =	vsub.f32 $1.500000000e+00, v45;
	v46 =	vmul.f32 v46, v39  }
0x17b: {  	v43 =	vmul.f32 $1.562500000e-02, v43  }
0x17c: {  	v63 =	vmul.f32 v21, v21;
	v45 =	vmul.f32 v47, v45;
	v46 =	vadd.f32 v46, v40;
	_ =	sdelay $0x1  }
0x17d: {  	v43 =	vsub.f32 v43, v63;
	v44 =	vmul.f32 v45, v44;
	[tilespmem:v22+s16+$0x0] =	vst.idx.msk $0xffff, v46  }
0x17e: {  	v52 =	vld [tilespmem:s28+$0x40]  }
0x17f: {  	v44 =	vmul.f32 v44, v45;
	v22 =	vadd.f32 $9.999999740e-06, v43;
	_ =	sdelay $0x1  }
0x180: {  	v53 =	vshra.s32 v22, $0x1;
	v54 =	vmul.f32 $5.000000000e-01, v22;
	v22 =	vsub.f32 $1.500000000e+00, v44  }
0x181: {  	v55 =	vsub.s32 $0x5F3759DF, v53  }
0x182: {  	v46 =	vmul.f32 v55, v54;
	v22 =	vmul.f32 v22, v45;
	v43 =	vsub.f32 v52, v25  }
0x183: {  	v13 =	vadd.f32 v38, v13;
	v18 =	vadd.f32 v42, v18;
	v42 =	vmul.f32 v42, v42  }
0x184: {  	v56 =	vmul.f32 v55, v46;
	v43 =	vmul.f32 v43, v22  }
0x185: {  	v42 =	vadd.f32 v42, v13;
	v57 =	vor.u32 v10, v41  }
0x186: {  	v13 =	vmul.f32 $1.562500000e-02, v18;
	v38 =	vsub.f32 $1.500000000e+00, v56;
	v18 =	vmul.f32 v43, v39  }
0x187: {  	v42 =	vmul.f32 $1.562500000e-02, v42  }
0x188: {  	v58 =	vmul.f32 v13, v13;
	v38 =	vmul.f32 v55, v38;
	v18 =	vadd.f32 v18, v40;
	_ =	sdelay $0x1  }
0x189: {  	v42 =	vsub.f32 v42, v58;
	v44 =	vmul.f32 v38, v54;
	[tilespmem:v57+s16+$0x0] =	vst.idx.msk $0xffff, v18  }
0x18a: {  	v59 =	vld [tilespmem:s28+$0x50]  }
0x18b: {  	v42 =	vadd.f32 $9.999999740e-06, v42;
	v18 =	vmul.f32 v44, v38;
	_ =	sdelay $0x1  }
0x18c: {  	v60 =	vshra.s32 v42, $0x1;
	v42 =	vmul.f32 $5.000000000e-01, v42;
	v18 =	vsub.f32 $1.500000000e+00, v18  }
0x18d: {  	v44 =	vsub.s32 $0x5F3759DF, v60  }
0x18e: {  	v61 =	vmul.f32 v44, v42;
	v18 =	vmul.f32 v18, v38;
	v43 =	vsub.f32 v59, v21;
	_ =	sdelay $0x1  }
0x18f: {  	v38 =	vmul.f32 v44, v61;
	v43 =	vmul.f32 v43, v18  }
0x190: {  	v62 =	vor.u32 v11, v41  }
0x191: {  	v38 =	vsub.f32 $1.500000000e+00, v38;
	v43 =	vmul.f32 v43, v39;
	_ =	sdelay $0x1  }
0x192: {  	v38 =	vmul.f32 v44, v38;
	v43 =	vadd.f32 v43, v40;
	_ =	sdelay $0x1  }
0x193: {  	v42 =	vmul.f32 v38, v42;
	[tilespmem:v62+s16+$0x0] =	vst.idx.msk $0xffff, v43  }
0x194: {  	v43 =	vld [tilespmem:s28+$0x60]  }
0x195: {  	v42 =	vmul.f32 v42, v38;
	_ =	sdelay $0x1  }
0x196: {  	v42 =	vsub.f32 $1.500000000e+00, v42;
	_ =	sdelay $0x1  }
0x197: {  	v38 =	vmul.f32 v42, v38;
	v63 =	vsub.f32 v43, v13;
	_ =	sdelay $0x1  }
0x198: {  	v42 =	vmul.f32 v63, v38;
	_ =	sdelay $0x1  }
0x199: {  	v39 =	vmul.f32 v42, v39;
	v42 =	vor.u32 v12, v41;
	_ =	sdelay $0x1  }
0x19a: {  	s30 =	simm.s32 $0x1  }
0x19b: {  	s29 =	simm.s32 $0x2;
	v41 =	vmov s30;
	v39 =	vadd.f32 v39, v40  }
.LBB2_5:
0x19c: {  	p0 =	sne.s32 s29, $0x3F  }
0x19d: {  	[tilespmem:v42+s16+$0x0] =	vst.idx.msk $0xffff, v39;
	s28 =	sadd.s32 $0xD0, s28;
	s30 =	smov.u32 s29;
	s29 =	sadd.s32 $0x1, s29  }
0x19e: {  	v42 =	vld [tilespmem:s28+$0xFFFFFFA0];
	_ =	sdelay $0x2  }
0x19f: {  	v39 =	vld.idx.msk [tilespmem:v41+s13+$0x0], $0xffff;
	_ =	sdelay $0x1  }
0x1a0: {  	v40 =	vld.idx.msk [tilespmem:v41+s14+$0x0], $0xffff;
	v42 =	vsub.f32 v42, v14;
	_ =	sdelay $0x1  }
0x1a1: {  	v41 =	vand.u32 $0x3F, v41;
	v42 =	vmul.f32 v42, v17  }
0x1a2: {  	v43 =	vor.u32 v0, v41  }
0x1a3: {  	v42 =	vmul.f32 v42, v39;
	_ =	sdelay $0x1  }
0x1a4: {  	v42 =	vadd.f32 v42, v40;
	_ =	sdelay $0x1  }
0x1a5: {  	[tilespmem:v43+s16+$0x0] =	vst.idx.msk $0xffff, v42  }
0x1a6: {  	v42 =	vld [tilespmem:s28+$0xFFFFFFB0];
	_ =	sdelay $0x4  }
0x1a7: {  	v42 =	vsub.f32 v42, v15;
	_ =	sdelay $0x1  }
0x1a8: {  	v42 =	vmul.f32 v42, v20  }
0x1a9: {  	v43 =	vor.u32 v1, v41  }
0x1aa: {  	v42 =	vmul.f32 v42, v39;
	_ =	sdelay $0x1  }
0x1ab: {  	v42 =	vadd.f32 v42, v40;
	_ =	sdelay $0x1  }
0x1ac: {  	[tilespmem:v43+s16+$0x0] =	vst.idx.msk $0xffff, v42  }
0x1ad: {  	v42 =	vld [tilespmem:s28+$0xFFFFFFC0];
	_ =	sdelay $0x4  }
0x1ae: {  	v42 =	vsub.f32 v42, v16;
	_ =	sdelay $0x1  }
0x1af: {  	v42 =	vmul.f32 v42, v24  }
0x1b0: {  	v43 =	vor.u32 v2, v41  }
0x1b1: {  	v42 =	vmul.f32 v42, v39;
	_ =	sdelay $0x1  }
0x1b2: {  	v42 =	vadd.f32 v42, v40;
	_ =	sdelay $0x1  }
0x1b3: {  	[tilespmem:v43+s16+$0x0] =	vst.idx.msk $0xffff, v42  }
0x1b4: {  	v42 =	vld [tilespmem:s28+$0xFFFFFFD0];
	_ =	sdelay $0x4  }
0x1b5: {  	v42 =	vsub.f32 v42, v19;
	_ =	sdelay $0x1  }
0x1b6: {  	v42 =	vmul.f32 v42, v28  }
0x1b7: {  	v43 =	vor.u32 v3, v41  }
0x1b8: {  	v42 =	vmul.f32 v42, v39;
	_ =	sdelay $0x1  }
0x1b9: {  	v42 =	vadd.f32 v42, v40;
	_ =	sdelay $0x1  }
0x1ba: {  	[tilespmem:v43+s16+$0x0] =	vst.idx.msk $0xffff, v42  }
0x1bb: {  	v42 =	vld [tilespmem:s28+$0xFFFFFFE0];
	_ =	sdelay $0x4  }
0x1bc: {  	v42 =	vsub.f32 v42, v23;
	_ =	sdelay $0x1  }
0x1bd: {  	v42 =	vmul.f32 v42, v32  }
0x1be: {  	v43 =	vor.u32 v4, v41  }
0x1bf: {  	v42 =	vmul.f32 v42, v39;
	_ =	sdelay $0x1  }
0x1c0: {  	v42 =	vadd.f32 v42, v40;
	_ =	sdelay $0x1  }
0x1c1: {  	[tilespmem:v43+s16+$0x0] =	vst.idx.msk $0xffff, v42  }
0x1c2: {  	v42 =	vld [tilespmem:s28+$0xFFFFFFF0];
	_ =	sdelay $0x4  }
0x1c3: {  	v42 =	vsub.f32 v42, v27;
	_ =	sdelay $0x1  }
0x1c4: {  	v42 =	vmul.f32 v42, v36  }
0x1c5: {  	v43 =	vor.u32 v5, v41  }
0x1c6: {  	v42 =	vmul.f32 v42, v39;
	_ =	sdelay $0x1  }
0x1c7: {  	v42 =	vadd.f32 v42, v40;
	_ =	sdelay $0x1  }
0x1c8: {  	[tilespmem:v43+s16+$0x0] =	vst.idx.msk $0xffff, v42  }
0x1c9: {  	v42 =	vld [tilespmem:s28+$0x0];
	_ =	sdelay $0x4  }
0x1ca: {  	v42 =	vsub.f32 v42, v31;
	_ =	sdelay $0x1  }
0x1cb: {  	v42 =	vmul.f32 v42, v37  }
0x1cc: {  	v43 =	vor.u32 v6, v41  }
0x1cd: {  	v42 =	vmul.f32 v42, v39;
	_ =	sdelay $0x1  }
0x1ce: {  	v42 =	vadd.f32 v42, v40;
	_ =	sdelay $0x1  }
0x1cf: {  	[tilespmem:v43+s16+$0x0] =	vst.idx.msk $0xffff, v42  }
0x1d0: {  	v42 =	vld [tilespmem:s28+$0x10];
	_ =	sdelay $0x4  }
0x1d1: {  	v42 =	vsub.f32 v42, v34;
	_ =	sdelay $0x1  }
0x1d2: {  	v42 =	vmul.f32 v42, v35  }
0x1d3: {  	v43 =	vor.u32 v7, v41  }
0x1d4: {  	v42 =	vmul.f32 v42, v39;
	_ =	sdelay $0x1  }
0x1d5: {  	v42 =	vadd.f32 v42, v40;
	_ =	sdelay $0x1  }
0x1d6: {  	[tilespmem:v43+s16+$0x0] =	vst.idx.msk $0xffff, v42  }
0x1d7: {  	v42 =	vld [tilespmem:s28+$0x20];
	_ =	sdelay $0x4  }
0x1d8: {  	v42 =	vsub.f32 v42, v33;
	_ =	sdelay $0x1  }
0x1d9: {  	v42 =	vmul.f32 v42, v30  }
0x1da: {  	v43 =	vor.u32 v8, v41  }
0x1db: {  	v42 =	vmul.f32 v42, v39;
	_ =	sdelay $0x1  }
0x1dc: {  	v42 =	vadd.f32 v42, v40;
	_ =	sdelay $0x1  }
0x1dd: {  	[tilespmem:v43+s16+$0x0] =	vst.idx.msk $0xffff, v42  }
0x1de: {  	v42 =	vld [tilespmem:s28+$0x30];
	_ =	sdelay $0x4  }
0x1df: {  	v42 =	vsub.f32 v42, v29;
	_ =	sdelay $0x1  }
0x1e0: {  	v42 =	vmul.f32 v42, v26  }
0x1e1: {  	v43 =	vor.u32 v9, v41  }
0x1e2: {  	v42 =	vmul.f32 v42, v39;
	_ =	sdelay $0x1  }
0x1e3: {  	v42 =	vadd.f32 v42, v40;
	_ =	sdelay $0x1  }
0x1e4: {  	[tilespmem:v43+s16+$0x0] =	vst.idx.msk $0xffff, v42  }
0x1e5: {  	v42 =	vld [tilespmem:s28+$0x40];
	_ =	sdelay $0x4  }
0x1e6: {  	v42 =	vsub.f32 v42, v25;
	_ =	sdelay $0x1  }
0x1e7: {  	v42 =	vmul.f32 v42, v22  }
0x1e8: {  	v43 =	vor.u32 v10, v41  }
0x1e9: {  	v42 =	vmul.f32 v42, v39;
	_ =	sdelay $0x1  }
0x1ea: {  	v42 =	vadd.f32 v42, v40;
	_ =	sdelay $0x1  }
0x1eb: {  	[tilespmem:v43+s16+$0x0] =	vst.idx.msk $0xffff, v42  }
0x1ec: {  	v42 =	vld [tilespmem:s28+$0x50];
	_ =	sdelay $0x4  }
0x1ed: {  	v42 =	vsub.f32 v42, v21;
	_ =	sdelay $0x1  }
0x1ee: {  	v42 =	vmul.f32 v42, v18  }
0x1ef: {  	v43 =	vor.u32 v11, v41  }
0x1f0: {  	v42 =	vmul.f32 v42, v39;
	_ =	sdelay $0x1  }
0x1f1: {  	v42 =	vadd.f32 v42, v40;
	_ =	sdelay $0x1  }
0x1f2: {  	[tilespmem:v43+s16+$0x0] =	vst.idx.msk $0xffff, v42  }
0x1f3: {  	v42 =	vld [tilespmem:s28+$0x60];
	_ =	sdelay $0x4  }
0x1f4: {  	v42 =	vsub.f32 v42, v13;
	_ =	sdelay $0x1  }
0x1f5: {  	v43 =	vmul.f32 v42, v38  }
.Ltmp1:
0x1f6: {  	v42 =	vor.u32 v12, v41;
	(pc) =	sbr.rel @p0 .LBB2_5-.Ltmp1, $3  }
0x1f7: {  	v39 =	vmul.f32 v43, v39;
	_ =	sdelay $0x1  }
0x1f8: {  	v39 =	vadd.f32 v39, v40  }
0x1f9: {  	v41 =	vmov s30  }
0x1fa: {  	_ =	sdelay $0x3  }
0x1fb: {  	[tilespmem:v42+s16+$0x0] =	vst.idx.msk $0xffff, v39;
	s28 =	sadd.s32 $0xD0, s28  }
0x1fc: {  	v39 =	vld [tilespmem:s28+$0xFFFFFFA0];
	_ =	sdelay $0x3  }
0x1fd: {  	v40 =	vld.idx.msk [tilespmem:v41+s13+$0x0], $0xffff  }
0x1fe: {  	v14 =	vsub.f32 v39, v14  }
0x1ff: {  	v59 =	vld.idx.msk [tilespmem:v41+s14+$0x0], $0xffff  }
0x200: {  	v14 =	vmul.f32 v14, v17;
	v17 =	vand.u32 $0x3F, v41  }
0x201: {  	v41 =	vor.u32 v0, v17  }
0x202: {  	v14 =	vmul.f32 v14, v40;
	_ =	sdelay $0x1  }
0x203: {  	v14 =	vadd.f32 v14, v59;
	_ =	sdelay $0x1  }
0x204: {  	[tilespmem:v41+s16+$0x0] =	vst.idx.msk $0xffff, v14  }
0x205: {  	v14 =	vld [tilespmem:s28+$0xFFFFFFB0];
	_ =	sdelay $0x4  }
0x206: {  	v14 =	vsub.f32 v14, v15;
	_ =	sdelay $0x1  }
0x207: {  	v14 =	vmul.f32 v14, v20  }
0x208: {  	v15 =	vor.u32 v1, v17  }
0x209: {  	v14 =	vmul.f32 v14, v40;
	_ =	sdelay $0x1  }
0x20a: {  	v14 =	vadd.f32 v14, v59;
	_ =	sdelay $0x1  }
0x20b: {  	[tilespmem:v15+s16+$0x0] =	vst.idx.msk $0xffff, v14  }
0x20c: {  	v14 =	vld [tilespmem:s28+$0xFFFFFFC0];
	_ =	sdelay $0x4  }
0x20d: {  	v14 =	vsub.f32 v14, v16;
	_ =	sdelay $0x1  }
0x20e: {  	v14 =	vmul.f32 v14, v24  }
0x20f: {  	v15 =	vor.u32 v2, v17  }
0x210: {  	v14 =	vmul.f32 v14, v40;
	_ =	sdelay $0x1  }
0x211: {  	v14 =	vadd.f32 v14, v59;
	_ =	sdelay $0x1  }
0x212: {  	[tilespmem:v15+s16+$0x0] =	vst.idx.msk $0xffff, v14  }
0x213: {  	v14 =	vld [tilespmem:s28+$0xFFFFFFD0];
	_ =	sdelay $0x4  }
0x214: {  	v14 =	vsub.f32 v14, v19;
	_ =	sdelay $0x1  }
0x215: {  	v14 =	vmul.f32 v14, v28  }
0x216: {  	v15 =	vor.u32 v3, v17  }
0x217: {  	v14 =	vmul.f32 v14, v40;
	_ =	sdelay $0x1  }
0x218: {  	v14 =	vadd.f32 v14, v59;
	_ =	sdelay $0x1  }
0x219: {  	[tilespmem:v15+s16+$0x0] =	vst.idx.msk $0xffff, v14  }
0x21a: {  	v14 =	vld [tilespmem:s28+$0xFFFFFFE0];
	_ =	sdelay $0x4  }
0x21b: {  	v14 =	vsub.f32 v14, v23;
	_ =	sdelay $0x1  }
0x21c: {  	v14 =	vmul.f32 v14, v32  }
0x21d: {  	v15 =	vor.u32 v4, v17  }
0x21e: {  	v14 =	vmul.f32 v14, v40;
	_ =	sdelay $0x1  }
0x21f: {  	v14 =	vadd.f32 v14, v59;
	_ =	sdelay $0x1  }
0x220: {  	[tilespmem:v15+s16+$0x0] =	vst.idx.msk $0xffff, v14  }
0x221: {  	v14 =	vld [tilespmem:s28+$0xFFFFFFF0];
	_ =	sdelay $0x4  }
0x222: {  	v14 =	vsub.f32 v14, v27;
	_ =	sdelay $0x1  }
0x223: {  	v14 =	vmul.f32 v14, v36  }
0x224: {  	v15 =	vor.u32 v5, v17  }
0x225: {  	v14 =	vmul.f32 v14, v40;
	_ =	sdelay $0x1  }
0x226: {  	v14 =	vadd.f32 v14, v59;
	_ =	sdelay $0x1  }
0x227: {  	[tilespmem:v15+s16+$0x0] =	vst.idx.msk $0xffff, v14  }
0x228: {  	v14 =	vld [tilespmem:s28+$0x0];
	_ =	sdelay $0x4  }
0x229: {  	v14 =	vsub.f32 v14, v31;
	_ =	sdelay $0x1  }
0x22a: {  	v14 =	vmul.f32 v14, v37  }
0x22b: {  	v15 =	vor.u32 v6, v17  }
0x22c: {  	v14 =	vmul.f32 v14, v40;
	_ =	sdelay $0x1  }
0x22d: {  	v14 =	vadd.f32 v14, v59;
	_ =	sdelay $0x1  }
0x22e: {  	[tilespmem:v15+s16+$0x0] =	vst.idx.msk $0xffff, v14  }
0x22f: {  	v14 =	vld [tilespmem:s28+$0x10];
	_ =	sdelay $0x4  }
0x230: {  	v14 =	vsub.f32 v14, v34;
	_ =	sdelay $0x1  }
0x231: {  	v14 =	vmul.f32 v14, v35  }
0x232: {  	v15 =	vor.u32 v7, v17  }
0x233: {  	v14 =	vmul.f32 v14, v40;
	_ =	sdelay $0x1  }
0x234: {  	v14 =	vadd.f32 v14, v59;
	_ =	sdelay $0x1  }
0x235: {  	[tilespmem:v15+s16+$0x0] =	vst.idx.msk $0xffff, v14  }
0x236: {  	v14 =	vld [tilespmem:s28+$0x20];
	_ =	sdelay $0x4  }
0x237: {  	v14 =	vsub.f32 v14, v33;
	_ =	sdelay $0x1  }
0x238: {  	v14 =	vmul.f32 v14, v30  }
0x239: {  	v15 =	vor.u32 v8, v17  }
0x23a: {  	v14 =	vmul.f32 v14, v40;
	_ =	sdelay $0x1  }
0x23b: {  	v14 =	vadd.f32 v14, v59;
	_ =	sdelay $0x1  }
0x23c: {  	[tilespmem:v15+s16+$0x0] =	vst.idx.msk $0xffff, v14  }
0x23d: {  	v14 =	vld [tilespmem:s28+$0x30];
	_ =	sdelay $0x4  }
0x23e: {  	v14 =	vsub.f32 v14, v29;
	_ =	sdelay $0x1  }
0x23f: {  	v14 =	vmul.f32 v14, v26  }
0x240: {  	v15 =	vor.u32 v9, v17  }
0x241: {  	v14 =	vmul.f32 v14, v40;
	_ =	sdelay $0x1  }
0x242: {  	v14 =	vadd.f32 v14, v59;
	_ =	sdelay $0x1  }
0x243: {  	[tilespmem:v15+s16+$0x0] =	vst.idx.msk $0xffff, v14  }
0x244: {  	v14 =	vld [tilespmem:s28+$0x40];
	_ =	sdelay $0x4  }
0x245: {  	v14 =	vsub.f32 v14, v25;
	_ =	sdelay $0x1  }
0x246: {  	v14 =	vmul.f32 v14, v22  }
0x247: {  	v15 =	vor.u32 v10, v17  }
0x248: {  	v14 =	vmul.f32 v14, v40;
	_ =	sdelay $0x1  }
0x249: {  	v14 =	vadd.f32 v14, v59;
	_ =	sdelay $0x1  }
0x24a: {  	[tilespmem:v15+s16+$0x0] =	vst.idx.msk $0xffff, v14  }
0x24b: {  	v14 =	vld [tilespmem:s28+$0x50];
	_ =	sdelay $0x4  }
0x24c: {  	v14 =	vsub.f32 v14, v21;
	_ =	sdelay $0x1  }
0x24d: {  	v14 =	vmul.f32 v14, v18  }
0x24e: {  	v15 =	vor.u32 v11, v17  }
0x24f: {  	v14 =	vmul.f32 v14, v40;
	_ =	sdelay $0x1  }
0x250: {  	v14 =	vadd.f32 v14, v59;
	_ =	sdelay $0x1  }
0x251: {  	[tilespmem:v15+s16+$0x0] =	vst.idx.msk $0xffff, v14  }
0x252: {  	v14 =	vld [tilespmem:s28+$0x60];
	_ =	sdelay $0x4  }
0x253: {  	v13 =	vsub.f32 v14, v13;
	_ =	sdelay $0x1  }
0x254: {  	v13 =	vmul.f32 v13, v38  }
0x255: {  	v14 =	vor.u32 v12, v17  }
0x256: {  	v13 =	vmul.f32 v13, v40;
	_ =	sdelay $0x1  }
0x257: {  	s28 =	sadd.s32 s5, s26;
	v13 =	vadd.f32 v13, v59  }
0x258: {  	s28 =	sshll.u32 s28, $0x3  }
0x259: {  	s28 =	sadd.s32 s4, s28;
	[tilespmem:v14+s16+$0x0] =	vst.idx.msk $0xffff, v13  }
0x25a: {  	[hbm4b:s28+s6] =	stream.linear.scatter [tilespmem:s16], [sflag:$0x2], $0x3200, $0x38;
	[tilespmem:$0x12E80] =	vst v63  }
0x25b: {  	_ =	swait.ge [sflag:s19], $0x1A00  }
0x25c: {  	[sflag:s19] =	ssyncset.done $0x0  }
0x25d: {  	s28 =	simm.s32 $0x0;
	[sflag:s19] =	ssyncadd.s32 $0xFFFFE600  }
0x25e: {  	v13 =	vmov s28;
	_ =	swait.ge [sflag:s19], $0x1800  }
0x25f: {  	v13 =	vand.u32 $0x3F, v13;
	[sflag:s19] =	ssyncset.done $0x0  }
0x260: {  	v15 =	vbroadcast v13, $0x0;
	[sflag:s19] =	ssyncadd.s32 $0xFFFFE800  }
0x261: {  	p0 =	seq.s32 s24, $0x3F;
	_ =	swait.ge [sflag:s22], $0x3200  }
0x262: {  	s29 =	simm.s32 @!p0 $0x68;
	v13 =	vor.u32 v0, v15;
	[sflag:s22] =	ssyncset.done $0x0  }
0x263: {  	s30 =	simm.s32 @!p0 $0x6400;
	s28 =	sadd.s32 @!p0 $0x190, s26;
	[sflag:s22] =	ssyncadd.s32 $0xFFFFCE00  }
0x264: {  	[tilespmem:s30], [sflag:$0x1] =	stream.indirect.gather @!p0 [hbm4b:s7+s29], $0x40, s28, s29, $0xb8;
	[tilespmem:$0x12E80] =	vst v63  }
0x265: {  	s26 =	sadd.s32 @!p0 $0x1F8, s26;
	s28 =	simm.s32 @!p0 $0x60;
	s29 =	simm.s32 @!p0 $0x7E00  }
0x266: {  	[tilespmem:s29], [sflag:$0x1] =	stream.indirect.gather @!p0 [hbm4b:s7+s28], $0x40, s26, s28, $0xb8;
	[tilespmem:$0x12E80] =	vst v63  }
0x267: {  	s28 =	simm.s32 $0xC860;
	v13 =	vld.idx.msk [tilespmem:v13+s20+$0x0], $0xffff  }
0x268: {  	v14 =	vld [tilespmem:s28+$0xFFFFFFA0];
	_ =	sdelay $0x2  }
0x269: {  	v16 =	vor.u32 v1, v15;
	_ =	sdelay $0x1  }
0x26a: {  	v14 =	vadd.f32 v14, v13  }
0x26b: {  	s26 =	simm.s32 $0xFA60  }
0x26c: {  	[tilespmem:s26+$0xFFFFFFA0] =	vst v14  }
0x26d: {  	v13 =	vld.idx.msk [tilespmem:v16+s20+$0x0], $0xffff  }
0x26e: {  	v16 =	vld [tilespmem:s28+$0xFFFFFFB0];
	_ =	sdelay $0x2  }
0x26f: {  	v17 =	vor.u32 v2, v15;
	_ =	sdelay $0x1  }
0x270: {  	v16 =	vadd.f32 v16, v13;
	_ =	sdelay $0x1  }
0x271: {  	[tilespmem:s26+$0xFFFFFFB0] =	vst v16  }
0x272: {  	v13 =	vld.idx.msk [tilespmem:v17+s20+$0x0], $0xffff  }
0x273: {  	v17 =	vld [tilespmem:s28+$0xFFFFFFC0];
	_ =	sdelay $0x2  }
0x274: {  	v18 =	vor.u32 v3, v15;
	_ =	sdelay $0x1  }
0x275: {  	v19 =	vadd.f32 v17, v13;
	_ =	sdelay $0x1  }
0x276: {  	[tilespmem:s26+$0xFFFFFFC0] =	vst v19  }
0x277: {  	v13 =	vld.idx.msk [tilespmem:v18+s20+$0x0], $0xffff  }
0x278: {  	v17 =	vld [tilespmem:s28+$0xFFFFFFD0];
	_ =	sdelay $0x2  }
0x279: {  	v18 =	vor.u32 v4, v15;
	_ =	sdelay $0x1  }
0x27a: {  	v21 =	vadd.f32 v17, v13;
	_ =	sdelay $0x1  }
0x27b: {  	[tilespmem:s26+$0xFFFFFFD0] =	vst v21  }
0x27c: {  	v13 =	vld.idx.msk [tilespmem:v18+s20+$0x0], $0xffff  }
0x27d: {  	v17 =	vld [tilespmem:s28+$0xFFFFFFE0];
	_ =	sdelay $0x2  }
0x27e: {  	v18 =	vor.u32 v5, v15;
	_ =	sdelay $0x1  }
0x27f: {  	v22 =	vadd.f32 v17, v13;
	_ =	sdelay $0x1  }
0x280: {  	[tilespmem:s26+$0xFFFFFFE0] =	vst v22  }
0x281: {  	v13 =	vld.idx.msk [tilespmem:v18+s20+$0x0], $0xffff  }
0x282: {  	v17 =	vld [tilespmem:s28+$0xFFFFFFF0];
	_ =	sdelay $0x2  }
0x283: {  	v18 =	vor.u32 v6, v15;
	_ =	sdelay $0x1  }
0x284: {  	v25 =	vadd.f32 v17, v13;
	_ =	sdelay $0x1  }
0x285: {  	[tilespmem:s26+$0xFFFFFFF0] =	vst v25  }
0x286: {  	v13 =	vld.idx.msk [tilespmem:v18+s20+$0x0], $0xffff  }
0x287: {  	v17 =	vld [tilespmem:s28+$0x0];
	_ =	sdelay $0x2  }
0x288: {  	v18 =	vor.u32 v7, v15;
	_ =	sdelay $0x1  }
0x289: {  	v26 =	vadd.f32 v17, v13;
	_ =	sdelay $0x1  }
0x28a: {  	[tilespmem:s26+$0x0] =	vst v26  }
0x28b: {  	v13 =	vld.idx.msk [tilespmem:v18+s20+$0x0], $0xffff  }
0x28c: {  	v17 =	vld [tilespmem:s28+$0x10];
	_ =	sdelay $0x2  }
0x28d: {  	v18 =	vor.u32 v8, v15;
	_ =	sdelay $0x1  }
0x28e: {  	v29 =	vadd.f32 v17, v13;
	_ =	sdelay $0x1  }
0x28f: {  	[tilespmem:s26+$0x10] =	vst v29  }
0x290: {  	v13 =	vld.idx.msk [tilespmem:v18+s20+$0x0], $0xffff  }
0x291: {  	v17 =	vld [tilespmem:s28+$0x20];
	_ =	sdelay $0x2  }
0x292: {  	v18 =	vor.u32 v9, v15;
	_ =	sdelay $0x1  }
0x293: {  	v30 =	vadd.f32 v17, v13;
	_ =	sdelay $0x1  }
0x294: {  	[tilespmem:s26+$0x20] =	vst v30  }
0x295: {  	v13 =	vld.idx.msk [tilespmem:v18+s20+$0x0], $0xffff  }
0x296: {  	v17 =	vld [tilespmem:s28+$0x30];
	_ =	sdelay $0x2  }
0x297: {  	v18 =	vor.u32 v10, v15;
	_ =	sdelay $0x1  }
0x298: {  	v60 =	vadd.f32 v17, v13;
	_ =	sdelay $0x1  }
0x299: {  	[tilespmem:s26+$0x30] =	vst v60  }
0x29a: {  	v13 =	vld.idx.msk [tilespmem:v18+s20+$0x0], $0xffff  }
0x29b: {  	v17 =	vld [tilespmem:s28+$0x40];
	_ =	sdelay $0x2  }
0x29c: {  	v18 =	vor.u32 v11, v15;
	_ =	sdelay $0x1  }
0x29d: {  	v61 =	vadd.f32 v17, v13;
	_ =	sdelay $0x1  }
0x29e: {  	[tilespmem:s26+$0x40] =	vst v61  }
0x29f: {  	v18 =	vld.idx.msk [tilespmem:v18+s20+$0x0], $0xffff  }
0x2a0: {  	v23 =	vld [tilespmem:s28+$0x50]  }
0x2a1: {  	v20 =	vmul.f32 v16, v16;
	v13 =	vimm.f32 $0.0e+00  }
0x2a2: {  	v39 =	vadd.f32 v14, v13  }
0x2a3: {  	v27 =	vor.u32 v12, v15;
	v15 =	vadd.f32 v20, v13;
	v20 =	vadd.f32 v19, v13  }
0x2a4: {  	v17 =	vmul.f32 v14, v14;
	v24 =	vadd.f32 v21, v13;
	v28 =	vadd.f32 v22, v13  }
0x2a5: {  	v36 =	vadd.f32 v26, v13;
	v18 =	vadd.f32 v23, v18  }
0x2a6: {  	s29 =	simm.s32 $0x1;
	v14 =	vadd.f32 v17, v13;
	v17 =	vadd.f32 v16, v13;
	v16 =	vmul.f32 v19, v19  }
0x2a7: {  	v19 =	vmul.f32 v21, v21;
	v21 =	vmul.f32 v22, v22;
	v22 =	vmov s29;
	[tilespmem:s26+$0x50] =	vst v18  }
0x2a8: {  	v37 =	vadd.f32 v29, v13;
	v35 =	vadd.f32 v30, v13;
	v22 =	vand.u32 $0x3F, v22;
	v62 =	vld.idx.msk [tilespmem:v27+s20+$0x0], $0xffff  }
0x2a9: {  	v16 =	vadd.f32 v16, v13;
	v23 =	vadd.f32 v21, v13;
	v21 =	vmul.f32 v25, v25;
	v43 =	vld [tilespmem:s28+$0x58]  }
0x2aa: {  	v19 =	vadd.f32 v19, v13;
	v40 =	vbroadcast v22, $0x0;
	v22 =	vmul.f32 v30, v30  }
0x2ab: {  	v30 =	vadd.f32 v60, v13;
	v32 =	vadd.f32 v21, v13;
	v21 =	vmul.f32 v29, v29  }
0x2ac: {  	v44 =	vor.u32 v0, v40;
	v33 =	vadd.f32 v22, v13;
	v27 =	vadd.f32 v25, v13  }
0x2ad: {  	v25 =	vmul.f32 v26, v26;
	v34 =	vadd.f32 v21, v13;
	v21 =	vmul.f32 v60, v60  }
0x2ae: {  	v22 =	vmul.f32 v61, v61;
	v26 =	vadd.f32 v61, v13;
	v63 =	vadd.f32 v43, v62  }
0x2af: {  	v31 =	vadd.f32 v25, v13;
	v29 =	vadd.f32 v21, v13;
	v21 =	vmul.f32 v18, v18  }
0x2b0: {  	v25 =	vadd.f32 v22, v13;
	v22 =	vadd.f32 v18, v13;
	[tilespmem:s26+$0x60] =	vst v63  }
0x2b1: {  	s29 =	simm.s32 $0x2;
	s28 =	simm.s32 $0xC928;
	v21 =	vadd.f32 v21, v13;
	v18 =	vadd.f32 v63, v13;
	v38 =	vmul.f32 v63, v63;
	v41 =	vld.idx.msk [tilespmem:v44+s20+$0x0], $0xffff  }
.LBB2_7:
0x2b2: {  	p0 =	sne.s32 s29, $0x3F  }
0x2b3: {  	v42 =	vld [tilespmem:s28+$0xFFFFFFA0];
	v13 =	vadd.f32 v38, v13;
	s26 =	sadd.s32 $0xD0, s26;
	s30 =	smov.u32 s29;
	s29 =	sadd.s32 $0x1, s29  }
0x2b4: {  	_ =	sdelay $0x1  }
0x2b5: {  	v38 =	vor.u32 v1, v40;
	_ =	sdelay $0x1  }
0x2b6: {  	v41 =	vadd.f32 v42, v41;
	_ =	sdelay $0x1  }
0x2b7: {  	[tilespmem:s26+$0xFFFFFFA0] =	vst v41;
	v39 =	vadd.f32 v41, v39;
	v41 =	vmul.f32 v41, v41  }
0x2b8: {  	v38 =	vld.idx.msk [tilespmem:v38+s20+$0x0], $0xffff  }
0x2b9: {  	v14 =	vadd.f32 v41, v14;
	v41 =	vld [tilespmem:s28+$0xFFFFFFB0];
	_ =	sdelay $0x2  }
0x2ba: {  	v42 =	vor.u32 v2, v40;
	_ =	sdelay $0x1  }
0x2bb: {  	v38 =	vadd.f32 v41, v38;
	_ =	sdelay $0x1  }
0x2bc: {  	[tilespmem:s26+$0xFFFFFFB0] =	vst v38;
	v17 =	vadd.f32 v38, v17;
	v38 =	vmul.f32 v38, v38  }
0x2bd: {  	v41 =	vld.idx.msk [tilespmem:v42+s20+$0x0], $0xffff  }
0x2be: {  	v15 =	vadd.f32 v38, v15;
	v38 =	vld [tilespmem:s28+$0xFFFFFFC0];
	_ =	sdelay $0x2  }
0x2bf: {  	v42 =	vor.u32 v3, v40;
	_ =	sdelay $0x1  }
0x2c0: {  	v38 =	vadd.f32 v38, v41;
	_ =	sdelay $0x1  }
0x2c1: {  	[tilespmem:s26+$0xFFFFFFC0] =	vst v38;
	v20 =	vadd.f32 v38, v20;
	v38 =	vmul.f32 v38, v38  }
0x2c2: {  	v41 =	vld.idx.msk [tilespmem:v42+s20+$0x0], $0xffff  }
0x2c3: {  	v16 =	vadd.f32 v38, v16;
	v38 =	vld [tilespmem:s28+$0xFFFFFFD0];
	_ =	sdelay $0x2  }
0x2c4: {  	v42 =	vor.u32 v4, v40;
	_ =	sdelay $0x1  }
0x2c5: {  	v38 =	vadd.f32 v38, v41;
	_ =	sdelay $0x1  }
0x2c6: {  	[tilespmem:s26+$0xFFFFFFD0] =	vst v38;
	v24 =	vadd.f32 v38, v24;
	v38 =	vmul.f32 v38, v38  }
0x2c7: {  	v41 =	vld.idx.msk [tilespmem:v42+s20+$0x0], $0xffff  }
0x2c8: {  	v19 =	vadd.f32 v38, v19;
	v38 =	vld [tilespmem:s28+$0xFFFFFFE0];
	_ =	sdelay $0x2  }
0x2c9: {  	v42 =	vor.u32 v5, v40;
	_ =	sdelay $0x1  }
0x2ca: {  	v38 =	vadd.f32 v38, v41;
	_ =	sdelay $0x1  }
0x2cb: {  	[tilespmem:s26+$0xFFFFFFE0] =	vst v38;
	v28 =	vadd.f32 v38, v28;
	v38 =	vmul.f32 v38, v38  }
0x2cc: {  	v41 =	vld.idx.msk [tilespmem:v42+s20+$0x0], $0xffff  }
0x2cd: {  	v23 =	vadd.f32 v38, v23;
	v38 =	vld [tilespmem:s28+$0xFFFFFFF0];
	_ =	sdelay $0x2  }
0x2ce: {  	v42 =	vor.u32 v6, v40;
	_ =	sdelay $0x1  }
0x2cf: {  	v38 =	vadd.f32 v38, v41;
	_ =	sdelay $0x1  }
0x2d0: {  	[tilespmem:s26+$0xFFFFFFF0] =	vst v38;
	v27 =	vadd.f32 v38, v27;
	v38 =	vmul.f32 v38, v38  }
0x2d1: {  	v41 =	vld.idx.msk [tilespmem:v42+s20+$0x0], $0xffff  }
0x2d2: {  	v32 =	vadd.f32 v38, v32;
	v38 =	vld [tilespmem:s28+$0x0];
	_ =	sdelay $0x2  }
0x2d3: {  	v42 =	vor.u32 v7, v40;
	_ =	sdelay $0x1  }
0x2d4: {  	v38 =	vadd.f32 v38, v41;
	_ =	sdelay $0x1  }
0x2d5: {  	[tilespmem:s26+$0x0] =	vst v38;
	v36 =	vadd.f32 v38, v36;
	v38 =	vmul.f32 v38, v38  }
0x2d6: {  	v41 =	vld.idx.msk [tilespmem:v42+s20+$0x0], $0xffff  }
0x2d7: {  	v31 =	vadd.f32 v38, v31;
	v38 =	vld [tilespmem:s28+$0x10];
	_ =	sdelay $0x2  }
0x2d8: {  	v42 =	vor.u32 v8, v40;
	_ =	sdelay $0x1  }
0x2d9: {  	v38 =	vadd.f32 v38, v41;
	_ =	sdelay $0x1  }
0x2da: {  	[tilespmem:s26+$0x10] =	vst v38;
	v37 =	vadd.f32 v38, v37;
	v38 =	vmul.f32 v38, v38  }
0x2db: {  	v41 =	vld.idx.msk [tilespmem:v42+s20+$0x0], $0xffff  }
0x2dc: {  	v34 =	vadd.f32 v38, v34;
	v38 =	vld [tilespmem:s28+$0x20];
	_ =	sdelay $0x2  }
0x2dd: {  	v42 =	vor.u32 v9, v40;
	_ =	sdelay $0x1  }
0x2de: {  	v38 =	vadd.f32 v38, v41;
	_ =	sdelay $0x1  }
0x2df: {  	[tilespmem:s26+$0x20] =	vst v38;
	v35 =	vadd.f32 v38, v35;
	v38 =	vmul.f32 v38, v38  }
0x2e0: {  	v41 =	vld.idx.msk [tilespmem:v42+s20+$0x0], $0xffff  }
0x2e1: {  	v33 =	vadd.f32 v38, v33;
	v38 =	vld [tilespmem:s28+$0x30];
	_ =	sdelay $0x2  }
0x2e2: {  	v42 =	vor.u32 v10, v40;
	_ =	sdelay $0x1  }
0x2e3: {  	v38 =	vadd.f32 v38, v41;
	_ =	sdelay $0x1  }
0x2e4: {  	[tilespmem:s26+$0x30] =	vst v38;
	v30 =	vadd.f32 v38, v30;
	v38 =	vmul.f32 v38, v38  }
0x2e5: {  	v41 =	vld.idx.msk [tilespmem:v42+s20+$0x0], $0xffff  }
0x2e6: {  	v29 =	vadd.f32 v38, v29;
	v38 =	vld [tilespmem:s28+$0x40];
	_ =	sdelay $0x2  }
0x2e7: {  	v42 =	vor.u32 v11, v40;
	_ =	sdelay $0x1  }
0x2e8: {  	v38 =	vadd.f32 v38, v41;
	_ =	sdelay $0x1  }
0x2e9: {  	[tilespmem:s26+$0x40] =	vst v38;
	v26 =	vadd.f32 v38, v26;
	v38 =	vmul.f32 v38, v38  }
0x2ea: {  	v41 =	vld.idx.msk [tilespmem:v42+s20+$0x0], $0xffff  }
0x2eb: {  	v25 =	vadd.f32 v38, v25;
	v38 =	vld [tilespmem:s28+$0x50];
	_ =	sdelay $0x2  }
0x2ec: {  	v40 =	vor.u32 v12, v40;
	_ =	sdelay $0x1  }
0x2ed: {  	v38 =	vadd.f32 v38, v41;
	_ =	sdelay $0x1  }
0x2ee: {  	[tilespmem:s26+$0x50] =	vst v38;
	v22 =	vadd.f32 v38, v22;
	v38 =	vmul.f32 v38, v38  }
0x2ef: {  	v41 =	vmov s30;
	v42 =	vld.idx.msk [tilespmem:v40+s20+$0x0], $0xffff  }
0x2f0: {  	v40 =	vand.u32 $0x3F, v41;
	v21 =	vadd.f32 v38, v21;
	v38 =	vld [tilespmem:s28+$0x58]  }
0x2f1: {  	v40 =	vbroadcast v40, $0x0;
	_ =	sdelay $0x1  }
0x2f2: {  	v41 =	vor.u32 v0, v40  }
.Ltmp2:
0x2f3: {  	(pc) =	sbr.rel @p0 .LBB2_7-.Ltmp2, $3  }
0x2f4: {  	v38 =	vadd.f32 v38, v42;
	_ =	sdelay $0x1  }
0x2f5: {  	[tilespmem:s26+$0x60] =	vst v38;
	v18 =	vadd.f32 v38, v18;
	v38 =	vmul.f32 v38, v38  }
0x2f6: {  	s28 =	sadd.s32 $0xC8, s28;
	v41 =	vld.idx.msk [tilespmem:v41+s20+$0x0], $0xffff  }
0x2f7: {  	v42 =	vld [tilespmem:s28+$0xFFFFFFA0];
	_ =	sdelay $0x2  }
0x2f8: {  	v43 =	vor.u32 v1, v40;
	_ =	sdelay $0x1  }
0x2f9: {  	v41 =	vadd.f32 v42, v41  }
0x2fa: {  	s26 =	sadd.s32 $0xD0, s26  }
0x2fb: {  	[tilespmem:s26+$0xFFFFFFA0] =	vst v41  }
0x2fc: {  	v51 =	vld.idx.msk [tilespmem:v43+s20+$0x0], $0xffff  }
0x2fd: {  	v52 =	vld [tilespmem:s28+$0xFFFFFFB0];
	_ =	sdelay $0x2  }
0x2fe: {  	v44 =	vor.u32 v2, v40;
	_ =	sdelay $0x1  }
0x2ff: {  	v42 =	vadd.f32 v52, v51;
	_ =	sdelay $0x1  }
0x300: {  	[tilespmem:s26+$0xFFFFFFB0] =	vst v42  }
0x301: {  	v53 =	vld.idx.msk [tilespmem:v44+s20+$0x0], $0xffff  }
0x302: {  	v54 =	vld [tilespmem:s28+$0xFFFFFFC0];
	_ =	sdelay $0x2  }
0x303: {  	v45 =	vor.u32 v3, v40;
	_ =	sdelay $0x1  }
0x304: {  	v51 =	vadd.f32 v54, v53;
	_ =	sdelay $0x1  }
0x305: {  	[tilespmem:s26+$0xFFFFFFC0] =	vst v51  }
0x306: {  	v55 =	vld.idx.msk [tilespmem:v45+s20+$0x0], $0xffff  }
0x307: {  	v56 =	vld [tilespmem:s28+$0xFFFFFFD0];
	_ =	sdelay $0x2  }
0x308: {  	v57 =	vor.u32 v4, v40;
	_ =	sdelay $0x1  }
0x309: {  	v52 =	vadd.f32 v56, v55;
	_ =	sdelay $0x1  }
0x30a: {  	[tilespmem:s26+$0xFFFFFFD0] =	vst v52  }
0x30b: {  	v58 =	vld.idx.msk [tilespmem:v57+s20+$0x0], $0xffff  }
0x30c: {  	v59 =	vld [tilespmem:s28+$0xFFFFFFE0];
	_ =	sdelay $0x2  }
0x30d: {  	v60 =	vor.u32 v5, v40;
	_ =	sdelay $0x1  }
0x30e: {  	v50 =	vadd.f32 v59, v58;
	_ =	sdelay $0x1  }
0x30f: {  	[tilespmem:s26+$0xFFFFFFE0] =	vst v50  }
0x310: {  	v61 =	vld.idx.msk [tilespmem:v60+s20+$0x0], $0xffff  }
0x311: {  	v62 =	vld [tilespmem:s28+$0xFFFFFFF0];
	_ =	sdelay $0x2  }
0x312: {  	v63 =	vor.u32 v6, v40;
	_ =	sdelay $0x1  }
0x313: {  	v49 =	vadd.f32 v62, v61;
	_ =	sdelay $0x1  }
0x314: {  	[tilespmem:s26+$0xFFFFFFF0] =	vst v49  }
0x315: {  	v48 =	vld.idx.msk [tilespmem:v63+s20+$0x0], $0xffff  }
0x316: {  	v53 =	vld [tilespmem:s28+$0x0];
	_ =	sdelay $0x2  }
0x317: {  	v54 =	vor.u32 v7, v40;
	_ =	sdelay $0x1  }
0x318: {  	v48 =	vadd.f32 v53, v48;
	_ =	sdelay $0x1  }
0x319: {  	[tilespmem:s26+$0x0] =	vst v48  }
0x31a: {  	v55 =	vld.idx.msk [tilespmem:v54+s20+$0x0], $0xffff  }
0x31b: {  	v56 =	vld [tilespmem:s28+$0x10];
	_ =	sdelay $0x2  }
0x31c: {  	v57 =	vor.u32 v8, v40;
	_ =	sdelay $0x1  }
0x31d: {  	v47 =	vadd.f32 v56, v55;
	_ =	sdelay $0x1  }
0x31e: {  	[tilespmem:s26+$0x10] =	vst v47  }
0x31f: {  	v58 =	vld.idx.msk [tilespmem:v57+s20+$0x0], $0xffff  }
0x320: {  	v59 =	vld [tilespmem:s28+$0x20];
	_ =	sdelay $0x2  }
0x321: {  	v60 =	vor.u32 v9, v40;
	_ =	sdelay $0x1  }
0x322: {  	v46 =	vadd.f32 v59, v58;
	_ =	sdelay $0x1  }
0x323: {  	[tilespmem:s26+$0x20] =	vst v46  }
0x324: {  	v61 =	vld.idx.msk [tilespmem:v60+s20+$0x0], $0xffff  }
0x325: {  	v62 =	vld [tilespmem:s28+$0x30];
	_ =	sdelay $0x2  }
0x326: {  	v53 =	vor.u32 v10, v40;
	_ =	sdelay $0x1  }
0x327: {  	v45 =	vadd.f32 v62, v61;
	_ =	sdelay $0x1  }
0x328: {  	[tilespmem:s26+$0x30] =	vst v45  }
0x329: {  	v63 =	vld.idx.msk [tilespmem:v53+s20+$0x0], $0xffff  }
0x32a: {  	v56 =	vld [tilespmem:s28+$0x40];
	_ =	sdelay $0x2  }
0x32b: {  	v57 =	vor.u32 v11, v40;
	_ =	sdelay $0x1  }
0x32c: {  	v39 =	vadd.f32 v41, v39;
	v41 =	vmul.f32 v41, v41;
	v44 =	vadd.f32 v56, v63;
	_ =	sdelay $0x1  }
0x32d: {  	v41 =	vadd.f32 v41, v14;
	v14 =	vmul.f32 $1.562500000e-02, v39;
	[tilespmem:s26+$0x40] =	vst v44  }
0x32e: {  	v58 =	vld.idx.msk [tilespmem:v57+s20+$0x0], $0xffff  }
0x32f: {  	v41 =	vmul.f32 $1.562500000e-02, v41;
	v60 =	vmul.f32 v14, v14;
	v59 =	vld [tilespmem:s28+$0x50];
	_ =	sdelay $0x1  }
0x330: {  	v41 =	vsub.f32 v41, v60  }
0x331: {  	v61 =	vor.u32 v12, v40  }
0x332: {  	v41 =	vadd.f32 $9.999999740e-06, v41  }
0x333: {  	v43 =	vadd.f32 v59, v58  }
0x334: {  	v62 =	vshra.s32 v41, $0x1;
	v41 =	vmul.f32 $5.000000000e-01, v41  }
0x335: {  	v39 =	vsub.s32 $0x5F3759DF, v62;
	[tilespmem:s26+$0x50] =	vst v43  }
0x336: {  	v63 =	vmul.f32 v39, v41;
	v40 =	vld.idx.msk [tilespmem:v61+s20+$0x0], $0xffff  }
0x337: {  	v17 =	vadd.f32 v42, v17;
	v42 =	vmul.f32 v42, v42;
	v54 =	vld [tilespmem:s28+$0x58]  }
0x338: {  	v53 =	vmul.f32 v39, v63  }
0x339: {  	v42 =	vadd.f32 v42, v15;
	v15 =	vmul.f32 $1.562500000e-02, v17  }
0x33a: {  	v17 =	vsub.f32 $1.500000000e+00, v53  }
0x33b: {  	v55 =	vmul.f32 v15, v15  }
0x33c: {  	v57 =	vmul.f32 $1.562500000e-02, v42;
	v17 =	vmul.f32 v39, v17;
	v42 =	vadd.f32 v54, v40  }
0x33d: {  	s28 =	simm.s32 $0x0  }
0x33e: {  	v58 =	vsub.f32 v57, v55;
	v59 =	vmul.f32 v17, v41;
	v60 =	vmov s28;
	[tilespmem:s26+$0x60] =	vst v42;
	s26 =	simm.s32 $0xFA60  }
0x33f: {  	v61 =	vld [tilespmem:s26+$0xFFFFFFA0]  }
0x340: {  	v39 =	vadd.f32 $9.999999740e-06, v58;
	v40 =	vmul.f32 v59, v17;
	_ =	sdelay $0x1  }
0x341: {  	v62 =	vshra.s32 v39, $0x1;
	v63 =	vmul.f32 $5.000000000e-01, v39;
	v40 =	vsub.f32 $1.500000000e+00, v40  }
0x342: {  	v54 =	vsub.s32 $0x5F3759DF, v62;
	v39 =	vld.idx.msk [tilespmem:v60+s13+$0x0], $0xffff  }
0x343: {  	v56 =	vmul.f32 v54, v63;
	v17 =	vmul.f32 v40, v17;
	v53 =	vsub.f32 v61, v14  }
0x344: {  	v20 =	vadd.f32 v51, v20;
	v51 =	vmul.f32 v51, v51;
	v40 =	vld.idx.msk [tilespmem:v60+s14+$0x0], $0xffff  }
0x345: {  	v41 =	vand.u32 $0x3F, v60;
	v56 =	vmul.f32 v54, v56;
	v53 =	vmul.f32 v53, v17  }
0x346: {  	v51 =	vadd.f32 v51, v16;
	v57 =	vor.u32 v0, v41  }
0x347: {  	v16 =	vmul.f32 $1.562500000e-02, v20;
	v56 =	vsub.f32 $1.500000000e+00, v56;
	v20 =	vmul.f32 v53, v39  }
0x348: {  	v51 =	vmul.f32 $1.562500000e-02, v51  }
0x349: {  	v59 =	vmul.f32 v16, v16;
	v58 =	vmul.f32 v54, v56;
	v20 =	vadd.f32 v20, v40;
	_ =	sdelay $0x1  }
0x34a: {  	v51 =	vsub.f32 v51, v59;
	v55 =	vmul.f32 v58, v63;
	[tilespmem:v57+s20+$0x0] =	vst.idx.msk $0xffff, v20  }
0x34b: {  	v60 =	vld [tilespmem:s26+$0xFFFFFFB0]  }
0x34c: {  	v51 =	vadd.f32 $9.999999740e-06, v51;
	v20 =	vmul.f32 v55, v58;
	_ =	sdelay $0x1  }
0x34d: {  	v61 =	vshra.s32 v51, $0x1;
	v51 =	vmul.f32 $5.000000000e-01, v51;
	v20 =	vsub.f32 $1.500000000e+00, v20  }
0x34e: {  	v55 =	vsub.s32 $0x5F3759DF, v61  }
0x34f: {  	v62 =	vmul.f32 v55, v51;
	v20 =	vmul.f32 v20, v58;
	v54 =	vsub.f32 v60, v15  }
0x350: {  	v24 =	vadd.f32 v52, v24;
	v52 =	vmul.f32 v52, v52  }
0x351: {  	v53 =	vmul.f32 v55, v62;
	v54 =	vmul.f32 v54, v20  }
0x352: {  	v52 =	vadd.f32 v52, v19;
	v19 =	vmul.f32 $1.562500000e-02, v24;
	v24 =	vor.u32 v1, v41  }
0x353: {  	v53 =	vsub.f32 $1.500000000e+00, v53;
	v54 =	vmul.f32 v54, v39  }
0x354: {  	v52 =	vmul.f32 $1.562500000e-02, v52  }
0x355: {  	v63 =	vmul.f32 v19, v19;
	v53 =	vmul.f32 v55, v53;
	v54 =	vadd.f32 v54, v40;
	_ =	sdelay $0x1  }
0x356: {  	v52 =	vsub.f32 v52, v63;
	v51 =	vmul.f32 v53, v51;
	[tilespmem:v24+s20+$0x0] =	vst.idx.msk $0xffff, v54  }
0x357: {  	v58 =	vld [tilespmem:s26+$0xFFFFFFC0]  }
0x358: {  	v51 =	vmul.f32 v51, v53;
	v24 =	vadd.f32 $9.999999740e-06, v52;
	_ =	sdelay $0x1  }
0x359: {  	v59 =	vshra.s32 v24, $0x1;
	v60 =	vmul.f32 $5.000000000e-01, v24;
	v24 =	vsub.f32 $1.500000000e+00, v51  }
0x35a: {  	v61 =	vsub.s32 $0x5F3759DF, v59  }
0x35b: {  	v54 =	vmul.f32 v61, v60;
	v24 =	vmul.f32 v24, v53;
	v52 =	vsub.f32 v58, v16  }
0x35c: {  	v28 =	vadd.f32 v50, v28;
	v50 =	vmul.f32 v50, v50  }
0x35d: {  	v62 =	vmul.f32 v61, v54;
	v52 =	vmul.f32 v52, v24  }
0x35e: {  	v50 =	vadd.f32 v50, v23;
	v63 =	vor.u32 v2, v41  }
0x35f: {  	v23 =	vmul.f32 $1.562500000e-02, v28;
	v53 =	vsub.f32 $1.500000000e+00, v62;
	v28 =	vmul.f32 v52, v39  }
0x360: {  	v50 =	vmul.f32 $1.562500000e-02, v50  }
0x361: {  	v57 =	vmul.f32 v23, v23;
	v51 =	vmul.f32 v61, v53;
	v28 =	vadd.f32 v28, v40;
	_ =	sdelay $0x1  }
0x362: {  	v50 =	vsub.f32 v50, v57;
	v53 =	vmul.f32 v51, v60;
	[tilespmem:v63+s20+$0x0] =	vst.idx.msk $0xffff, v28  }
0x363: {  	v58 =	vld [tilespmem:s26+$0xFFFFFFD0]  }
0x364: {  	v50 =	vadd.f32 $9.999999740e-06, v50;
	v28 =	vmul.f32 v53, v51;
	_ =	sdelay $0x1  }
0x365: {  	v59 =	vshra.s32 v50, $0x1;
	v50 =	vmul.f32 $5.000000000e-01, v50;
	v28 =	vsub.f32 $1.500000000e+00, v28  }
0x366: {  	v53 =	vsub.s32 $0x5F3759DF, v59  }
0x367: {  	v60 =	vmul.f32 v53, v50;
	v28 =	vmul.f32 v28, v51;
	v52 =	vsub.f32 v58, v19  }
0x368: {  	v27 =	vadd.f32 v49, v27;
	v49 =	vmul.f32 v49, v49  }
0x369: {  	v51 =	vmul.f32 v53, v60;
	v52 =	vmul.f32 v52, v28  }
0x36a: {  	v32 =	vadd.f32 v49, v32;
	v61 =	vor.u32 v3, v41  }
0x36b: {  	v27 =	vmul.f32 $1.562500000e-02, v27;
	v51 =	vsub.f32 $1.500000000e+00, v51;
	v52 =	vmul.f32 v52, v39  }
0x36c: {  	v32 =	vmul.f32 $1.562500000e-02, v32  }
0x36d: {  	v62 =	vmul.f32 v27, v27;
	v51 =	vmul.f32 v53, v51;
	v52 =	vadd.f32 v52, v40;
	_ =	sdelay $0x1  }
0x36e: {  	v32 =	vsub.f32 v32, v62;
	v50 =	vmul.f32 v51, v50;
	[tilespmem:v61+s20+$0x0] =	vst.idx.msk $0xffff, v52  }
0x36f: {  	v49 =	vld [tilespmem:s26+$0xFFFFFFE0]  }
0x370: {  	v32 =	vadd.f32 $9.999999740e-06, v32;
	v50 =	vmul.f32 v50, v51;
	_ =	sdelay $0x1  }
0x371: {  	v63 =	vshra.s32 v32, $0x1;
	v56 =	vmul.f32 $5.000000000e-01, v32;
	v57 =	vsub.f32 $1.500000000e+00, v50  }
0x372: {  	v58 =	vsub.s32 $0x5F3759DF, v63  }
0x373: {  	v52 =	vmul.f32 v58, v56;
	v32 =	vmul.f32 v57, v51;
	v49 =	vsub.f32 v49, v23  }
0x374: {  	v36 =	vadd.f32 v48, v36;
	v48 =	vmul.f32 v48, v48  }
0x375: {  	v59 =	vmul.f32 v58, v52;
	v49 =	vmul.f32 v49, v32  }
0x376: {  	v48 =	vadd.f32 v48, v31;
	v60 =	vor.u32 v4, v41  }
0x377: {  	v31 =	vmul.f32 $1.562500000e-02, v36;
	v51 =	vsub.f32 $1.500000000e+00, v59;
	v61 =	vmul.f32 v49, v39  }
0x378: {  	v48 =	vmul.f32 $1.562500000e-02, v48  }
0x379: {  	v63 =	vmul.f32 v31, v31;
	v62 =	vmul.f32 v58, v51;
	v36 =	vadd.f32 v61, v40;
	_ =	sdelay $0x1  }
0x37a: {  	v48 =	vsub.f32 v48, v63;
	v51 =	vmul.f32 v62, v56;
	[tilespmem:v60+s20+$0x0] =	vst.idx.msk $0xffff, v36  }
0x37b: {  	v54 =	vld [tilespmem:s26+$0xFFFFFFF0]  }
0x37c: {  	v48 =	vadd.f32 $9.999999740e-06, v48;
	v55 =	vmul.f32 v51, v62;
	_ =	sdelay $0x1  }
0x37d: {  	v56 =	vshra.s32 v48, $0x1;
	v48 =	vmul.f32 $5.000000000e-01, v48;
	v36 =	vsub.f32 $1.500000000e+00, v55  }
0x37e: {  	v51 =	vsub.s32 $0x5F3759DF, v56  }
0x37f: {  	v57 =	vmul.f32 v51, v48;
	v36 =	vmul.f32 v36, v62;
	v50 =	vsub.f32 v54, v27  }
0x380: {  	v37 =	vadd.f32 v47, v37;
	v47 =	vmul.f32 v47, v47  }
0x381: {  	v49 =	vmul.f32 v51, v57;
	v50 =	vmul.f32 v50, v36  }
0x382: {  	v47 =	vadd.f32 v47, v34;
	v58 =	vor.u32 v5, v41  }
0x383: {  	v34 =	vmul.f32 $1.562500000e-02, v37;
	v49 =	vsub.f32 $1.500000000e+00, v49;
	v50 =	vmul.f32 v50, v39  }
0x384: {  	v47 =	vmul.f32 $1.562500000e-02, v47  }
0x385: {  	v59 =	vmul.f32 v34, v34;
	v49 =	vmul.f32 v51, v49;
	v50 =	vadd.f32 v50, v40;
	_ =	sdelay $0x1  }
0x386: {  	v47 =	vsub.f32 v47, v59;
	v48 =	vmul.f32 v49, v48;
	[tilespmem:v58+s20+$0x0] =	vst.idx.msk $0xffff, v50  }
0x387: {  	v61 =	vld [tilespmem:s26+$0x0]  }
0x388: {  	v60 =	vadd.f32 $9.999999740e-06, v47;
	v48 =	vmul.f32 v48, v49;
	_ =	sdelay $0x1  }
0x389: {  	v62 =	vshra.s32 v60, $0x1;
	v63 =	vmul.f32 $5.000000000e-01, v60;
	v52 =	vsub.f32 $1.500000000e+00, v48  }
0x38a: {  	v53 =	vsub.s32 $0x5F3759DF, v62  }
0x38b: {  	v37 =	vmul.f32 v52, v49;
	v50 =	vmul.f32 v53, v63;
	v47 =	vsub.f32 v61, v31  }
0x38c: {  	v35 =	vadd.f32 v46, v35;
	v46 =	vmul.f32 v46, v46  }
0x38d: {  	v54 =	vmul.f32 v53, v50;
	v47 =	vmul.f32 v47, v37  }
0x38e: {  	v46 =	vadd.f32 v46, v33;
	v55 =	vor.u32 v6, v41  }
0x38f: {  	v33 =	vmul.f32 $1.562500000e-02, v35;
	v49 =	vsub.f32 $1.500000000e+00, v54;
	v56 =	vmul.f32 v47, v39  }
0x390: {  	v46 =	vmul.f32 $1.562500000e-02, v46  }
0x391: {  	v58 =	vmul.f32 v33, v33;
	v57 =	vmul.f32 v53, v49;
	v35 =	vadd.f32 v56, v40;
	_ =	sdelay $0x1  }
0x392: {  	v46 =	vsub.f32 v46, v58;
	v49 =	vmul.f32 v57, v63;
	[tilespmem:v55+s20+$0x0] =	vst.idx.msk $0xffff, v35  }
0x393: {  	v59 =	vld [tilespmem:s26+$0x10]  }
0x394: {  	v46 =	vadd.f32 $9.999999740e-06, v46;
	v60 =	vmul.f32 v49, v57;
	_ =	sdelay $0x1  }
0x395: {  	v61 =	vshra.s32 v46, $0x1;
	v46 =	vmul.f32 $5.000000000e-01, v46;
	v35 =	vsub.f32 $1.500000000e+00, v60  }
0x396: {  	v49 =	vsub.s32 $0x5F3759DF, v61  }
0x397: {  	v62 =	vmul.f32 v49, v46;
	v35 =	vmul.f32 v35, v57;
	v48 =	vsub.f32 v59, v34  }
0x398: {  	v30 =	vadd.f32 v45, v30;
	v45 =	vmul.f32 v45, v45  }
0x399: {  	v47 =	vmul.f32 v49, v62;
	v48 =	vmul.f32 v48, v35  }
0x39a: {  	v45 =	vadd.f32 v45, v29;
	v29 =	vmul.f32 $1.562500000e-02, v30;
	v30 =	vor.u32 v7, v41  }
0x39b: {  	v47 =	vsub.f32 $1.500000000e+00, v47;
	v48 =	vmul.f32 v48, v39  }
0x39c: {  	v45 =	vmul.f32 $1.562500000e-02, v45  }
0x39d: {  	v63 =	vmul.f32 v29, v29;
	v47 =	vmul.f32 v49, v47;
	v48 =	vadd.f32 v48, v40;
	_ =	sdelay $0x1  }
0x39e: {  	v45 =	vsub.f32 v45, v63;
	v46 =	vmul.f32 v47, v46;
	[tilespmem:v30+s20+$0x0] =	vst.idx.msk $0xffff, v48  }
0x39f: {  	v52 =	vld [tilespmem:s26+$0x20]  }
0x3a0: {  	v46 =	vmul.f32 v46, v47;
	v30 =	vadd.f32 $9.999999740e-06, v45;
	_ =	sdelay $0x1  }
0x3a1: {  	v53 =	vshra.s32 v30, $0x1;
	v54 =	vmul.f32 $5.000000000e-01, v30;
	v30 =	vsub.f32 $1.500000000e+00, v46  }
0x3a2: {  	v55 =	vsub.s32 $0x5F3759DF, v53  }
0x3a3: {  	v48 =	vmul.f32 v55, v54;
	v30 =	vmul.f32 v30, v47;
	v45 =	vsub.f32 v52, v33  }
0x3a4: {  	v26 =	vadd.f32 v44, v26;
	v44 =	vmul.f32 v44, v44  }
0x3a5: {  	v56 =	vmul.f32 v55, v48;
	v45 =	vmul.f32 v45, v30  }
0x3a6: {  	v44 =	vadd.f32 v44, v25;
	v57 =	vor.u32 v8, v41  }
0x3a7: {  	v25 =	vmul.f32 $1.562500000e-02, v26;
	v47 =	vsub.f32 $1.500000000e+00, v56;
	v26 =	vmul.f32 v45, v39  }
0x3a8: {  	v44 =	vmul.f32 $1.562500000e-02, v44  }
0x3a9: {  	v59 =	vmul.f32 v25, v25;
	v58 =	vmul.f32 v55, v47;
	v26 =	vadd.f32 v26, v40;
	_ =	sdelay $0x1  }
0x3aa: {  	v44 =	vsub.f32 v44, v59;
	v47 =	vmul.f32 v58, v54;
	[tilespmem:v57+s20+$0x0] =	vst.idx.msk $0xffff, v26  }
0x3ab: {  	v60 =	vld [tilespmem:s26+$0x30]  }
0x3ac: {  	v44 =	vadd.f32 $9.999999740e-06, v44;
	v26 =	vmul.f32 v47, v58;
	_ =	sdelay $0x1  }
0x3ad: {  	v61 =	vshra.s32 v44, $0x1;
	v44 =	vmul.f32 $5.000000000e-01, v44;
	v26 =	vsub.f32 $1.500000000e+00, v26  }
0x3ae: {  	v47 =	vsub.s32 $0x5F3759DF, v61  }
0x3af: {  	v62 =	vmul.f32 v47, v44;
	v26 =	vmul.f32 v26, v58;
	v46 =	vsub.f32 v60, v29  }
0x3b0: {  	v22 =	vadd.f32 v43, v22;
	v43 =	vmul.f32 v43, v43  }
0x3b1: {  	v45 =	vmul.f32 v47, v62;
	v46 =	vmul.f32 v46, v26  }
0x3b2: {  	v43 =	vadd.f32 v43, v21;
	v21 =	vmul.f32 $1.562500000e-02, v22;
	v22 =	vor.u32 v9, v41  }
0x3b3: {  	v45 =	vsub.f32 $1.500000000e+00, v45;
	v46 =	vmul.f32 v46, v39  }
0x3b4: {  	v43 =	vmul.f32 $1.562500000e-02, v43  }
0x3b5: {  	v63 =	vmul.f32 v21, v21;
	v45 =	vmul.f32 v47, v45;
	v46 =	vadd.f32 v46, v40;
	_ =	sdelay $0x1  }
0x3b6: {  	v43 =	vsub.f32 v43, v63;
	v44 =	vmul.f32 v45, v44;
	[tilespmem:v22+s20+$0x0] =	vst.idx.msk $0xffff, v46  }
0x3b7: {  	v52 =	vld [tilespmem:s26+$0x40]  }
0x3b8: {  	v44 =	vmul.f32 v44, v45;
	v22 =	vadd.f32 $9.999999740e-06, v43;
	_ =	sdelay $0x1  }
0x3b9: {  	v53 =	vshra.s32 v22, $0x1;
	v54 =	vmul.f32 $5.000000000e-01, v22;
	v22 =	vsub.f32 $1.500000000e+00, v44  }
0x3ba: {  	v55 =	vsub.s32 $0x5F3759DF, v53  }
0x3bb: {  	v46 =	vmul.f32 v55, v54;
	v22 =	vmul.f32 v22, v45;
	v43 =	vsub.f32 v52, v25  }
0x3bc: {  	v13 =	vadd.f32 v38, v13;
	v18 =	vadd.f32 v42, v18;
	v42 =	vmul.f32 v42, v42  }
0x3bd: {  	v56 =	vmul.f32 v55, v46;
	v43 =	vmul.f32 v43, v22  }
0x3be: {  	v42 =	vadd.f32 v42, v13;
	v57 =	vor.u32 v10, v41  }
0x3bf: {  	v13 =	vmul.f32 $1.562500000e-02, v18;
	v38 =	vsub.f32 $1.500000000e+00, v56;
	v18 =	vmul.f32 v43, v39  }
0x3c0: {  	v42 =	vmul.f32 $1.562500000e-02, v42  }
0x3c1: {  	v58 =	vmul.f32 v13, v13;
	v38 =	vmul.f32 v55, v38;
	v18 =	vadd.f32 v18, v40;
	_ =	sdelay $0x1  }
0x3c2: {  	v42 =	vsub.f32 v42, v58;
	v44 =	vmul.f32 v38, v54;
	[tilespmem:v57+s20+$0x0] =	vst.idx.msk $0xffff, v18  }
0x3c3: {  	v59 =	vld [tilespmem:s26+$0x50]  }
0x3c4: {  	v42 =	vadd.f32 $9.999999740e-06, v42;
	v18 =	vmul.f32 v44, v38;
	_ =	sdelay $0x1  }
0x3c5: {  	v60 =	vshra.s32 v42, $0x1;
	v42 =	vmul.f32 $5.000000000e-01, v42;
	v18 =	vsub.f32 $1.500000000e+00, v18  }
0x3c6: {  	v44 =	vsub.s32 $0x5F3759DF, v60  }
0x3c7: {  	v61 =	vmul.f32 v44, v42;
	v18 =	vmul.f32 v18, v38;
	v43 =	vsub.f32 v59, v21;
	_ =	sdelay $0x1  }
0x3c8: {  	v38 =	vmul.f32 v44, v61;
	v43 =	vmul.f32 v43, v18  }
0x3c9: {  	v62 =	vor.u32 v11, v41  }
0x3ca: {  	v38 =	vsub.f32 $1.500000000e+00, v38;
	v43 =	vmul.f32 v43, v39;
	_ =	sdelay $0x1  }
0x3cb: {  	v38 =	vmul.f32 v44, v38;
	v43 =	vadd.f32 v43, v40;
	_ =	sdelay $0x1  }
0x3cc: {  	v42 =	vmul.f32 v38, v42;
	[tilespmem:v62+s20+$0x0] =	vst.idx.msk $0xffff, v43  }
0x3cd: {  	v43 =	vld [tilespmem:s26+$0x60]  }
0x3ce: {  	v42 =	vmul.f32 v42, v38;
	_ =	sdelay $0x1  }
0x3cf: {  	v42 =	vsub.f32 $1.500000000e+00, v42;
	_ =	sdelay $0x1  }
0x3d0: {  	v38 =	vmul.f32 v42, v38;
	v63 =	vsub.f32 v43, v13;
	_ =	sdelay $0x1  }
0x3d1: {  	v42 =	vmul.f32 v63, v38;
	_ =	sdelay $0x1  }
0x3d2: {  	v39 =	vmul.f32 v42, v39;
	v42 =	vor.u32 v12, v41;
	_ =	sdelay $0x1  }
0x3d3: {  	s29 =	simm.s32 $0x1  }
0x3d4: {  	s28 =	simm.s32 $0x2;
	v41 =	vmov s29;
	v39 =	vadd.f32 v39, v40  }
.LBB2_9:
0x3d5: {  	p0 =	sne.s32 s28, $0x3F  }
0x3d6: {  	[tilespmem:v42+s20+$0x0] =	vst.idx.msk $0xffff, v39;
	s26 =	sadd.s32 $0xD0, s26;
	s29 =	smov.u32 s28;
	s28 =	sadd.s32 $0x1, s28  }
0x3d7: {  	v42 =	vld [tilespmem:s26+$0xFFFFFFA0];
	_ =	sdelay $0x2  }
0x3d8: {  	v39 =	vld.idx.msk [tilespmem:v41+s13+$0x0], $0xffff;
	_ =	sdelay $0x1  }
0x3d9: {  	v40 =	vld.idx.msk [tilespmem:v41+s14+$0x0], $0xffff;
	v42 =	vsub.f32 v42, v14;
	_ =	sdelay $0x1  }
0x3da: {  	v41 =	vand.u32 $0x3F, v41;
	v42 =	vmul.f32 v42, v17  }
0x3db: {  	v43 =	vor.u32 v0, v41  }
0x3dc: {  	v42 =	vmul.f32 v42, v39;
	_ =	sdelay $0x1  }
0x3dd: {  	v42 =	vadd.f32 v42, v40;
	_ =	sdelay $0x1  }
0x3de: {  	[tilespmem:v43+s20+$0x0] =	vst.idx.msk $0xffff, v42  }
0x3df: {  	v42 =	vld [tilespmem:s26+$0xFFFFFFB0];
	_ =	sdelay $0x4  }
0x3e0: {  	v42 =	vsub.f32 v42, v15;
	_ =	sdelay $0x1  }
0x3e1: {  	v42 =	vmul.f32 v42, v20  }
0x3e2: {  	v43 =	vor.u32 v1, v41  }
0x3e3: {  	v42 =	vmul.f32 v42, v39;
	_ =	sdelay $0x1  }
0x3e4: {  	v42 =	vadd.f32 v42, v40;
	_ =	sdelay $0x1  }
0x3e5: {  	[tilespmem:v43+s20+$0x0] =	vst.idx.msk $0xffff, v42  }
0x3e6: {  	v42 =	vld [tilespmem:s26+$0xFFFFFFC0];
	_ =	sdelay $0x4  }
0x3e7: {  	v42 =	vsub.f32 v42, v16;
	_ =	sdelay $0x1  }
0x3e8: {  	v42 =	vmul.f32 v42, v24  }
0x3e9: {  	v43 =	vor.u32 v2, v41  }
0x3ea: {  	v42 =	vmul.f32 v42, v39;
	_ =	sdelay $0x1  }
0x3eb: {  	v42 =	vadd.f32 v42, v40;
	_ =	sdelay $0x1  }
0x3ec: {  	[tilespmem:v43+s20+$0x0] =	vst.idx.msk $0xffff, v42  }
0x3ed: {  	v42 =	vld [tilespmem:s26+$0xFFFFFFD0];
	_ =	sdelay $0x4  }
0x3ee: {  	v42 =	vsub.f32 v42, v19;
	_ =	sdelay $0x1  }
0x3ef: {  	v42 =	vmul.f32 v42, v28  }
0x3f0: {  	v43 =	vor.u32 v3, v41  }
0x3f1: {  	v42 =	vmul.f32 v42, v39;
	_ =	sdelay $0x1  }
0x3f2: {  	v42 =	vadd.f32 v42, v40;
	_ =	sdelay $0x1  }
0x3f3: {  	[tilespmem:v43+s20+$0x0] =	vst.idx.msk $0xffff, v42  }
0x3f4: {  	v42 =	vld [tilespmem:s26+$0xFFFFFFE0];
	_ =	sdelay $0x4  }
0x3f5: {  	v42 =	vsub.f32 v42, v23;
	_ =	sdelay $0x1  }
0x3f6: {  	v42 =	vmul.f32 v42, v32  }
0x3f7: {  	v43 =	vor.u32 v4, v41  }
0x3f8: {  	v42 =	vmul.f32 v42, v39;
	_ =	sdelay $0x1  }
0x3f9: {  	v42 =	vadd.f32 v42, v40;
	_ =	sdelay $0x1  }
0x3fa: {  	[tilespmem:v43+s20+$0x0] =	vst.idx.msk $0xffff, v42  }
0x3fb: {  	v42 =	vld [tilespmem:s26+$0xFFFFFFF0];
	_ =	sdelay $0x4  }
0x3fc: {  	v42 =	vsub.f32 v42, v27;
	_ =	sdelay $0x1  }
0x3fd: {  	v42 =	vmul.f32 v42, v36  }
0x3fe: {  	v43 =	vor.u32 v5, v41  }
0x3ff: {  	v42 =	vmul.f32 v42, v39;
	_ =	sdelay $0x1  }
0x400: {  	v42 =	vadd.f32 v42, v40;
	_ =	sdelay $0x1  }
0x401: {  	[tilespmem:v43+s20+$0x0] =	vst.idx.msk $0xffff, v42  }
0x402: {  	v42 =	vld [tilespmem:s26+$0x0];
	_ =	sdelay $0x4  }
0x403: {  	v42 =	vsub.f32 v42, v31;
	_ =	sdelay $0x1  }
0x404: {  	v42 =	vmul.f32 v42, v37  }
0x405: {  	v43 =	vor.u32 v6, v41  }
0x406: {  	v42 =	vmul.f32 v42, v39;
	_ =	sdelay $0x1  }
0x407: {  	v42 =	vadd.f32 v42, v40;
	_ =	sdelay $0x1  }
0x408: {  	[tilespmem:v43+s20+$0x0] =	vst.idx.msk $0xffff, v42  }
0x409: {  	v42 =	vld [tilespmem:s26+$0x10];
	_ =	sdelay $0x4  }
0x40a: {  	v42 =	vsub.f32 v42, v34;
	_ =	sdelay $0x1  }
0x40b: {  	v42 =	vmul.f32 v42, v35  }
0x40c: {  	v43 =	vor.u32 v7, v41  }
0x40d: {  	v42 =	vmul.f32 v42, v39;
	_ =	sdelay $0x1  }
0x40e: {  	v42 =	vadd.f32 v42, v40;
	_ =	sdelay $0x1  }
0x40f: {  	[tilespmem:v43+s20+$0x0] =	vst.idx.msk $0xffff, v42  }
0x410: {  	v42 =	vld [tilespmem:s26+$0x20];
	_ =	sdelay $0x4  }
0x411: {  	v42 =	vsub.f32 v42, v33;
	_ =	sdelay $0x1  }
0x412: {  	v42 =	vmul.f32 v42, v30  }
0x413: {  	v43 =	vor.u32 v8, v41  }
0x414: {  	v42 =	vmul.f32 v42, v39;
	_ =	sdelay $0x1  }
0x415: {  	v42 =	vadd.f32 v42, v40;
	_ =	sdelay $0x1  }
0x416: {  	[tilespmem:v43+s20+$0x0] =	vst.idx.msk $0xffff, v42  }
0x417: {  	v42 =	vld [tilespmem:s26+$0x30];
	_ =	sdelay $0x4  }
0x418: {  	v42 =	vsub.f32 v42, v29;
	_ =	sdelay $0x1  }
0x419: {  	v42 =	vmul.f32 v42, v26  }
0x41a: {  	v43 =	vor.u32 v9, v41  }
0x41b: {  	v42 =	vmul.f32 v42, v39;
	_ =	sdelay $0x1  }
0x41c: {  	v42 =	vadd.f32 v42, v40;
	_ =	sdelay $0x1  }
0x41d: {  	[tilespmem:v43+s20+$0x0] =	vst.idx.msk $0xffff, v42  }
0x41e: {  	v42 =	vld [tilespmem:s26+$0x40];
	_ =	sdelay $0x4  }
0x41f: {  	v42 =	vsub.f32 v42, v25;
	_ =	sdelay $0x1  }
0x420: {  	v42 =	vmul.f32 v42, v22  }
0x421: {  	v43 =	vor.u32 v10, v41  }
0x422: {  	v42 =	vmul.f32 v42, v39;
	_ =	sdelay $0x1  }
0x423: {  	v42 =	vadd.f32 v42, v40;
	_ =	sdelay $0x1  }
0x424: {  	[tilespmem:v43+s20+$0x0] =	vst.idx.msk $0xffff, v42  }
0x425: {  	v42 =	vld [tilespmem:s26+$0x50];
	_ =	sdelay $0x4  }
0x426: {  	v42 =	vsub.f32 v42, v21;
	_ =	sdelay $0x1  }
0x427: {  	v42 =	vmul.f32 v42, v18  }
0x428: {  	v43 =	vor.u32 v11, v41  }
0x429: {  	v42 =	vmul.f32 v42, v39;
	_ =	sdelay $0x1  }
0x42a: {  	v42 =	vadd.f32 v42, v40;
	_ =	sdelay $0x1  }
0x42b: {  	[tilespmem:v43+s20+$0x0] =	vst.idx.msk $0xffff, v42  }
0x42c: {  	v42 =	vld [tilespmem:s26+$0x60];
	_ =	sdelay $0x4  }
0x42d: {  	v42 =	vsub.f32 v42, v13;
	_ =	sdelay $0x1  }
0x42e: {  	v43 =	vmul.f32 v42, v38  }
.Ltmp3:
0x42f: {  	v42 =	vor.u32 v12, v41;
	(pc) =	sbr.rel @p0 .LBB2_9-.Ltmp3, $3  }
0x430: {  	v39 =	vmul.f32 v43, v39;
	_ =	sdelay $0x1  }
0x431: {  	v39 =	vadd.f32 v39, v40  }
0x432: {  	v41 =	vmov s29  }
0x433: {  	_ =	sdelay $0x3  }
0x434: {  	[tilespmem:v42+s20+$0x0] =	vst.idx.msk $0xffff, v39;
	s26 =	sadd.s32 $0xD0, s26  }
0x435: {  	v39 =	vld [tilespmem:s26+$0xFFFFFFA0];
	_ =	sdelay $0x3  }
0x436: {  	v40 =	vld.idx.msk [tilespmem:v41+s13+$0x0], $0xffff  }
0x437: {  	v14 =	vsub.f32 v39, v14  }
0x438: {  	v62 =	vld.idx.msk [tilespmem:v41+s14+$0x0], $0xffff  }
0x439: {  	v63 =	vand.u32 $0x3F, v41;
	v14 =	vmul.f32 v14, v17  }
0x43a: {  	v41 =	vor.u32 v0, v63  }
0x43b: {  	v14 =	vmul.f32 v14, v40;
	_ =	sdelay $0x1  }
0x43c: {  	v14 =	vadd.f32 v14, v62;
	_ =	sdelay $0x1  }
0x43d: {  	[tilespmem:v41+s20+$0x0] =	vst.idx.msk $0xffff, v14  }
0x43e: {  	v14 =	vld [tilespmem:s26+$0xFFFFFFB0];
	_ =	sdelay $0x4  }
0x43f: {  	v14 =	vsub.f32 v14, v15;
	_ =	sdelay $0x1  }
0x440: {  	v14 =	vmul.f32 v14, v20  }
0x441: {  	v15 =	vor.u32 v1, v63  }
0x442: {  	v14 =	vmul.f32 v14, v40;
	_ =	sdelay $0x1  }
0x443: {  	v14 =	vadd.f32 v14, v62;
	_ =	sdelay $0x1  }
0x444: {  	[tilespmem:v15+s20+$0x0] =	vst.idx.msk $0xffff, v14  }
0x445: {  	v14 =	vld [tilespmem:s26+$0xFFFFFFC0];
	_ =	sdelay $0x4  }
0x446: {  	v14 =	vsub.f32 v14, v16;
	_ =	sdelay $0x1  }
0x447: {  	v14 =	vmul.f32 v14, v24  }
0x448: {  	v15 =	vor.u32 v2, v63  }
0x449: {  	v14 =	vmul.f32 v14, v40;
	_ =	sdelay $0x1  }
0x44a: {  	v14 =	vadd.f32 v14, v62;
	_ =	sdelay $0x1  }
0x44b: {  	[tilespmem:v15+s20+$0x0] =	vst.idx.msk $0xffff, v14  }
0x44c: {  	v14 =	vld [tilespmem:s26+$0xFFFFFFD0];
	_ =	sdelay $0x4  }
0x44d: {  	v14 =	vsub.f32 v14, v19;
	_ =	sdelay $0x1  }
0x44e: {  	v14 =	vmul.f32 v14, v28  }
0x44f: {  	v15 =	vor.u32 v3, v63  }
0x450: {  	v14 =	vmul.f32 v14, v40;
	_ =	sdelay $0x1  }
0x451: {  	v14 =	vadd.f32 v14, v62;
	_ =	sdelay $0x1  }
0x452: {  	[tilespmem:v15+s20+$0x0] =	vst.idx.msk $0xffff, v14  }
0x453: {  	v14 =	vld [tilespmem:s26+$0xFFFFFFE0];
	_ =	sdelay $0x4  }
0x454: {  	v14 =	vsub.f32 v14, v23;
	_ =	sdelay $0x1  }
0x455: {  	v14 =	vmul.f32 v14, v32  }
0x456: {  	v15 =	vor.u32 v4, v63  }
0x457: {  	v14 =	vmul.f32 v14, v40;
	_ =	sdelay $0x1  }
0x458: {  	v14 =	vadd.f32 v14, v62;
	_ =	sdelay $0x1  }
0x459: {  	[tilespmem:v15+s20+$0x0] =	vst.idx.msk $0xffff, v14  }
0x45a: {  	v14 =	vld [tilespmem:s26+$0xFFFFFFF0];
	_ =	sdelay $0x4  }
0x45b: {  	v14 =	vsub.f32 v14, v27;
	_ =	sdelay $0x1  }
0x45c: {  	v14 =	vmul.f32 v14, v36  }
0x45d: {  	v15 =	vor.u32 v5, v63  }
0x45e: {  	v14 =	vmul.f32 v14, v40;
	_ =	sdelay $0x1  }
0x45f: {  	v14 =	vadd.f32 v14, v62;
	_ =	sdelay $0x1  }
0x460: {  	[tilespmem:v15+s20+$0x0] =	vst.idx.msk $0xffff, v14  }
0x461: {  	v14 =	vld [tilespmem:s26+$0x0];
	_ =	sdelay $0x4  }
0x462: {  	v14 =	vsub.f32 v14, v31;
	_ =	sdelay $0x1  }
0x463: {  	v14 =	vmul.f32 v14, v37  }
0x464: {  	v15 =	vor.u32 v6, v63  }
0x465: {  	v14 =	vmul.f32 v14, v40;
	_ =	sdelay $0x1  }
0x466: {  	v14 =	vadd.f32 v14, v62;
	_ =	sdelay $0x1  }
0x467: {  	[tilespmem:v15+s20+$0x0] =	vst.idx.msk $0xffff, v14  }
0x468: {  	v14 =	vld [tilespmem:s26+$0x10];
	_ =	sdelay $0x4  }
0x469: {  	v14 =	vsub.f32 v14, v34;
	_ =	sdelay $0x1  }
0x46a: {  	v14 =	vmul.f32 v14, v35  }
0x46b: {  	v15 =	vor.u32 v7, v63  }
0x46c: {  	v14 =	vmul.f32 v14, v40;
	_ =	sdelay $0x1  }
0x46d: {  	v14 =	vadd.f32 v14, v62;
	_ =	sdelay $0x1  }
0x46e: {  	[tilespmem:v15+s20+$0x0] =	vst.idx.msk $0xffff, v14  }
0x46f: {  	v14 =	vld [tilespmem:s26+$0x20];
	_ =	sdelay $0x4  }
0x470: {  	v14 =	vsub.f32 v14, v33;
	_ =	sdelay $0x1  }
0x471: {  	v14 =	vmul.f32 v14, v30  }
0x472: {  	v15 =	vor.u32 v8, v63  }
0x473: {  	v14 =	vmul.f32 v14, v40;
	_ =	sdelay $0x1  }
0x474: {  	v14 =	vadd.f32 v14, v62;
	_ =	sdelay $0x1  }
0x475: {  	[tilespmem:v15+s20+$0x0] =	vst.idx.msk $0xffff, v14  }
0x476: {  	v14 =	vld [tilespmem:s26+$0x30];
	_ =	sdelay $0x4  }
0x477: {  	v14 =	vsub.f32 v14, v29;
	_ =	sdelay $0x1  }
0x478: {  	v14 =	vmul.f32 v14, v26  }
0x479: {  	v15 =	vor.u32 v9, v63  }
0x47a: {  	v14 =	vmul.f32 v14, v40;
	_ =	sdelay $0x1  }
0x47b: {  	v14 =	vadd.f32 v14, v62;
	_ =	sdelay $0x1  }
0x47c: {  	[tilespmem:v15+s20+$0x0] =	vst.idx.msk $0xffff, v14  }
0x47d: {  	v14 =	vld [tilespmem:s26+$0x40];
	_ =	sdelay $0x4  }
0x47e: {  	v14 =	vsub.f32 v14, v25;
	_ =	sdelay $0x1  }
0x47f: {  	v14 =	vmul.f32 v14, v22  }
0x480: {  	v15 =	vor.u32 v10, v63  }
0x481: {  	v14 =	vmul.f32 v14, v40;
	_ =	sdelay $0x1  }
0x482: {  	v14 =	vadd.f32 v14, v62;
	_ =	sdelay $0x1  }
0x483: {  	[tilespmem:v15+s20+$0x0] =	vst.idx.msk $0xffff, v14  }
0x484: {  	v14 =	vld [tilespmem:s26+$0x50];
	_ =	sdelay $0x4  }
0x485: {  	v14 =	vsub.f32 v14, v21;
	_ =	sdelay $0x1  }
0x486: {  	v14 =	vmul.f32 v14, v18  }
0x487: {  	v15 =	vor.u32 v11, v63  }
0x488: {  	v14 =	vmul.f32 v14, v40;
	_ =	sdelay $0x1  }
0x489: {  	v14 =	vadd.f32 v14, v62;
	_ =	sdelay $0x1  }
0x48a: {  	[tilespmem:v15+s20+$0x0] =	vst.idx.msk $0xffff, v14  }
0x48b: {  	v14 =	vld [tilespmem:s26+$0x60];
	_ =	sdelay $0x4  }
0x48c: {  	v13 =	vsub.f32 v14, v13;
	_ =	sdelay $0x1  }
0x48d: {  	v13 =	vmul.f32 v13, v38  }
0x48e: {  	s24 =	sadd.s32 $0x1, s24;
	v14 =	vor.u32 v12, v63  }
0x48f: {  	p0 =	sne.s32 s24, $0x40;
	v13 =	vmul.f32 v13, v40  }
.Ltmp4:
0x490: {  	s25 =	sadd.s32 s5, s25;
	(pc) =	sbr.rel @p0 .LBB2_2-.Ltmp4, $4  }
0x491: {  	s25 =	sshll.u32 s25, $0x3;
	v13 =	vadd.f32 v13, v62  }
0x492: {  	s25 =	sand.u32 $0x1FFFFFC0, s25  }
0x493: {  	s25 =	sadd.s32 s4, s25;
	[tilespmem:v14+s20+$0x0] =	vst.idx.msk $0xffff, v13  }
0x494: {  	[hbm4b:s25+s6] =	stream.linear.scatter [tilespmem:s20], [sflag:$0x2], $0x3200, $0x38;
	[tilespmem:$0x12E80] =	vst v63  }
0x495: {  	s23 =	sadd.s32 $0x1, s23  }
0x496: {  	p0 =	sne.s32 s23, s10  }
.Ltmp5:
0x497: {  	_ = 	snop;
	(pc) =	sbr.rel @p0 .LBB2_1-.Ltmp5, $4  }
0x498: {  	_ = 	snop  }
0x499: {  	_ =	swait.ge [sflag:s22], $0x3200  }
0x49a: {  	[sflag:s22] =	ssyncset.done $0x0  }
0x49b: {  	[sflag:s22] =	ssyncadd.s32 $0xFFFFCE00  }
0x49c: {  	_ =	sfence.sel $0x180000  }
0x49d: {  	[bflag:$0x0] =	sbarrier.arrive $0xFFFF  }
0x49e: {  	p0 =	sne.s32 s0, $0x0;
	_ =	strace $0x90000047  }
0x49f: {  	s0 =	sadd.s32 @!p0 $0x100000, s2;
	[bflag:$0x2] =	sbarrier.arrive $0xFFFF  }
0x4a0: {  	[sflag:s0] =	ssyncadd.tile.s32 @!p0 $0x1;
	_ =	shalt  }
.Lfunc_end2:
_tile_overlayer_lowered:
.L_overlay_start_2:
0x4a1: {  	(tag) =	ssettag $0x2  }
0x4a2: {  	s0 =	rddreg [dreg:$0x0];
	s2 =	stileid.u32  }
0x4a3: {  	s1 =	rddreg [dreg:$0x1];
	p0 =	sne.s32 s2, $0x0  }
0x4a4: {  	s3 =	rddreg [dreg:$0x2];
	[bflag:$0x3] =	sbarrier.arrive $0xFFFF;
	s2 =	simm.s32 @!p0 $0x1C03  }
0x4a5: {  	[timem:s3], [sflag:s2] =	dma.local @!p0 [hbm:s0], s1  }
0x4a6: {  	s0 =	simm.s32 @!p0 $0x3  }
0x4a7: {  	_ =	swait.ge @!p0 [sflag:s0], s1  }
0x4a8: {  	s1 =	ssub.s32 @!p0 $0x0, s1;
	[sflag:s0] =	ssyncset.done @!p0 $0x0  }
0x4a9: {  	[sflag:s0] =	ssyncadd.s32 @!p0 s1  }
0x4aa: {  	[bflag:$0x3] =	sbarrier.arrive $0xFFFF  }
0x4ab: {  	_ =	shalt  }

// kernel: sparse-core-data-format-call.cloned.1.call-start
scs
called_computation_lowered:
.L_overlay_start_0:
0x0: {  	s2 =	sld [smem:$0x3FD9]  }
0x1: {  	s3 =	sld [smem:$0x3FFE];
	_ =	sdelay $0x1  }
0x2: {  	s1 =	srdreg.scid  }
0x3: {  	s0 =	sand.u32 $0x1, s1  }
0x4: {  	s18 =	sshll.u32 s0, $0xA;
	s2 =	sadd.s32 s3, s2  }
0x5: {  	s2 =	sadd.s32 s2, s18  }
0x6: {  	[smem:$0x3FC3] =	sst s2  }
0x7: {  	_ = 	snop  }
0x8: {  	s2 =	sld [smem:$0x3FD0];
	(tm) =	ssettm $0x1  }
0x9: {  	s19 =	sld [smem:$0x3FFB];
	_ =	sdelay $0x3  }
0xa: {  	_ =	strace s19  }
0xb: {  	s3 =	sld [smem:$0x3FFC];
	_ =	sdelay $0x3  }
0xc: {  	_ =	strace s3  }
0xd: {  	s3 =	sld [smem:$0x3FFD];
	_ =	sdelay $0x3  }
0xe: {  	_ =	strace s3  }
0xf: {  	_ =	strace $0x8FFFFFFF  }
0x10: {  	s20 =	sld [smem:$0x3FDB];
	_ =	sdelay $0x1  }
0x11: {  	s4 =	simm.s32 $_scs_section_size  }
0x12: {  	s5 =	simm.s32 $_size__tile_overlayer_lowered;
	s6 =	simm.s32 $_tile_overlayer_lowered  }
0x13: {  	s23 =	simm.s32 $0x1BFF;
	s22 =	sshll.u32 s6, $0x1;
	s3 =	sadd.s32 s4, s20  }
0x14: {  	s7 =	simm.s32 $0x0;
	s21 =	sshll.u32 s5, $0x1;
	s5 =	sadd.s32 s22, s3  }
0x15: {  	[timem:s7], [sflag:s23] =	dma.local [hbm:s5], s21  }
0x16: {  	_ =	swait.ge [sflag:s23], s21  }
0x17: {  	s4 =	ssub.s32 $0x0, s21;
	[sflag:s23] =	ssyncset.done $0x0  }
0x18: {  	[sflag:s23] =	ssyncadd.s32 s4;
	_ =	sdelay $0x1  }
0x19: {  	s24 =	simm.s32 $0x1B8B  }
0x1a: {  	_ =	swait.ge [sflag:s24], $0x1  }
0x1b: {  	[sflag:s24] =	ssyncset.done $0x0  }
0x1c: {  	s26 =	simm.s32 $0x1B8E;
	s25 =	sld [smem:$0x3FFE];
	[sflag:s24] =	ssyncadd.s32 $0xFFFFFFFF  }
0x1d: {  	s27 =	simm.s32 $execute0_lowered;
	[smem:$0x3FD2] =	sst s26  }
0x1e: {  	s5 =	sshll.u32 s27, $0x1;
	_ =	strace $0x80000049;
	[dreg:$0x1] =	wrdreg $0xFFFFFFFF  }
0x1f: {  	s28 =	simm.s32 $_size_execute0_lowered;
	s3 =	sadd.s32 s3, s5;
	[dreg:$0x0] =	wrdreg $0x0  }
0x20: {  	s5 =	sshll.u32 s28, $0x1;
	[dreg:$0x2] =	wrdreg s3  }
0x21: {  	[dreg:$0x3] =	wrdreg s5  }
0x22: {  	[dreg:$0x4] =	wrdreg $0xC0  }
0x23: {  	_ =	task [dreg:s7], $0x5FFFF  }
0x24: {  	[dreg:$0x1] =	wrdreg $0xFFFFFFFF  }
0x25: {  	[dreg:$0x0] =	wrdreg $0x60  }
0x26: {  	[dreg:$0x2] =	wrdreg s25  }
0x27: {  	[dreg:$0x3] =	wrdreg s2  }
0x28: {  	[dreg:$0x4] =	wrdreg $0x9  }
0x29: {  	_ =	task.clear_ibuf [dreg:s7], $0x5FFFF;
	_ =	strace $0x90000049  }
0x2a: {  	s29 =	simm.s32 $0x9;
	_ =	strace $0x8000004B  }
0x2b: {  	_ =	swait.ge [sflag:s29], $0x1  }
0x2c: {  	[sflag:s29] =	ssyncadd.s32 $0xFFFFFFFF  }
0x2d: {  	_ =	strace $0x9000004B  }
0x2e: {  	_ =	sfence  }
0x2f: {  	s30 =	sld [smem:$0x0];
	_ =	sdelay $0x2  }
0x30: {  	s31 =	sshll.u32 s1, $0xD;
	s1 =	sshrl.u32 s1, $0x2  }
0x31: {  	s3 =	sand.u32 $0x4000, s31;
	s1 =	sadd.s32 s1, s30  }
0x32: {  	s0 =	sor.u32 s3, s0;
	s1 =	sshll.u32 s1, $0x11  }
0x33: {  	s0 =	sor.u32 s1, s0  }
0x34: {  	s0 =	sadd.s32 $0x8F2B, s0  }
0x35: {  	[sflag:s0] =	ssyncadd.remote.s32 $0x1  }
0x36: {  	_ =	sfence.sel $0xFFFF  }
0x37: {  	[dreg:$0x0] =	wrdreg $0xFFFFFFFF;
	(pc) =	sbr.abs _section_cstart, $3  }
0x38: {  	[dreg:$0x1] =	wrdreg $0xFFFFFFFF  }
0x39: {  	_ =	task.clear_ibuf [dreg:s7], $0x2FFFF;
	_ =	strace $0x9FFFFFFF  }
0x3a: {  	(tm) =	ssettm $0x7FFFFFFF  }
0x3b: {  	_ =	shalt  }
tec
execute0_lowered:
.L_overlay_start_1:
0x0: {  	(tag) =	ssettag $0x1  }
0x1: {  	s0 =	srdreg.scid  }
0x2: {  	s1 =	sshll.u32 s0, $0x4  }
0x3: {  	s0 =	stileid.u32;
	s1 =	sand.u32 $0x10, s1  }
0x4: {  	s1 =	sor.u32 s0, s1  }
0x5: {  	s6 =	rddreg [dreg:$0x0];
	s4 =	simm.s32 $0x1;
	s2 =	sshll.u32 s1, $0x7  }
0x6: {  	s7 =	simm.s32 $0x2;
	s12 =	simm.s32 $0x0;
	s1 =	ssub.s32 $0x1000, s2  }
0x7: {  	s8 =	simm.s32 $0x8000;
	s13 =	simm.s32 $0x0;
	s3 =	sand.u32 $0xF80, s1  }
0x8: {  	s9 =	simm.s32 $0x0;
	s5 =	sshrl.u32 s1, $0xC;
	p0 =	sne.s32 s3, $0x0  }
.Ltmp0:
0x9: {  	s1 =	rddreg [dreg:$0x2];
	s4 =	simm.s32 @!p0 $0x0;
	(pc) =	sbr.rel .LBB1_1-.Ltmp0, $4  }
0xa: {  	s11 =	simm.s32 $0x0;
	s3 =	rddreg [dreg:$0x1];
	s5 =	sadd.s32 s4, s5  }
0xb: {  	_ =	strace $0x8000004A;
	s4 =	simm.s32 $0x1;
	s5 =	smul.u32 $0xC8, s5  }
0xc: {  	s6 =	sadd.s32 $0x800, s6;
	s10 =	smov.u32 s2;
	[sflag:s4] =	ssyncpa.u1 $0x0  }
0xd: {  	p0 =	por $0x0, $0x0;
	[sflag:s7] =	ssyncpa.u1 $0x0;
	s7 =	sor.u32 $0x1, s5  }
.LBB1_4:
0xe: {  	s16 =	sshll.u32 s13, $0x3;
	s17 =	sand.u32 $0x78, s13  }
0xf: {  	s30 =	sand.u32 $0x7E00, s13;
	s12 =	sshll.u32 s12, $0xF;
	s16 =	sand.u32 $0xC00, s16  }
0x10: {  	[tilespmem:s15+$0x810 ss:$0x81] =	vst.msk $0xffff, v2;
	s31 =	sand.u32 $0x7, s13;
	s16 =	sor.u32 s17, s16;
	s17 =	sadd.s32 s3, s30  }
0x11: {  	[tilespmem:s15+$0x1020 ss:$0x81] =	vst.msk $0xffff, v0;
	s13 =	sshll.u32 s31, $0x12;
	s12 =	sadd.s32 s12, s17;
	s16 =	sshrl.u32 s16, $0x3  }
0x12: {  	[tilespmem:s15+$0x0 ss:$0x81] =	vst.msk $0xffff, v1;
	s13 =	sor.u32 $0x400, s13;
	s12 =	sadd.s32 s16, s12  }
0x13: {  	[hbm4b:s12+s13] =	stream.strided.scatter [tilespmem:s14], [sflag:$0x2], $0x2000, s8, s13, $0x20;
	[tilespmem:$0x8080] =	vst v63  }
.LBB1_5:
0x14: {  	s14 =	sadd.s32 $0x1, s9  }
0x15: {  	s12 =	sadd.s32 $0x1000, s10;
	s16 =	smov.u32 s10;
	p2 =	sgt.s32 s14, $0xC7  }
0x16: {  	s16 =	smov.u32 @p2 s12  }
0x17: {  	s14 =	simm.s32 @p2 $0x0;
	p2 =	sgt.s32 s16, $0xFFF  }
0x18: {  	s16 =	smov.u32 @p2 s2;
	p2 =	sne.s32 s11, s7  }
.Ltmp1:
0x19: {  	p1 =	slt.u32 s11, $0x2;
	(pc) =	sbr.rel @!p2 .LBB1_6-.Ltmp1, $4  }
0x1a: {  	s15 =	simm.s32 @!p1 $0x2  }
0x1b: {  	s13 =	smov.u32 s10;
	p0 =	por !p0, !p0;
	_ =	swait.ge @!p1 [sflag:s15], $0x2000  }
0x1c: {  	s12 =	smov.u32 s9;
	[sflag:s15] =	ssyncset.done @!p1 $0x0;
	s9 =	smov.u32 s14  }
0x1d: {  	s11 =	sadd.s32 $0x1, s11;
	[sflag:s15] =	ssyncadd.s32 @!p1 $0xFFFFE000;
	s10 =	smov.u32 s16  }
.LBB1_1:
0x1e: {  	p1 =	sge.u32 s11, s5  }
0x1f: {  	s14 =	sand.u32 @!p1 $0x1FFFFFF, s9  }
0x20: {  	s15 =	smulhi.u32 @!p1 $0x147AE15, s14;
	_ =	sdelay $0x1  }
0x21: {  	s15 =	smul.u32 @!p1 $0xC8, s15  }
0x22: {  	s16 =	sxor.u32 @!p1 $0xFFFFFFFF, s11;
	s17 =	smul.u32 @!p1 $0xC80, s10  }
0x23: {  	s31 =	sadd.s32 $0xFFFFFFFF, s11;
	s16 =	sshll.u32 @!p1 s16, $0xD;
	s14 =	ssub.s32 @!p1 s14, s15  }
0x24: {  	s15 =	sand.u32 @!p1 $0x2000, s16;
	s16 =	sadd.s32 @!p1 s6, s17;
	s14 =	sshll.u32 @!p1 s14, $0x4  }
0x25: {  	s17 =	simm.s32 @!p1 $0x6400;
	s14 =	sadd.s32 @!p1 s14, s16;
	s16 =	simm.s32 @!p1 $0x40  }
0x26: {  	[tilespmem:s15], [sflag:$0x1] =	stream.strided.gather @!p1 [hbm4b:s14+s16], $0x2000, s17, s16, $0x38;
	[tilespmem:$0x8080] =	vst v63  }
0x27: {  	p1 =	sge.u32 s31, s5  }
.Ltmp2:
0x28: {  	_ = 	snop;
	(pc) =	sbr.rel @p1 .LBB1_5-.Ltmp2, $1  }
0x29: {  	_ =	sdelay $0x3  }
0x2a: {  	s14 =	simm.s32 $0x1  }
0x2b: {  	_ =	swait.ge [sflag:s4], $0x2000;
	s14 =	simm.s32 @!p0 $0x0  }
0x2c: {  	[sflag:s4] =	ssyncset.done $0x0;
	s15 =	sshll.u32 s14, $0xD  }
0x2d: {  	[sflag:s4] =	ssyncadd.s32 $0xFFFFE000;
	s18 =	sor.u32 $0x20, s15  }
0x2e: {  	s14 =	smul.u32 $0x8100, s14;
	v3 =	vld [tilespmem:s18+$0x10]  }
0x2f: {  	s30 =	sand.u32 $0x1, s11;
	v2 =	vld [tilespmem:s18+$0xFFFFFFF0]  }
0x30: {  	s15 =	smul.u32 $0x8100, s30;
	s14 =	sshrl.u32 s14, $0x2;
	v0 =	vld [tilespmem:s18+$0x0]  }
0x31: {  	v1 =	vld [tilespmem:s18+$0xFFFFFFE0];
	s16 =	sor.u32 $0x4000, s14  }
0x32: {  	s31 =	sshrl.u32 s15, $0x2;
	s15 =	sadd.s32 $0x0, s16  }
0x33: {  	s17 =	simm.s32 $0x4;
	s18 =	sadd.s32 $0x40, s18;
	s14 =	sor.u32 $0x4000, s31;
	[tilespmem:s15+$0x1830 ss:$0x81] =	vst.msk $0xffff, v3  }
.LBB1_3:
0x34: {  	v3 =	vld [tilespmem:s18+$0x10];
	p1 =	sne.s32 s17, $0x1FC;
	[tilespmem:s15+$0x810 ss:$0x81] =	vst.msk $0xffff, v2;
	s19 =	smov.u32 s17;
	s17 =	sadd.s32 $0x4, s17  }
.Ltmp3:
0x35: {  	v2 =	vld [tilespmem:s18+$0xFFFFFFF0];
	[tilespmem:s15+$0x1020 ss:$0x81] =	vst.msk $0xffff, v0;
	(pc) =	sbr.rel @p1 .LBB1_3-.Ltmp3, $4  }
0x36: {  	v0 =	vld [tilespmem:s18+$0x0];
	[tilespmem:s15+$0x0 ss:$0x81] =	vst.msk $0xffff, v1  }
0x37: {  	s15 =	sshra.s32 s19, $0x2;
	v1 =	vld [tilespmem:s18+$0xFFFFFFE0]  }
0x38: {  	s15 =	sadd.s32 s15, s16  }
0x39: {  	s18 =	sadd.s32 $0x40, s18;
	[tilespmem:s15+$0x1830 ss:$0x81] =	vst.msk $0xffff, v3  }
.Ltmp4:
0x3a: {  	_ = 	snop;
	(pc) =	sbr.rel .LBB1_4-.Ltmp4, $1  }
0x3b: {  	_ =	sdelay $0x3  }
.LBB1_6:
0x3c: {  	_ =	sfence.sel $0x180000  }
0x3d: {  	s2 =	simm.s32 $0x1;
	[bflag:$0x0] =	sbarrier.arrive $0xFFFF  }
0x3e: {  	s31 =	simm.s32 $0x2;
	[sflag:s2] =	ssyncpa.u1 $0x1  }
0x3f: {  	[sflag:s31] =	ssyncpa.u1 $0x1  }
0x40: {  	p0 =	sne.s32 s0, $0x0;
	_ =	strace $0x9000004A  }
0x41: {  	s0 =	sadd.s32 @!p0 $0x100000, s1;
	[bflag:$0x2] =	sbarrier.arrive $0xFFFF  }
0x42: {  	[sflag:s0] =	ssyncadd.tile.s32 @!p0 $0x1;
	_ =	shalt  }
.Lfunc_end1:
_tile_overlayer_lowered:
.L_overlay_start_2:
0x43: {  	(tag) =	ssettag $0x2  }
0x44: {  	s0 =	rddreg [dreg:$0x0];
	s2 =	stileid.u32  }
0x45: {  	s1 =	rddreg [dreg:$0x1];
	p0 =	sne.s32 s2, $0x0  }
0x46: {  	s3 =	rddreg [dreg:$0x2];
	[bflag:$0x3] =	sbarrier.arrive $0xFFFF;
	s2 =	simm.s32 @!p0 $0x1C01  }
0x47: {  	[timem:s3], [sflag:s2] =	dma.local @!p0 [hbm:s0], s1  }
0x48: {  	s0 =	simm.s32 @!p0 $0x1  }
0x49: {  	_ =	swait.ge @!p0 [sflag:s0], s1  }
0x4a: {  	s1 =	ssub.s32 @!p0 $0x0, s1;
	[sflag:s0] =	ssyncset.done @!p0 $0x0  }
0x4b: {  	[sflag:s0] =	ssyncadd.s32 @!p0 s1  }
0x4c: {  	[bflag:$0x3] =	sbarrier.arrive $0xFFFF  }
0x4d: {  	_ =	shalt  }

</sc_bundles>
